<compile_context>
chip_gen: v7x
topology: tpu7x:2x2x1
jax: 0.10.2.dev20260603
libtpu: 0.0.44.dev20260713+nightly
codegen_flags: <defaults>
</compile_context>

<pallas_src>
import jax
import jax.numpy as jnp
from jax import lax
from jax.experimental import pallas as pl
from jax.experimental.pallas import tpu as pltpu
from jax.experimental.pallas import tpu_sc as plsc

N = 10000
D = 256
E = 160000
DH = 128
NC = 2
NS = 16
NW = NC * NS
KB = 128
NBT = 1280
EPAD = NBT * KB
NBC = NBT // NW
KS = 64
SPB = KB // KS
SH = SPB.bit_length() - 1
NSUB = SPB * NBC
NRING = 4
NP = 10112
RPT = NP // NS
BLK = 1000
CW = 128
F32 = jnp.float32


def _sc_agg_body(hnA, hnB, edges, zrows, PA, PB, *refs):
    src2d, dst2d, dst1 = refs[0], refs[1], refs[2]
    bufs = refs[3:3 + NRING]
    acc = refs[3 + NRING]
    sems = refs[4 + NRING:]
    c = lax.axis_index("c")
    s = lax.axis_index("s")
    base = (s * NC + c) * NBC
    pltpu.sync_copy(edges.at[0, pl.ds(base, NBC)], src2d)
    pltpu.sync_copy(edges.at[1, pl.ds(base, NBC)], dst2d)

    for half in range(2):
        tab = hnA if half == 0 else hnB
        Pout = PA if half == 0 else PB

        pltpu.sync_copy(zrows.at[pl.ds(s * RPT, RPT)],
                        acc.at[pl.ds(s * RPT, RPT)])
        plsc.subcore_barrier()

        for b in range(NRING):
            pltpu.async_copy(
                tab.at[src2d.at[b // SPB, pl.ds((b % SPB) * KS, KS)]],
                bufs[b], sems[b])

        @pl.loop(0, NSUB, step=NRING)
        def _sub(j):
            for b in range(NRING):
                t = j + b
                blk = t >> SH
                off = (t & (SPB - 1)) * KS
                pltpu.make_async_copy(
                    tab.at[src2d.at[blk, pl.ds(off, KS)]],
                    bufs[b], sems[b]).wait()
                for k in range(KS // 16):
                    dst1[pl.ds(k * 16, 16)] = dst2d[blk,
                                                    pl.ds(off + k * 16, 16)]
                pltpu.sync_copy(bufs[b], acc.at[dst1], add=True)

                @pl.when(t + NRING < NSUB)
                def _():
                    tn = t + NRING
                    pltpu.async_copy(
                        tab.at[src2d.at[tn >> SH,
                                        pl.ds((tn & (SPB - 1)) * KS, KS)]],
                        bufs[b], sems[b])

        plsc.subcore_barrier()
        pltpu.sync_copy(acc.at[pl.ds(s * RPT, RPT)],
                        Pout.at[c, pl.ds(s * RPT, RPT)])


_sc_agg = pl.kernel(
    _sc_agg_body,
    out_type=[
        jax.ShapeDtypeStruct((NC, NP, DH), F32),
        jax.ShapeDtypeStruct((NC, NP, DH), F32),
    ],
    mesh=plsc.VectorSubcoreMesh(core_axis_name="c", subcore_axis_name="s"),
    scratch_types=(
        [pltpu.VMEM((NBC, KB), jnp.int32),
         pltpu.VMEM((NBC, KB), jnp.int32),
         pltpu.VMEM((KS,), jnp.int32)]
        + [pltpu.VMEM((KS, DH), F32)] * NRING
        + [pltpu.VMEM_SHARED((NP, DH), F32)]
        + [pltpu.SemaphoreType.DMA] * NRING
    ),
)


def _sc_counts_body(edges, zcnt, ones1, C, dst2d, dst1, onesv, cnt):
    c = lax.axis_index("c")
    s = lax.axis_index("s")
    base = (s * NC + c) * NBC

    pltpu.sync_copy(edges.at[1, pl.ds(base, NBC)], dst2d)
    pltpu.sync_copy(ones1, onesv)
    pltpu.sync_copy(zcnt.at[pl.ds(s * RPT, RPT)],
                    cnt.at[pl.ds(s * RPT, RPT)])
    plsc.subcore_barrier()

    @pl.loop(0, NBC)
    def _blk(j):
        for k in range(KB // 16):
            dst1[pl.ds(k * 16, 16)] = dst2d[j, pl.ds(k * 16, 16)]
        pltpu.sync_copy(onesv, cnt.at[dst1], add=True)

    plsc.subcore_barrier()
    pltpu.sync_copy(cnt.at[pl.ds(s * RPT, RPT)],
                    C.at[c, pl.ds(s * RPT, RPT)])


_sc_counts = pl.kernel(
    _sc_counts_body,
    out_type=[jax.ShapeDtypeStruct((NC, NP, CW), F32)],
    mesh=plsc.VectorSubcoreMesh(core_axis_name="c", subcore_axis_name="s"),
    scratch_types=[
        pltpu.VMEM((NBC, KB), jnp.int32),
        pltpu.VMEM((KB,), jnp.int32),
        pltpu.VMEM((KB, CW), F32),
        pltpu.VMEM_SHARED((NP, CW), F32),
    ],
)


def _dot(a, b):
    return jnp.dot(a, b, preferred_element_type=F32,
                   precision=lax.Precision.HIGHEST)


def _normalize(h):
    n = jnp.sqrt(jnp.sum(h * h, axis=1, keepdims=True))
    return h / jnp.maximum(n, 1e-12)


def _silu(z):
    return z * jax.nn.sigmoid(z)


def _norm_split_body(x_ref, a_ref, b_ref):
    hn = _normalize(x_ref[...])
    a_ref[...] = hn[:, :DH]
    b_ref[...] = hn[:, DH:]


def _sage_update(hin_ref, hnA_ref, hnB_ref, PA_ref, PB_ref, C_ref,
                 Wl_ref, bl_ref, Wr_ref):
    inv = 1.0 / jnp.maximum(C_ref[0, :, :1] + C_ref[1, :, :1], 1.0)
    agg = jnp.concatenate([PA_ref[0] + PA_ref[1],
                           PB_ref[0] + PB_ref[1]], axis=1) * inv
    hn = jnp.concatenate([hnA_ref[...], hnB_ref[...]], axis=1)
    z = _dot(agg, Wl_ref[...]) + bl_ref[...] + _dot(hn, Wr_ref[...])
    return _silu(z) + hin_ref[...]


def _layer_body(hin_ref, hnA_ref, hnB_ref, PA_ref, PB_ref, C_ref,
                Wl_ref, bl_ref, Wr_ref, hout_ref, oA_ref, oB_ref):
    h = _sage_update(hin_ref, hnA_ref, hnB_ref, PA_ref, PB_ref, C_ref,
                     Wl_ref, bl_ref, Wr_ref)
    hout_ref[...] = h
    hn2 = _normalize(h)
    oA_ref[...] = hn2[:, :DH]
    oB_ref[...] = hn2[:, DH:]


def _final_body(hin_ref, hnA_ref, hnB_ref, PA_ref, PB_ref, C_ref,
                Wl_ref, bl_ref, Wr_ref, Wfc_ref, bfc_ref, out_ref):
    h = _sage_update(hin_ref, hnA_ref, hnB_ref, PA_ref, PB_ref, C_ref,
                     Wl_ref, bl_ref, Wr_ref)
    hn2 = _normalize(h)
    g = _silu(_dot(hn2, Wfc_ref[...]) + bfc_ref[...]) + h
    out_ref[...] = _normalize(g)


_row = lambda i: (i, 0)
_part = lambda i: (0, i, 0)
_full2 = lambda i: (0, 0)

_SPEC_HD = pl.BlockSpec((BLK, D), _row)
_SPEC_HH = pl.BlockSpec((BLK, DH), _row)
_SPEC_P = pl.BlockSpec((NC, BLK, DH), _part)
_SPEC_C = pl.BlockSpec((NC, BLK, CW), _part)
_SPEC_W = pl.BlockSpec((D, D), _full2)
_SPEC_B = pl.BlockSpec((1, D), _full2)

_GRID = (N // BLK,)

_norm_split = pl.pallas_call(
    _norm_split_body,
    grid=_GRID,
    in_specs=[_SPEC_HD],
    out_specs=[_SPEC_HH, _SPEC_HH],
    out_shape=[jax.ShapeDtypeStruct((NP, DH), F32)] * 2,
)

_layer = pl.pallas_call(
    _layer_body,
    grid=_GRID,
    in_specs=[_SPEC_HD, _SPEC_HH, _SPEC_HH, _SPEC_P, _SPEC_P, _SPEC_C,
              _SPEC_W, _SPEC_B, _SPEC_W],
    out_specs=[_SPEC_HD, _SPEC_HH, _SPEC_HH],
    out_shape=[jax.ShapeDtypeStruct((N, D), F32),
               jax.ShapeDtypeStruct((NP, DH), F32),
               jax.ShapeDtypeStruct((NP, DH), F32)],
)

_final = pl.pallas_call(
    _final_body,
    grid=_GRID,
    in_specs=[_SPEC_HD, _SPEC_HH, _SPEC_HH, _SPEC_P, _SPEC_P, _SPEC_C,
              _SPEC_W, _SPEC_B, _SPEC_W, _SPEC_W, _SPEC_B],
    out_specs=_SPEC_HD,
    out_shape=jax.ShapeDtypeStruct((N, D), F32),
)


def kernel(x, edge_index, W1l, b1l, W1r, W2l, b2l, W2r, Wfc, bfc):
    e = edge_index.astype(jnp.int32)
    pad = jnp.stack([jnp.full((EPAD - E,), N, jnp.int32),
                     jnp.full((EPAD - E,), NP - 1, jnp.int32)])
    edges = jnp.concatenate([e, pad], axis=1).reshape(2, NBT, KB)
    zrows = jnp.zeros((NP, DH), F32)
    ones1 = jnp.ones((KB, CW), F32)

    hnA, hnB = _norm_split(x)
    (C,) = _sc_counts(edges, zrows, ones1)
    PA1, PB1 = _sc_agg(hnA, hnB, edges, zrows)
    h1, hnA2, hnB2 = _layer(x, hnA, hnB, PA1, PB1, C,
                            W1l, b1l.reshape(1, D), W1r)
    PA2, PB2 = _sc_agg(hnA2, hnB2, edges, zrows)
    return _final(h1, hnA2, hnB2, PA2, PB2, C,
                  W2l, b2l.reshape(1, D), W2r, Wfc, bfc.reshape(1, D))

# --- scband reference (transcript-rebuilt; emitter-appended) ---
"""Pipeline reference for scband-gcn-16234976378912 (READ-ONLY COPY).

The authoritative reference and input builder live on the scoring server;
editing this copy changes nothing except your own understanding.
"""

import jax, jax.numpy as jnp
import numpy as np

N = 10000
E = 160000
D = 256


def _normalize(x, eps=1e-12):
    n = jnp.linalg.norm(x, axis=-1, keepdims=True)
    return x / jnp.maximum(n, eps)


def _sage_conv(x, src, dst, Wl, bl, Wr, num_nodes):
    # PyG SAGEConv (aggr='mean', root_weight=True, bias on lin_l):
    # out = lin_l(mean_{j in N(i)} x_j) + lin_r(x_i)
    msg = x[src]
    agg = jax.ops.segment_sum(msg, dst, num_segments=num_nodes)
    cnt = jax.ops.segment_sum(jnp.ones((dst.shape[0],), dtype=x.dtype), dst, num_segments=num_nodes)
    agg = agg / jnp.maximum(cnt, 1.0)[:, None]
    return agg @ Wl + bl + x @ Wr


def setup_inputs(seed: int = 0) -> dict:
    key = jax.random.key(seed)
    ks = [jax.random.fold_in(key, i) for i in range(12)]
    s = 1.0 / np.sqrt(D)
    x = jax.random.normal(ks[0], (N, D), dtype=jnp.float32)
    edge_index = jax.random.randint(ks[1], (2, E), 0, N)
    W1l = jax.random.normal(ks[2], (D, D), dtype=jnp.float32) * s
    b1l = jax.random.normal(ks[3], (D,), dtype=jnp.float32) * s
    W1r = jax.random.normal(ks[4], (D, D), dtype=jnp.float32) * s
    W2l = jax.random.normal(ks[5], (D, D), dtype=jnp.float32) * s
    b2l = jax.random.normal(ks[6], (D,), dtype=jnp.float32) * s
    W2r = jax.random.normal(ks[7], (D, D), dtype=jnp.float32) * s
    Wfc = jax.random.normal(ks[8], (D, D), dtype=jnp.float32) * s
    bfc = jax.random.normal(ks[9], (D,), dtype=jnp.float32) * s
    return {"x": x, "edge_index": edge_index, "W1l": W1l, "b1l": b1l, "W1r": W1r,
            "W2l": W2l, "b2l": b2l, "W2r": W2r, "Wfc": Wfc, "bfc": bfc}


def reference(x, edge_index, W1l, b1l, W1r, W2l, b2l, W2r, Wfc, bfc):
    src = edge_index[0]
    dst = edge_index[1]
    num_nodes = x.shape[0]

    x_init = x
    h = _normalize(x)
    h = _sage_conv(h, src, dst, W1l, b1l, W1r, num_nodes)
    h = jax.nn.silu(h)
    h = h + x_init

    x_init = h
    h = _normalize(h)
    h = _sage_conv(h, src, dst, W2l, b2l, W2r, num_nodes)
    h = jax.nn.silu(h)
    h = h + x_init

    x_init = h
    h = _normalize(h)
    h = h @ Wfc + bfc
    h = jax.nn.silu(h)
    h = h + x_init

    # dropout p=0 -> no-op
    h = _normalize(h)
    return h

if __name__ == "__main__":
    import jax
    _d = setup_inputs()
    print(jax.jit(kernel)(*tuple(_d.values())))

</pallas_src>

<mosaic_0001>
#map = affine_map<(d0, d1) -> (0, 0)>
#map1 = affine_map<(d0, d1) -> (0, 0, 0)>
module attributes {stable_mosaic.version = 14 : i64} {
  func.func @_sc_agg_body(%arg0: i32, %arg1: i32, %arg2: memref<10112x128xf32, #tpu.memory_space<hbm>>, %arg3: memref<10112x128xf32, #tpu.memory_space<hbm>>, %arg4: memref<2x1280x128xi32, #tpu.memory_space<hbm>>, %arg5: memref<10112x128xf32, #tpu.memory_space<hbm>>, %arg6: memref<2x10112x128xf32, #tpu.memory_space<hbm>>, %arg7: memref<2x10112x128xf32, #tpu.memory_space<hbm>>, %arg8: memref<40x128xi32, #tpu.memory_space<vmem>>, %arg9: memref<40x128xi32, #tpu.memory_space<vmem>>, %arg10: memref<64xi32, #tpu.memory_space<vmem>>, %arg11: memref<64x128xf32, #tpu.memory_space<vmem>>, %arg12: memref<64x128xf32, #tpu.memory_space<vmem>>, %arg13: memref<64x128xf32, #tpu.memory_space<vmem>>, %arg14: memref<64x128xf32, #tpu.memory_space<vmem>>, %arg15: memref<10112x128xf32, #tpu.memory_space<vmem_shared>>, %arg16: memref<!tpu.dma_semaphore, #tpu.memory_space<semaphore_mem>>, %arg17: memref<!tpu.dma_semaphore, #tpu.memory_space<semaphore_mem>>, %arg18: memref<!tpu.dma_semaphore, #tpu.memory_space<semaphore_mem>>, %arg19: memref<!tpu.dma_semaphore, #tpu.memory_space<semaphore_mem>>) attributes {dimension_semantics = [#tpu.dimension_semantics<core_parallel>, #tpu.dimension_semantics<subcore_parallel>], iteration_bounds = array<i64: 2, 16>, scalar_prefetch = 0 : i64, scratch_operands = 12 : i64, tpu.core_type = #tpu.core_type<sc_vector_subcore>, window_params = [{transform_indices = #map}, {transform_indices = #map}, {transform_indices = #map1}, {transform_indices = #map}, {transform_indices = #map1}, {transform_indices = #map1}]} {
    %mul3A = arith.constant 2 : i32
    %mul3A_0 = arith.muli %arg1, %mul3A : i32
    %add3A = arith.addi %mul3A_0, %arg0 : i32
    %mul3A_1 = arith.constant 40 : i32
    %mul3A_2 = arith.muli %add3A, %mul3A_1 : i32
    %run_scoped3A = arith.constant 0 : i32
    "tpu.region"() ({
      %run_scoped3A_87 = tpu.sem_alloc : memref<!tpu.dma_semaphore, #tpu.memory_space<semaphore_mem>>
      %dma_start3A_88 = arith.constant 0 : i32
      %dma_start3A_89 = tpu.memref_slice %arg4[%run_scoped3A, %mul3A_2, %dma_start3A_88] : memref<2x1280x128xi32, #tpu.memory_space<hbm>> -> memref<1x40x128xi32, #tpu.memory_space<hbm>>
      %dma_start3A_90 = tpu.memref_squeeze %dma_start3A_89 : memref<1x40x128xi32, #tpu.memory_space<hbm>> -> memref<40x128xi32, #tpu.memory_space<hbm>>
      %dma_start3A_91 = arith.constant 0 : i32
      %dma_start3A_92 = tpu.memref_slice %arg4[%run_scoped3A, %mul3A_2, %dma_start3A_91] : memref<2x1280x128xi32, #tpu.memory_space<hbm>> -> memref<1x40x128xi32, #tpu.memory_space<hbm>>
      %dma_start3A_93 = tpu.memref_squeeze %dma_start3A_92 : memref<1x40x128xi32, #tpu.memory_space<hbm>> -> memref<40x128xi32, #tpu.memory_space<hbm>>
      tpu.enqueue_dma source(%dma_start3A_93 : memref<40x128xi32, #tpu.memory_space<hbm>>) target(%arg8 : memref<40x128xi32, #tpu.memory_space<vmem>>) target_semaphore(%run_scoped3A_87 : memref<!tpu.dma_semaphore, #tpu.memory_space<semaphore_mem>>)
      %dma_wait3A = arith.constant 0 : i32
      %dma_wait3A_94 = tpu.memref_slice %arg4[%run_scoped3A, %mul3A_2, %dma_wait3A] : memref<2x1280x128xi32, #tpu.memory_space<hbm>> -> memref<1x40x128xi32, #tpu.memory_space<hbm>>
      %dma_wait3A_95 = tpu.memref_squeeze %dma_wait3A_94 : memref<1x40x128xi32, #tpu.memory_space<hbm>> -> memref<40x128xi32, #tpu.memory_space<hbm>>
      %dma_wait3A_96 = arith.constant 0 : i32
      %dma_wait3A_97 = tpu.memref_slice %arg4[%run_scoped3A, %mul3A_2, %dma_wait3A_96] : memref<2x1280x128xi32, #tpu.memory_space<hbm>> -> memref<1x40x128xi32, #tpu.memory_space<hbm>>
      %dma_wait3A_98 = tpu.memref_squeeze %dma_wait3A_97 : memref<1x40x128xi32, #tpu.memory_space<hbm>> -> memref<40x128xi32, #tpu.memory_space<hbm>>
      tpu.wait_dma2 semaphore(%run_scoped3A_87 : memref<!tpu.dma_semaphore, #tpu.memory_space<semaphore_mem>>) src(%dma_wait3A_98 : memref<40x128xi32, #tpu.memory_space<hbm>>) dst(%arg8 : memref<40x128xi32, #tpu.memory_space<vmem>>)
      tpu.yield
    }) : () -> ()
    %run_scoped3A_3 = arith.constant 1 : i32
    "tpu.region"() ({
      %run_scoped3A_87 = tpu.sem_alloc : memref<!tpu.dma_semaphore, #tpu.memory_space<semaphore_mem>>
      %dma_start3A_88 = arith.constant 0 : i32
      %dma_start3A_89 = tpu.memref_slice %arg4[%run_scoped3A_3, %mul3A_2, %dma_start3A_88] : memref<2x1280x128xi32, #tpu.memory_space<hbm>> -> memref<1x40x128xi32, #tpu.memory_space<hbm>>
      %dma_start3A_90 = tpu.memref_squeeze %dma_start3A_89 : memref<1x40x128xi32, #tpu.memory_space<hbm>> -> memref<40x128xi32, #tpu.memory_space<hbm>>
      %dma_start3A_91 = arith.constant 0 : i32
      %dma_start3A_92 = tpu.memref_slice %arg4[%run_scoped3A_3, %mul3A_2, %dma_start3A_91] : memref<2x1280x128xi32, #tpu.memory_space<hbm>> -> memref<1x40x128xi32, #tpu.memory_space<hbm>>
      %dma_start3A_93 = tpu.memref_squeeze %dma_start3A_92 : memref<1x40x128xi32, #tpu.memory_space<hbm>> -> memref<40x128xi32, #tpu.memory_space<hbm>>
      tpu.enqueue_dma source(%dma_start3A_93 : memref<40x128xi32, #tpu.memory_space<hbm>>) target(%arg9 : memref<40x128xi32, #tpu.memory_space<vmem>>) target_semaphore(%run_scoped3A_87 : memref<!tpu.dma_semaphore, #tpu.memory_space<semaphore_mem>>)
      %dma_wait3A = arith.constant 0 : i32
      %dma_wait3A_94 = tpu.memref_slice %arg4[%run_scoped3A_3, %mul3A_2, %dma_wait3A] : memref<2x1280x128xi32, #tpu.memory_space<hbm>> -> memref<1x40x128xi32, #tpu.memory_space<hbm>>
      %dma_wait3A_95 = tpu.memref_squeeze %dma_wait3A_94 : memref<1x40x128xi32, #tpu.memory_space<hbm>> -> memref<40x128xi32, #tpu.memory_space<hbm>>
      %dma_wait3A_96 = arith.constant 0 : i32
      %dma_wait3A_97 = tpu.memref_slice %arg4[%run_scoped3A_3, %mul3A_2, %dma_wait3A_96] : memref<2x1280x128xi32, #tpu.memory_space<hbm>> -> memref<1x40x128xi32, #tpu.memory_space<hbm>>
      %dma_wait3A_98 = tpu.memref_squeeze %dma_wait3A_97 : memref<1x40x128xi32, #tpu.memory_space<hbm>> -> memref<40x128xi32, #tpu.memory_space<hbm>>
      tpu.wait_dma2 semaphore(%run_scoped3A_87 : memref<!tpu.dma_semaphore, #tpu.memory_space<semaphore_mem>>) src(%dma_wait3A_98 : memref<40x128xi32, #tpu.memory_space<hbm>>) dst(%arg9 : memref<40x128xi32, #tpu.memory_space<vmem>>)
      tpu.yield
    }) : () -> ()
    %mul3A_4 = arith.constant 632 : i32
    %mul3A_5 = arith.muli %arg1, %mul3A_4 : i32
    %mul3A_6 = arith.constant 632 : i32
    %mul3A_7 = arith.muli %arg1, %mul3A_6 : i32
    "tpu.region"() ({
      %run_scoped3A_87 = tpu.sem_alloc : memref<!tpu.dma_semaphore, #tpu.memory_space<semaphore_mem>>
      %dma_start3A_88 = arith.constant 0 : i32
      %dma_start3A_89 = tpu.memref_slice %arg15[%mul3A_7, %dma_start3A_88] : memref<10112x128xf32, #tpu.memory_space<vmem_shared>> -> memref<632x128xf32, #tpu.memory_space<vmem_shared>>
      %dma_start3A_90 = arith.constant 0 : i32
      %dma_start3A_91 = tpu.memref_slice %arg5[%mul3A_5, %dma_start3A_90] : memref<10112x128xf32, #tpu.memory_space<hbm>> -> memref<632x128xf32, #tpu.memory_space<hbm>>
      tpu.enqueue_dma source(%dma_start3A_91 : memref<632x128xf32, #tpu.memory_space<hbm>>) target(%dma_start3A_89 : memref<632x128xf32, #tpu.memory_space<vmem_shared>>) target_semaphore(%run_scoped3A_87 : memref<!tpu.dma_semaphore, #tpu.memory_space<semaphore_mem>>)
      %dma_wait3A = arith.constant 0 : i32
      %dma_wait3A_92 = tpu.memref_slice %arg15[%mul3A_7, %dma_wait3A] : memref<10112x128xf32, #tpu.memory_space<vmem_shared>> -> memref<632x128xf32, #tpu.memory_space<vmem_shared>>
      %dma_wait3A_93 = arith.constant 0 : i32
      %dma_wait3A_94 = tpu.memref_slice %arg5[%mul3A_5, %dma_wait3A_93] : memref<10112x128xf32, #tpu.memory_space<hbm>> -> memref<632x128xf32, #tpu.memory_space<hbm>>
      tpu.wait_dma2 semaphore(%run_scoped3A_87 : memref<!tpu.dma_semaphore, #tpu.memory_space<semaphore_mem>>) src(%dma_wait3A_94 : memref<632x128xf32, #tpu.memory_space<hbm>>) dst(%dma_wait3A_92 : memref<632x128xf32, #tpu.memory_space<vmem_shared>>)
      tpu.yield
    }) : () -> ()
    %barrier3A = arith.constant 0 : index
    tpu.barrier barrier_id(%barrier3A)
    %dma_start3A = arith.constant 0 : i32
    %dma_start3A_8 = arith.constant 0 : i32
    %dma_start3A_9 = tpu.memref_slice %arg8[%dma_start3A, %dma_start3A_8] : memref<40x128xi32, #tpu.memory_space<vmem>> -> memref<1x64xi32, #tpu.memory_space<vmem>>
    %dma_start3A_10 = tpu.memref_squeeze %dma_start3A_9 : memref<1x64xi32, #tpu.memory_space<vmem>> -> memref<64xi32, #tpu.memory_space<vmem>>
    %dma_start3A_11 = arith.constant 0 : i32
    %dma_start3A_12 = arith.constant 0 : i32
    %dma_start3A_13 = tpu.memref_slice %arg2[%dma_start3A_11, %dma_start3A_12] : memref<10112x128xf32, #tpu.memory_space<hbm>> -> memref<10112x128xf32, #tpu.memory_space<hbm>>
    tpu.enqueue_indirect_dma source(%dma_start3A_13 : memref<10112x128xf32, #tpu.memory_space<hbm>>) target(%arg11 : memref<64x128xf32, #tpu.memory_space<vmem>>) offsets(%dma_start3A_10 : memref<64xi32, #tpu.memory_space<vmem>>) semaphore(%arg16 : memref<!tpu.dma_semaphore, #tpu.memory_space<semaphore_mem>>)
    %dma_start3A_14 = arith.constant 0 : i32
    %dma_start3A_15 = arith.constant 64 : i32
    %dma_start3A_16 = tpu.memref_slice %arg8[%dma_start3A_14, %dma_start3A_15] : memref<40x128xi32, #tpu.memory_space<vmem>> -> memref<1x64xi32, #tpu.memory_space<vmem>>
    %dma_start3A_17 = tpu.memref_squeeze %dma_start3A_16 : memref<1x64xi32, #tpu.memory_space<vmem>> -> memref<64xi32, #tpu.memory_space<vmem>>
    %dma_start3A_18 = arith.constant 0 : i32
    %dma_start3A_19 = arith.constant 0 : i32
    %dma_start3A_20 = tpu.memref_slice %arg2[%dma_start3A_18, %dma_start3A_19] : memref<10112x128xf32, #tpu.memory_space<hbm>> -> memref<10112x128xf32, #tpu.memory_space<hbm>>
    tpu.enqueue_indirect_dma source(%dma_start3A_20 : memref<10112x128xf32, #tpu.memory_space<hbm>>) target(%arg12 : memref<64x128xf32, #tpu.memory_space<vmem>>) offsets(%dma_start3A_17 : memref<64xi32, #tpu.memory_space<vmem>>) semaphore(%arg17 : memref<!tpu.dma_semaphore, #tpu.memory_space<semaphore_mem>>)
    %dma_start3A_21 = arith.constant 1 : i32
    %dma_start3A_22 = arith.constant 0 : i32
    %dma_start3A_23 = tpu.memref_slice %arg8[%dma_start3A_21, %dma_start3A_22] : memref<40x128xi32, #tpu.memory_space<vmem>> -> memref<1x64xi32, #tpu.memory_space<vmem>>
    %dma_start3A_24 = tpu.memref_squeeze %dma_start3A_23 : memref<1x64xi32, #tpu.memory_space<vmem>> -> memref<64xi32, #tpu.memory_space<vmem>>
    %dma_start3A_25 = arith.constant 0 : i32
    %dma_start3A_26 = arith.constant 0 : i32
    %dma_start3A_27 = tpu.memref_slice %arg2[%dma_start3A_25, %dma_start3A_26] : memref<10112x128xf32, #tpu.memory_space<hbm>> -> memref<10112x128xf32, #tpu.memory_space<hbm>>
    tpu.enqueue_indirect_dma source(%dma_start3A_27 : memref<10112x128xf32, #tpu.memory_space<hbm>>) target(%arg13 : memref<64x128xf32, #tpu.memory_space<vmem>>) offsets(%dma_start3A_24 : memref<64xi32, #tpu.memory_space<vmem>>) semaphore(%arg18 : memref<!tpu.dma_semaphore, #tpu.memory_space<semaphore_mem>>)
    %dma_start3A_28 = arith.constant 1 : i32
    %dma_start3A_29 = arith.constant 64 : i32
    %dma_start3A_30 = tpu.memref_slice %arg8[%dma_start3A_28, %dma_start3A_29] : memref<40x128xi32, #tpu.memory_space<vmem>> -> memref<1x64xi32, #tpu.memory_space<vmem>>
    %dma_start3A_31 = tpu.memref_squeeze %dma_start3A_30 : memref<1x64xi32, #tpu.memory_space<vmem>> -> memref<64xi32, #tpu.memory_space<vmem>>
    %dma_start3A_32 = arith.constant 0 : i32
    %dma_start3A_33 = arith.constant 0 : i32
    %dma_start3A_34 = tpu.memref_slice %arg2[%dma_start3A_32, %dma_start3A_33] : memref<10112x128xf32, #tpu.memory_space<hbm>> -> memref<10112x128xf32, #tpu.memory_space<hbm>>
    tpu.enqueue_indirect_dma source(%dma_start3A_34 : memref<10112x128xf32, #tpu.memory_space<hbm>>) target(%arg14 : memref<64x128xf32, #tpu.memory_space<vmem>>) offsets(%dma_start3A_31 : memref<64xi32, #tpu.memory_space<vmem>>) semaphore(%arg19 : memref<!tpu.dma_semaphore, #tpu.memory_space<semaphore_mem>>)
    %scan3A = arith.constant 0 : i32
    %scan3A_35 = arith.constant 20 : i32
    %scan3A_36 = arith.addi %scan3A, %scan3A_35 : i32
    %scan3A_37 = arith.constant 1 : i32
    scf.for %scan3A_87 = %scan3A to %scan3A_36 step %scan3A_37  : i32 {
      %mul3A_88 = arith.constant 4 : i32
      %mul3A_89 = arith.muli %scan3A_87, %mul3A_88 : i32
      %add3A_90 = arith.constant 0 : i32
      %add3A_91 = arith.addi %add3A_90, %mul3A_89 : i32
      %add3A_92 = arith.constant 0 : i32
      %add3A_93 = arith.addi %add3A_91, %add3A_92 : i32
      %shift_right_arithmetic3A = arith.constant 1 : i32
      %shift_right_arithmetic3A_94 = arith.shrsi %add3A_93, %shift_right_arithmetic3A : i32
      %and3A = arith.constant 1 : i32
      %and3A_95 = arith.andi %add3A_93, %and3A : i32
      %mul3A_96 = arith.constant 64 : i32
      %mul3A_97 = arith.muli %and3A_95, %mul3A_96 : i32
      %dma_wait3A = tpu.memref_slice %arg8[%shift_right_arithmetic3A_94, %mul3A_97] : memref<40x128xi32, #tpu.memory_space<vmem>> -> memref<1x64xi32, #tpu.memory_space<vmem>>
      %dma_wait3A_98 = tpu.memref_squeeze %dma_wait3A : memref<1x64xi32, #tpu.memory_space<vmem>> -> memref<64xi32, #tpu.memory_space<vmem>>
      %dma_wait3A_99 = arith.constant 0 : i32
      %dma_wait3A_100 = arith.constant 0 : i32
      %dma_wait3A_101 = tpu.memref_slice %arg2[%dma_wait3A_99, %dma_wait3A_100] : memref<10112x128xf32, #tpu.memory_space<hbm>> -> memref<10112x128xf32, #tpu.memory_space<hbm>>
      tpu.wait_indirect_dma semaphore(%arg16 : memref<!tpu.dma_semaphore, #tpu.memory_space<semaphore_mem>>) src(%dma_wait3A_101 : memref<10112x128xf32, #tpu.memory_space<hbm>>) dst(%arg11 : memref<64x128xf32, #tpu.memory_space<vmem>>)
      %add3A_102 = arith.constant 0 : i32
      %add3A_103 = arith.addi %mul3A_97, %add3A_102 : i32
      %get3A = arith.index_cast %shift_right_arithmetic3A_94 : i32 to index
      %get3A_104 = arith.index_cast %add3A_103 : i32 to index
      %get3A_105 = tpu.vector_load %arg9[%get3A, %get3A_104] {strides = array<i32>} : memref<40x128xi32, #tpu.memory_space<vmem>>, vector<1x16xi32>,
      %get3A_106 = vector.shape_cast %get3A_105 : vector<1x16xi32> to vector<16xi32>
      %swap3A = arith.constant 0 : index
      %swap3A_107 = tpu.vector_load %arg10[%swap3A] {strides = array<i32>} : memref<64xi32, #tpu.memory_space<vmem>>, vector<16xi32>,
      %swap3A_108 = vector.shape_cast %swap3A_107 : vector<16xi32> to vector<16xi32>
      %swap3A_109 = vector.shape_cast %get3A_106 : vector<16xi32> to vector<16xi32>
      tpu.vector_store %arg10[%swap3A], %swap3A_109 {strides = array<i32>} : memref<64xi32, #tpu.memory_space<vmem>>, vector<16xi32>,
      %add3A_110 = arith.constant 16 : i32
      %add3A_111 = arith.addi %mul3A_97, %add3A_110 : i32
      %get3A_112 = arith.index_cast %shift_right_arithmetic3A_94 : i32 to index
      %get3A_113 = arith.index_cast %add3A_111 : i32 to index
      %get3A_114 = tpu.vector_load %arg9[%get3A_112, %get3A_113] {strides = array<i32>} : memref<40x128xi32, #tpu.memory_space<vmem>>, vector<1x16xi32>,
      %get3A_115 = vector.shape_cast %get3A_114 : vector<1x16xi32> to vector<16xi32>
      %swap3A_116 = arith.constant 16 : index
      %swap3A_117 = tpu.vector_load %arg10[%swap3A_116] {strides = array<i32>} : memref<64xi32, #tpu.memory_space<vmem>>, vector<16xi32>,
      %swap3A_118 = vector.shape_cast %swap3A_117 : vector<16xi32> to vector<16xi32>
      %swap3A_119 = vector.shape_cast %get3A_115 : vector<16xi32> to vector<16xi32>
      tpu.vector_store %arg10[%swap3A_116], %swap3A_119 {strides = array<i32>} : memref<64xi32, #tpu.memory_space<vmem>>, vector<16xi32>,
      %add3A_120 = arith.constant 32 : i32
      %add3A_121 = arith.addi %mul3A_97, %add3A_120 : i32
      %get3A_122 = arith.index_cast %shift_right_arithmetic3A_94 : i32 to index
      %get3A_123 = arith.index_cast %add3A_121 : i32 to index
      %get3A_124 = tpu.vector_load %arg9[%get3A_122, %get3A_123] {strides = array<i32>} : memref<40x128xi32, #tpu.memory_space<vmem>>, vector<1x16xi32>,
      %get3A_125 = vector.shape_cast %get3A_124 : vector<1x16xi32> to vector<16xi32>
      %swap3A_126 = arith.constant 32 : index
      %swap3A_127 = tpu.vector_load %arg10[%swap3A_126] {strides = array<i32>} : memref<64xi32, #tpu.memory_space<vmem>>, vector<16xi32>,
      %swap3A_128 = vector.shape_cast %swap3A_127 : vector<16xi32> to vector<16xi32>
      %swap3A_129 = vector.shape_cast %get3A_125 : vector<16xi32> to vector<16xi32>
      tpu.vector_store %arg10[%swap3A_126], %swap3A_129 {strides = array<i32>} : memref<64xi32, #tpu.memory_space<vmem>>, vector<16xi32>,
      %add3A_130 = arith.constant 48 : i32
      %add3A_131 = arith.addi %mul3A_97, %add3A_130 : i32
      %get3A_132 = arith.index_cast %shift_right_arithmetic3A_94 : i32 to index
      %get3A_133 = arith.index_cast %add3A_131 : i32 to index
      %get3A_134 = tpu.vector_load %arg9[%get3A_132, %get3A_133] {strides = array<i32>} : memref<40x128xi32, #tpu.memory_space<vmem>>, vector<1x16xi32>,
      %get3A_135 = vector.shape_cast %get3A_134 : vector<1x16xi32> to vector<16xi32>
      %swap3A_136 = arith.constant 48 : index
      %swap3A_137 = tpu.vector_load %arg10[%swap3A_136] {strides = array<i32>} : memref<64xi32, #tpu.memory_space<vmem>>, vector<16xi32>,
      %swap3A_138 = vector.shape_cast %swap3A_137 : vector<16xi32> to vector<16xi32>
      %swap3A_139 = vector.shape_cast %get3A_135 : vector<16xi32> to vector<16xi32>
      tpu.vector_store %arg10[%swap3A_136], %swap3A_139 {strides = array<i32>} : memref<64xi32, #tpu.memory_space<vmem>>, vector<16xi32>,
      "tpu.region"() ({
        %run_scoped3A_324 = tpu.sem_alloc : memref<!tpu.dma_semaphore, #tpu.memory_space<semaphore_mem>>
        %dma_start3A_325 = arith.constant 0 : i32
        %dma_start3A_326 = arith.constant 0 : i32
        %dma_start3A_327 = tpu.memref_slice %arg15[%dma_start3A_325, %dma_start3A_326] : memref<10112x128xf32, #tpu.memory_space<vmem_shared>> -> memref<10112x128xf32, #tpu.memory_space<vmem_shared>>
        tpu.enqueue_indirect_dma source(%arg11 : memref<64x128xf32, #tpu.memory_space<vmem>>) target(%dma_start3A_327 : memref<10112x128xf32, #tpu.memory_space<vmem_shared>>) offsets(%arg10 : memref<64xi32, #tpu.memory_space<vmem>>) semaphore(%run_scoped3A_324 : memref<!tpu.dma_semaphore, #tpu.memory_space<semaphore_mem>>) {add = true}
        %dma_wait3A_328 = arith.constant 0 : i32
        %dma_wait3A_329 = arith.constant 0 : i32
        %dma_wait3A_330 = tpu.memref_slice %arg15[%dma_wait3A_328, %dma_wait3A_329] : memref<10112x128xf32, #tpu.memory_space<vmem_shared>> -> memref<10112x128xf32, #tpu.memory_space<vmem_shared>>
        tpu.wait_indirect_dma semaphore(%run_scoped3A_324 : memref<!tpu.dma_semaphore, #tpu.memory_space<semaphore_mem>>) src(%arg11 : memref<64x128xf32, #tpu.memory_space<vmem>>) dst(%dma_wait3A_330 : memref<10112x128xf32, #tpu.memory_space<vmem_shared>>)
        tpu.yield
      }) : () -> ()
      %add3A_140 = arith.constant 4 : i32
      %add3A_141 = arith.addi %add3A_93, %add3A_140 : i32
      %lt3A = arith.constant 80 : i32
      %lt3A_142 = arith.cmpi slt, %add3A_141, %lt3A : i32
      %convert_element_type3A = arith.extui %lt3A_142 : i1 to i32
      %cond3A = arith.constant 0 : i32
      %cond3A_143 = arith.cmpi ne, %convert_element_type3A, %cond3A : i32
      scf.if %cond3A_143 {
        %add3A_324 = arith.constant 4 : i32
        %add3A_325 = arith.addi %add3A_93, %add3A_324 : i32
        %shift_right_arithmetic3A_326 = arith.constant 1 : i32
        %shift_right_arithmetic3A_327 = arith.shrsi %add3A_325, %shift_right_arithmetic3A_326 : i32
        %and3A_328 = arith.constant 1 : i32
        %and3A_329 = arith.andi %add3A_325, %and3A_328 : i32
        %mul3A_330 = arith.constant 64 : i32
        %mul3A_331 = arith.muli %and3A_329, %mul3A_330 : i32
        %dma_start3A_332 = tpu.memref_slice %arg8[%shift_right_arithmetic3A_327, %mul3A_331] : memref<40x128xi32, #tpu.memory_space<vmem>> -> memref<1x64xi32, #tpu.memory_space<vmem>>
        %dma_start3A_333 = tpu.memref_squeeze %dma_start3A_332 : memref<1x64xi32, #tpu.memory_space<vmem>> -> memref<64xi32, #tpu.memory_space<vmem>>
        %dma_start3A_334 = arith.constant 0 : i32
        %dma_start3A_335 = arith.constant 0 : i32
        %dma_start3A_336 = tpu.memref_slice %arg2[%dma_start3A_334, %dma_start3A_335] : memref<10112x128xf32, #tpu.memory_space<hbm>> -> memref<10112x128xf32, #tpu.memory_space<hbm>>
        tpu.enqueue_indirect_dma source(%dma_start3A_336 : memref<10112x128xf32, #tpu.memory_space<hbm>>) target(%arg11 : memref<64x128xf32, #tpu.memory_space<vmem>>) offsets(%dma_start3A_333 : memref<64xi32, #tpu.memory_space<vmem>>) semaphore(%arg16 : memref<!tpu.dma_semaphore, #tpu.memory_space<semaphore_mem>>)
      } else {
      }
      %add3A_144 = arith.constant 1 : i32
      %add3A_145 = arith.addi %add3A_91, %add3A_144 : i32
      %shift_right_arithmetic3A_146 = arith.constant 1 : i32
      %shift_right_arithmetic3A_147 = arith.shrsi %add3A_145, %shift_right_arithmetic3A_146 : i32
      %and3A_148 = arith.constant 1 : i32
      %and3A_149 = arith.andi %add3A_145, %and3A_148 : i32
      %mul3A_150 = arith.constant 64 : i32
      %mul3A_151 = arith.muli %and3A_149, %mul3A_150 : i32
      %dma_wait3A_152 = tpu.memref_slice %arg8[%shift_right_arithmetic3A_147, %mul3A_151] : memref<40x128xi32, #tpu.memory_space<vmem>> -> memref<1x64xi32, #tpu.memory_space<vmem>>
      %dma_wait3A_153 = tpu.memref_squeeze %dma_wait3A_152 : memref<1x64xi32, #tpu.memory_space<vmem>> -> memref<64xi32, #tpu.memory_space<vmem>>
      %dma_wait3A_154 = arith.constant 0 : i32
      %dma_wait3A_155 = arith.constant 0 : i32
      %dma_wait3A_156 = tpu.memref_slice %arg2[%dma_wait3A_154, %dma_wait3A_155] : memref<10112x128xf32, #tpu.memory_space<hbm>> -> memref<10112x128xf32, #tpu.memory_space<hbm>>
      tpu.wait_indirect_dma semaphore(%arg17 : memref<!tpu.dma_semaphore, #tpu.memory_space<semaphore_mem>>) src(%dma_wait3A_156 : memref<10112x128xf32, #tpu.memory_space<hbm>>) dst(%arg12 : memref<64x128xf32, #tpu.memory_space<vmem>>)
      %add3A_157 = arith.constant 0 : i32
      %add3A_158 = arith.addi %mul3A_151, %add3A_157 : i32
      %get3A_159 = arith.index_cast %shift_right_arithmetic3A_147 : i32 to index
      %get3A_160 = arith.index_cast %add3A_158 : i32 to index
      %get3A_161 = tpu.vector_load %arg9[%get3A_159, %get3A_160] {strides = array<i32>} : memref<40x128xi32, #tpu.memory_space<vmem>>, vector<1x16xi32>,
      %get3A_162 = vector.shape_cast %get3A_161 : vector<1x16xi32> to vector<16xi32>
      %swap3A_163 = arith.constant 0 : index
      %swap3A_164 = tpu.vector_load %arg10[%swap3A_163] {strides = array<i32>} : memref<64xi32, #tpu.memory_space<vmem>>, vector<16xi32>,
      %swap3A_165 = vector.shape_cast %swap3A_164 : vector<16xi32> to vector<16xi32>
      %swap3A_166 = vector.shape_cast %get3A_162 : vector<16xi32> to vector<16xi32>
      tpu.vector_store %arg10[%swap3A_163], %swap3A_166 {strides = array<i32>} : memref<64xi32, #tpu.memory_space<vmem>>, vector<16xi32>,
      %add3A_167 = arith.constant 16 : i32
      %add3A_168 = arith.addi %mul3A_151, %add3A_167 : i32
      %get3A_169 = arith.index_cast %shift_right_arithmetic3A_147 : i32 to index
      %get3A_170 = arith.index_cast %add3A_168 : i32 to index
      %get3A_171 = tpu.vector_load %arg9[%get3A_169, %get3A_170] {strides = array<i32>} : memref<40x128xi32, #tpu.memory_space<vmem>>, vector<1x16xi32>,
      %get3A_172 = vector.shape_cast %get3A_171 : vector<1x16xi32> to vector<16xi32>
      %swap3A_173 = arith.constant 16 : index
      %swap3A_174 = tpu.vector_load %arg10[%swap3A_173] {strides = array<i32>} : memref<64xi32, #tpu.memory_space<vmem>>, vector<16xi32>,
      %swap3A_175 = vector.shape_cast %swap3A_174 : vector<16xi32> to vector<16xi32>
      %swap3A_176 = vector.shape_cast %get3A_172 : vector<16xi32> to vector<16xi32>
      tpu.vector_store %arg10[%swap3A_173], %swap3A_176 {strides = array<i32>} : memref<64xi32, #tpu.memory_space<vmem>>, vector<16xi32>,
      %add3A_177 = arith.constant 32 : i32
      %add3A_178 = arith.addi %mul3A_151, %add3A_177 : i32
      %get3A_179 = arith.index_cast %shift_right_arithmetic3A_147 : i32 to index
      %get3A_180 = arith.index_cast %add3A_178 : i32 to index
      %get3A_181 = tpu.vector_load %arg9[%get3A_179, %get3A_180] {strides = array<i32>} : memref<40x128xi32, #tpu.memory_space<vmem>>, vector<1x16xi32>,
      %get3A_182 = vector.shape_cast %get3A_181 : vector<1x16xi32> to vector<16xi32>
      %swap3A_183 = arith.constant 32 : index
      %swap3A_184 = tpu.vector_load %arg10[%swap3A_183] {strides = array<i32>} : memref<64xi32, #tpu.memory_space<vmem>>, vector<16xi32>,
      %swap3A_185 = vector.shape_cast %swap3A_184 : vector<16xi32> to vector<16xi32>
      %swap3A_186 = vector.shape_cast %get3A_182 : vector<16xi32> to vector<16xi32>
      tpu.vector_store %arg10[%swap3A_183], %swap3A_186 {strides = array<i32>} : memref<64xi32, #tpu.memory_space<vmem>>, vector<16xi32>,
      %add3A_187 = arith.constant 48 : i32
      %add3A_188 = arith.addi %mul3A_151, %add3A_187 : i32
      %get3A_189 = arith.index_cast %shift_right_arithmetic3A_147 : i32 to index
      %get3A_190 = arith.index_cast %add3A_188 : i32 to index
      %get3A_191 = tpu.vector_load %arg9[%get3A_189, %get3A_190] {strides = array<i32>} : memref<40x128xi32, #tpu.memory_space<vmem>>, vector<1x16xi32>,
      %get3A_192 = vector.shape_cast %get3A_191 : vector<1x16xi32> to vector<16xi32>
      %swap3A_193 = arith.constant 48 : index
      %swap3A_194 = tpu.vector_load %arg10[%swap3A_193] {strides = array<i32>} : memref<64xi32, #tpu.memory_space<vmem>>, vector<16xi32>,
      %swap3A_195 = vector.shape_cast %swap3A_194 : vector<16xi32> to vector<16xi32>
      %swap3A_196 = vector.shape_cast %get3A_192 : vector<16xi32> to vector<16xi32>
      tpu.vector_store %arg10[%swap3A_193], %swap3A_196 {strides = array<i32>} : memref<64xi32, #tpu.memory_space<vmem>>, vector<16xi32>,
      "tpu.region"() ({
        %run_scoped3A_324 = tpu.sem_alloc : memref<!tpu.dma_semaphore, #tpu.memory_space<semaphore_mem>>
        %dma_start3A_325 = arith.constant 0 : i32
        %dma_start3A_326 = arith.constant 0 : i32
        %dma_start3A_327 = tpu.memref_slice %arg15[%dma_start3A_325, %dma_start3A_326] : memref<10112x128xf32, #tpu.memory_space<vmem_shared>> -> memref<10112x128xf32, #tpu.memory_space<vmem_shared>>
        tpu.enqueue_indirect_dma source(%arg12 : memref<64x128xf32, #tpu.memory_space<vmem>>) target(%dma_start3A_327 : memref<10112x128xf32, #tpu.memory_space<vmem_shared>>) offsets(%arg10 : memref<64xi32, #tpu.memory_space<vmem>>) semaphore(%run_scoped3A_324 : memref<!tpu.dma_semaphore, #tpu.memory_space<semaphore_mem>>) {add = true}
        %dma_wait3A_328 = arith.constant 0 : i32
        %dma_wait3A_329 = arith.constant 0 : i32
        %dma_wait3A_330 = tpu.memref_slice %arg15[%dma_wait3A_328, %dma_wait3A_329] : memref<10112x128xf32, #tpu.memory_space<vmem_shared>> -> memref<10112x128xf32, #tpu.memory_space<vmem_shared>>
        tpu.wait_indirect_dma semaphore(%run_scoped3A_324 : memref<!tpu.dma_semaphore, #tpu.memory_space<semaphore_mem>>) src(%arg12 : memref<64x128xf32, #tpu.memory_space<vmem>>) dst(%dma_wait3A_330 : memref<10112x128xf32, #tpu.memory_space<vmem_shared>>)
        tpu.yield
      }) : () -> ()
      %add3A_197 = arith.constant 4 : i32
      %add3A_198 = arith.addi %add3A_145, %add3A_197 : i32
      %lt3A_199 = arith.constant 80 : i32
      %lt3A_200 = arith.cmpi slt, %add3A_198, %lt3A_199 : i32
      %convert_element_type3A_201 = arith.extui %lt3A_200 : i1 to i32
      %cond3A_202 = arith.constant 0 : i32
      %cond3A_203 = arith.cmpi ne, %convert_element_type3A_201, %cond3A_202 : i32
      scf.if %cond3A_203 {
        %add3A_324 = arith.constant 4 : i32
        %add3A_325 = arith.addi %add3A_145, %add3A_324 : i32
        %shift_right_arithmetic3A_326 = arith.constant 1 : i32
        %shift_right_arithmetic3A_327 = arith.shrsi %add3A_325, %shift_right_arithmetic3A_326 : i32
        %and3A_328 = arith.constant 1 : i32
        %and3A_329 = arith.andi %add3A_325, %and3A_328 : i32
        %mul3A_330 = arith.constant 64 : i32
        %mul3A_331 = arith.muli %and3A_329, %mul3A_330 : i32
        %dma_start3A_332 = tpu.memref_slice %arg8[%shift_right_arithmetic3A_327, %mul3A_331] : memref<40x128xi32, #tpu.memory_space<vmem>> -> memref<1x64xi32, #tpu.memory_space<vmem>>
        %dma_start3A_333 = tpu.memref_squeeze %dma_start3A_332 : memref<1x64xi32, #tpu.memory_space<vmem>> -> memref<64xi32, #tpu.memory_space<vmem>>
        %dma_start3A_334 = arith.constant 0 : i32
        %dma_start3A_335 = arith.constant 0 : i32
        %dma_start3A_336 = tpu.memref_slice %arg2[%dma_start3A_334, %dma_start3A_335] : memref<10112x128xf32, #tpu.memory_space<hbm>> -> memref<10112x128xf32, #tpu.memory_space<hbm>>
        tpu.enqueue_indirect_dma source(%dma_start3A_336 : memref<10112x128xf32, #tpu.memory_space<hbm>>) target(%arg12 : memref<64x128xf32, #tpu.memory_space<vmem>>) offsets(%dma_start3A_333 : memref<64xi32, #tpu.memory_space<vmem>>) semaphore(%arg17 : memref<!tpu.dma_semaphore, #tpu.memory_space<semaphore_mem>>)
      } else {
      }
      %add3A_204 = arith.constant 2 : i32
      %add3A_205 = arith.addi %add3A_91, %add3A_204 : i32
      %shift_right_arithmetic3A_206 = arith.constant 1 : i32
      %shift_right_arithmetic3A_207 = arith.shrsi %add3A_205, %shift_right_arithmetic3A_206 : i32
      %and3A_208 = arith.constant 1 : i32
      %and3A_209 = arith.andi %add3A_205, %and3A_208 : i32
      %mul3A_210 = arith.constant 64 : i32
      %mul3A_211 = arith.muli %and3A_209, %mul3A_210 : i32
      %dma_wait3A_212 = tpu.memref_slice %arg8[%shift_right_arithmetic3A_207, %mul3A_211] : memref<40x128xi32, #tpu.memory_space<vmem>> -> memref<1x64xi32, #tpu.memory_space<vmem>>
      %dma_wait3A_213 = tpu.memref_squeeze %dma_wait3A_212 : memref<1x64xi32, #tpu.memory_space<vmem>> -> memref<64xi32, #tpu.memory_space<vmem>>
      %dma_wait3A_214 = arith.constant 0 : i32
      %dma_wait3A_215 = arith.constant 0 : i32
      %dma_wait3A_216 = tpu.memref_slice %arg2[%dma_wait3A_214, %dma_wait3A_215] : memref<10112x128xf32, #tpu.memory_space<hbm>> -> memref<10112x128xf32, #tpu.memory_space<hbm>>
      tpu.wait_indirect_dma semaphore(%arg18 : memref<!tpu.dma_semaphore, #tpu.memory_space<semaphore_mem>>) src(%dma_wait3A_216 : memref<10112x128xf32, #tpu.memory_space<hbm>>) dst(%arg13 : memref<64x128xf32, #tpu.memory_space<vmem>>)
      %add3A_217 = arith.constant 0 : i32
      %add3A_218 = arith.addi %mul3A_211, %add3A_217 : i32
      %get3A_219 = arith.index_cast %shift_right_arithmetic3A_207 : i32 to index
      %get3A_220 = arith.index_cast %add3A_218 : i32 to index
      %get3A_221 = tpu.vector_load %arg9[%get3A_219, %get3A_220] {strides = array<i32>} : memref<40x128xi32, #tpu.memory_space<vmem>>, vector<1x16xi32>,
      %get3A_222 = vector.shape_cast %get3A_221 : vector<1x16xi32> to vector<16xi32>
      %swap3A_223 = arith.constant 0 : index
      %swap3A_224 = tpu.vector_load %arg10[%swap3A_223] {strides = array<i32>} : memref<64xi32, #tpu.memory_space<vmem>>, vector<16xi32>,
      %swap3A_225 = vector.shape_cast %swap3A_224 : vector<16xi32> to vector<16xi32>
      %swap3A_226 = vector.shape_cast %get3A_222 : vector<16xi32> to vector<16xi32>
      tpu.vector_store %arg10[%swap3A_223], %swap3A_226 {strides = array<i32>} : memref<64xi32, #tpu.memory_space<vmem>>, vector<16xi32>,
      %add3A_227 = arith.constant 16 : i32
      %add3A_228 = arith.addi %mul3A_211, %add3A_227 : i32
      %get3A_229 = arith.index_cast %shift_right_arithmetic3A_207 : i32 to index
      %get3A_230 = arith.index_cast %add3A_228 : i32 to index
      %get3A_231 = tpu.vector_load %arg9[%get3A_229, %get3A_230] {strides = array<i32>} : memref<40x128xi32, #tpu.memory_space<vmem>>, vector<1x16xi32>,
      %get3A_232 = vector.shape_cast %get3A_231 : vector<1x16xi32> to vector<16xi32>
      %swap3A_233 = arith.constant 16 : index
      %swap3A_234 = tpu.vector_load %arg10[%swap3A_233] {strides = array<i32>} : memref<64xi32, #tpu.memory_space<vmem>>, vector<16xi32>,
      %swap3A_235 = vector.shape_cast %swap3A_234 : vector<16xi32> to vector<16xi32>
      %swap3A_236 = vector.shape_cast %get3A_232 : vector<16xi32> to vector<16xi32>
      tpu.vector_store %arg10[%swap3A_233], %swap3A_236 {strides = array<i32>} : memref<64xi32, #tpu.memory_space<vmem>>, vector<16xi32>,
      %add3A_237 = arith.constant 32 : i32
      %add3A_238 = arith.addi %mul3A_211, %add3A_237 : i32
      %get3A_239 = arith.index_cast %shift_right_arithmetic3A_207 : i32 to index
      %get3A_240 = arith.index_cast %add3A_238 : i32 to index
      %get3A_241 = tpu.vector_load %arg9[%get3A_239, %get3A_240] {strides = array<i32>} : memref<40x128xi32, #tpu.memory_space<vmem>>, vector<1x16xi32>,
      %get3A_242 = vector.shape_cast %get3A_241 : vector<1x16xi32> to vector<16xi32>
      %swap3A_243 = arith.constant 32 : index
      %swap3A_244 = tpu.vector_load %arg10[%swap3A_243] {strides = array<i32>} : memref<64xi32, #tpu.memory_space<vmem>>, vector<16xi32>,
      %swap3A_245 = vector.shape_cast %swap3A_244 : vector<16xi32> to vector<16xi32>
      %swap3A_246 = vector.shape_cast %get3A_242 : vector<16xi32> to vector<16xi32>
      tpu.vector_store %arg10[%swap3A_243], %swap3A_246 {strides = array<i32>} : memref<64xi32, #tpu.memory_space<vmem>>, vector<16xi32>,
      %add3A_247 = arith.constant 48 : i32
      %add3A_248 = arith.addi %mul3A_211, %add3A_247 : i32
      %get3A_249 = arith.index_cast %shift_right_arithmetic3A_207 : i32 to index
      %get3A_250 = arith.index_cast %add3A_248 : i32 to index
      %get3A_251 = tpu.vector_load %arg9[%get3A_249, %get3A_250] {strides = array<i32>} : memref<40x128xi32, #tpu.memory_space<vmem>>, vector<1x16xi32>,
      %get3A_252 = vector.shape_cast %get3A_251 : vector<1x16xi32> to vector<16xi32>
      %swap3A_253 = arith.constant 48 : index
      %swap3A_254 = tpu.vector_load %arg10[%swap3A_253] {strides = array<i32>} : memref<64xi32, #tpu.memory_space<vmem>>, vector<16xi32>,
      %swap3A_255 = vector.shape_cast %swap3A_254 : vector<16xi32> to vector<16xi32>
      %swap3A_256 = vector.shape_cast %get3A_252 : vector<16xi32> to vector<16xi32>
      tpu.vector_store %arg10[%swap3A_253], %swap3A_256 {strides = array<i32>} : memref<64xi32, #tpu.memory_space<vmem>>, vector<16xi32>,
      "tpu.region"() ({
        %run_scoped3A_324 = tpu.sem_alloc : memref<!tpu.dma_semaphore, #tpu.memory_space<semaphore_mem>>
        %dma_start3A_325 = arith.constant 0 : i32
        %dma_start3A_326 = arith.constant 0 : i32
        %dma_start3A_327 = tpu.memref_slice %arg15[%dma_start3A_325, %dma_start3A_326] : memref<10112x128xf32, #tpu.memory_space<vmem_shared>> -> memref<10112x128xf32, #tpu.memory_space<vmem_shared>>
        tpu.enqueue_indirect_dma source(%arg13 : memref<64x128xf32, #tpu.memory_space<vmem>>) target(%dma_start3A_327 : memref<10112x128xf32, #tpu.memory_space<vmem_shared>>) offsets(%arg10 : memref<64xi32, #tpu.memory_space<vmem>>) semaphore(%run_scoped3A_324 : memref<!tpu.dma_semaphore, #tpu.memory_space<semaphore_mem>>) {add = true}
        %dma_wait3A_328 = arith.constant 0 : i32
        %dma_wait3A_329 = arith.constant 0 : i32
        %dma_wait3A_330 = tpu.memref_slice %arg15[%dma_wait3A_328, %dma_wait3A_329] : memref<10112x128xf32, #tpu.memory_space<vmem_shared>> -> memref<10112x128xf32, #tpu.memory_space<vmem_shared>>
        tpu.wait_indirect_dma semaphore(%run_scoped3A_324 : memref<!tpu.dma_semaphore, #tpu.memory_space<semaphore_mem>>) src(%arg13 : memref<64x128xf32, #tpu.memory_space<vmem>>) dst(%dma_wait3A_330 : memref<10112x128xf32, #tpu.memory_space<vmem_shared>>)
        tpu.yield
      }) : () -> ()
      %add3A_257 = arith.constant 4 : i32
      %add3A_258 = arith.addi %add3A_205, %add3A_257 : i32
      %lt3A_259 = arith.constant 80 : i32
      %lt3A_260 = arith.cmpi slt, %add3A_258, %lt3A_259 : i32
      %convert_element_type3A_261 = arith.extui %lt3A_260 : i1 to i32
      %cond3A_262 = arith.constant 0 : i32
      %cond3A_263 = arith.cmpi ne, %convert_element_type3A_261, %cond3A_262 : i32
      scf.if %cond3A_263 {
        %add3A_324 = arith.constant 4 : i32
        %add3A_325 = arith.addi %add3A_205, %add3A_324 : i32
        %shift_right_arithmetic3A_326 = arith.constant 1 : i32
        %shift_right_arithmetic3A_327 = arith.shrsi %add3A_325, %shift_right_arithmetic3A_326 : i32
        %and3A_328 = arith.constant 1 : i32
        %and3A_329 = arith.andi %add3A_325, %and3A_328 : i32
        %mul3A_330 = arith.constant 64 : i32
        %mul3A_331 = arith.muli %and3A_329, %mul3A_330 : i32
        %dma_start3A_332 = tpu.memref_slice %arg8[%shift_right_arithmetic3A_327, %mul3A_331] : memref<40x128xi32, #tpu.memory_space<vmem>> -> memref<1x64xi32, #tpu.memory_space<vmem>>
        %dma_start3A_333 = tpu.memref_squeeze %dma_start3A_332 : memref<1x64xi32, #tpu.memory_space<vmem>> -> memref<64xi32, #tpu.memory_space<vmem>>
        %dma_start3A_334 = arith.constant 0 : i32
        %dma_start3A_335 = arith.constant 0 : i32
        %dma_start3A_336 = tpu.memref_slice %arg2[%dma_start3A_334, %dma_start3A_335] : memref<10112x128xf32, #tpu.memory_space<hbm>> -> memref<10112x128xf32, #tpu.memory_space<hbm>>
        tpu.enqueue_indirect_dma source(%dma_start3A_336 : memref<10112x128xf32, #tpu.memory_space<hbm>>) target(%arg13 : memref<64x128xf32, #tpu.memory_space<vmem>>) offsets(%dma_start3A_333 : memref<64xi32, #tpu.memory_space<vmem>>) semaphore(%arg18 : memref<!tpu.dma_semaphore, #tpu.memory_space<semaphore_mem>>)
      } else {
      }
      %add3A_264 = arith.constant 3 : i32
      %add3A_265 = arith.addi %add3A_91, %add3A_264 : i32
      %shift_right_arithmetic3A_266 = arith.constant 1 : i32
      %shift_right_arithmetic3A_267 = arith.shrsi %add3A_265, %shift_right_arithmetic3A_266 : i32
      %and3A_268 = arith.constant 1 : i32
      %and3A_269 = arith.andi %add3A_265, %and3A_268 : i32
      %mul3A_270 = arith.constant 64 : i32
      %mul3A_271 = arith.muli %and3A_269, %mul3A_270 : i32
      %dma_wait3A_272 = tpu.memref_slice %arg8[%shift_right_arithmetic3A_267, %mul3A_271] : memref<40x128xi32, #tpu.memory_space<vmem>> -> memref<1x64xi32, #tpu.memory_space<vmem>>
      %dma_wait3A_273 = tpu.memref_squeeze %dma_wait3A_272 : memref<1x64xi32, #tpu.memory_space<vmem>> -> memref<64xi32, #tpu.memory_space<vmem>>
      %dma_wait3A_274 = arith.constant 0 : i32
      %dma_wait3A_275 = arith.constant 0 : i32
      %dma_wait3A_276 = tpu.memref_slice %arg2[%dma_wait3A_274, %dma_wait3A_275] : memref<10112x128xf32, #tpu.memory_space<hbm>> -> memref<10112x128xf32, #tpu.memory_space<hbm>>
      tpu.wait_indirect_dma semaphore(%arg19 : memref<!tpu.dma_semaphore, #tpu.memory_space<semaphore_mem>>) src(%dma_wait3A_276 : memref<10112x128xf32, #tpu.memory_space<hbm>>) dst(%arg14 : memref<64x128xf32, #tpu.memory_space<vmem>>)
      %add3A_277 = arith.constant 0 : i32
      %add3A_278 = arith.addi %mul3A_271, %add3A_277 : i32
      %get3A_279 = arith.index_cast %shift_right_arithmetic3A_267 : i32 to index
      %get3A_280 = arith.index_cast %add3A_278 : i32 to index
      %get3A_281 = tpu.vector_load %arg9[%get3A_279, %get3A_280] {strides = array<i32>} : memref<40x128xi32, #tpu.memory_space<vmem>>, vector<1x16xi32>,
      %get3A_282 = vector.shape_cast %get3A_281 : vector<1x16xi32> to vector<16xi32>
      %swap3A_283 = arith.constant 0 : index
      %swap3A_284 = tpu.vector_load %arg10[%swap3A_283] {strides = array<i32>} : memref<64xi32, #tpu.memory_space<vmem>>, vector<16xi32>,
      %swap3A_285 = vector.shape_cast %swap3A_284 : vector<16xi32> to vector<16xi32>
      %swap3A_286 = vector.shape_cast %get3A_282 : vector<16xi32> to vector<16xi32>
      tpu.vector_store %arg10[%swap3A_283], %swap3A_286 {strides = array<i32>} : memref<64xi32, #tpu.memory_space<vmem>>, vector<16xi32>,
      %add3A_287 = arith.constant 16 : i32
      %add3A_288 = arith.addi %mul3A_271, %add3A_287 : i32
      %get3A_289 = arith.index_cast %shift_right_arithmetic3A_267 : i32 to index
      %get3A_290 = arith.index_cast %add3A_288 : i32 to index
      %get3A_291 = tpu.vector_load %arg9[%get3A_289, %get3A_290] {strides = array<i32>} : memref<40x128xi32, #tpu.memory_space<vmem>>, vector<1x16xi32>,
      %get3A_292 = vector.shape_cast %get3A_291 : vector<1x16xi32> to vector<16xi32>
      %swap3A_293 = arith.constant 16 : index
      %swap3A_294 = tpu.vector_load %arg10[%swap3A_293] {strides = array<i32>} : memref<64xi32, #tpu.memory_space<vmem>>, vector<16xi32>,
      %swap3A_295 = vector.shape_cast %swap3A_294 : vector<16xi32> to vector<16xi32>
      %swap3A_296 = vector.shape_cast %get3A_292 : vector<16xi32> to vector<16xi32>
      tpu.vector_store %arg10[%swap3A_293], %swap3A_296 {strides = array<i32>} : memref<64xi32, #tpu.memory_space<vmem>>, vector<16xi32>,
      %add3A_297 = arith.constant 32 : i32
      %add3A_298 = arith.addi %mul3A_271, %add3A_297 : i32
      %get3A_299 = arith.index_cast %shift_right_arithmetic3A_267 : i32 to index
      %get3A_300 = arith.index_cast %add3A_298 : i32 to index
      %get3A_301 = tpu.vector_load %arg9[%get3A_299, %get3A_300] {strides = array<i32>} : memref<40x128xi32, #tpu.memory_space<vmem>>, vector<1x16xi32>,
      %get3A_302 = vector.shape_cast %get3A_301 : vector<1x16xi32> to vector<16xi32>
      %swap3A_303 = arith.constant 32 : index
      %swap3A_304 = tpu.vector_load %arg10[%swap3A_303] {strides = array<i32>} : memref<64xi32, #tpu.memory_space<vmem>>, vector<16xi32>,
      %swap3A_305 = vector.shape_cast %swap3A_304 : vector<16xi32> to vector<16xi32>
      %swap3A_306 = vector.shape_cast %get3A_302 : vector<16xi32> to vector<16xi32>
      tpu.vector_store %arg10[%swap3A_303], %swap3A_306 {strides = array<i32>} : memref<64xi32, #tpu.memory_space<vmem>>, vector<16xi32>,
      %add3A_307 = arith.constant 48 : i32
      %add3A_308 = arith.addi %mul3A_271, %add3A_307 : i32
      %get3A_309 = arith.index_cast %shift_right_arithmetic3A_267 : i32 to index
      %get3A_310 = arith.index_cast %add3A_308 : i32 to index
      %get3A_311 = tpu.vector_load %arg9[%get3A_309, %get3A_310] {strides = array<i32>} : memref<40x128xi32, #tpu.memory_space<vmem>>, vector<1x16xi32>,
      %get3A_312 = vector.shape_cast %get3A_311 : vector<1x16xi32> to vector<16xi32>
      %swap3A_313 = arith.constant 48 : index
      %swap3A_314 = tpu.vector_load %arg10[%swap3A_313] {strides = array<i32>} : memref<64xi32, #tpu.memory_space<vmem>>, vector<16xi32>,
      %swap3A_315 = vector.shape_cast %swap3A_314 : vector<16xi32> to vector<16xi32>
      %swap3A_316 = vector.shape_cast %get3A_312 : vector<16xi32> to vector<16xi32>
      tpu.vector_store %arg10[%swap3A_313], %swap3A_316 {strides = array<i32>} : memref<64xi32, #tpu.memory_space<vmem>>, vector<16xi32>,
      "tpu.region"() ({
        %run_scoped3A_324 = tpu.sem_alloc : memref<!tpu.dma_semaphore, #tpu.memory_space<semaphore_mem>>
        %dma_start3A_325 = arith.constant 0 : i32
        %dma_start3A_326 = arith.constant 0 : i32
        %dma_start3A_327 = tpu.memref_slice %arg15[%dma_start3A_325, %dma_start3A_326] : memref<10112x128xf32, #tpu.memory_space<vmem_shared>> -> memref<10112x128xf32, #tpu.memory_space<vmem_shared>>
        tpu.enqueue_indirect_dma source(%arg14 : memref<64x128xf32, #tpu.memory_space<vmem>>) target(%dma_start3A_327 : memref<10112x128xf32, #tpu.memory_space<vmem_shared>>) offsets(%arg10 : memref<64xi32, #tpu.memory_space<vmem>>) semaphore(%run_scoped3A_324 : memref<!tpu.dma_semaphore, #tpu.memory_space<semaphore_mem>>) {add = true}
        %dma_wait3A_328 = arith.constant 0 : i32
        %dma_wait3A_329 = arith.constant 0 : i32
        %dma_wait3A_330 = tpu.memref_slice %arg15[%dma_wait3A_328, %dma_wait3A_329] : memref<10112x128xf32, #tpu.memory_space<vmem_shared>> -> memref<10112x128xf32, #tpu.memory_space<vmem_shared>>
        tpu.wait_indirect_dma semaphore(%run_scoped3A_324 : memref<!tpu.dma_semaphore, #tpu.memory_space<semaphore_mem>>) src(%arg14 : memref<64x128xf32, #tpu.memory_space<vmem>>) dst(%dma_wait3A_330 : memref<10112x128xf32, #tpu.memory_space<vmem_shared>>)
        tpu.yield
      }) : () -> ()
      %add3A_317 = arith.constant 4 : i32
      %add3A_318 = arith.addi %add3A_265, %add3A_317 : i32
      %lt3A_319 = arith.constant 80 : i32
      %lt3A_320 = arith.cmpi slt, %add3A_318, %lt3A_319 : i32
      %convert_element_type3A_321 = arith.extui %lt3A_320 : i1 to i32
      %cond3A_322 = arith.constant 0 : i32
      %cond3A_323 = arith.cmpi ne, %convert_element_type3A_321, %cond3A_322 : i32
      scf.if %cond3A_323 {
        %add3A_324 = arith.constant 4 : i32
        %add3A_325 = arith.addi %add3A_265, %add3A_324 : i32
        %shift_right_arithmetic3A_326 = arith.constant 1 : i32
        %shift_right_arithmetic3A_327 = arith.shrsi %add3A_325, %shift_right_arithmetic3A_326 : i32
        %and3A_328 = arith.constant 1 : i32
        %and3A_329 = arith.andi %add3A_325, %and3A_328 : i32
        %mul3A_330 = arith.constant 64 : i32
        %mul3A_331 = arith.muli %and3A_329, %mul3A_330 : i32
        %dma_start3A_332 = tpu.memref_slice %arg8[%shift_right_arithmetic3A_327, %mul3A_331] : memref<40x128xi32, #tpu.memory_space<vmem>> -> memref<1x64xi32, #tpu.memory_space<vmem>>
        %dma_start3A_333 = tpu.memref_squeeze %dma_start3A_332 : memref<1x64xi32, #tpu.memory_space<vmem>> -> memref<64xi32, #tpu.memory_space<vmem>>
        %dma_start3A_334 = arith.constant 0 : i32
        %dma_start3A_335 = arith.constant 0 : i32
        %dma_start3A_336 = tpu.memref_slice %arg2[%dma_start3A_334, %dma_start3A_335] : memref<10112x128xf32, #tpu.memory_space<hbm>> -> memref<10112x128xf32, #tpu.memory_space<hbm>>
        tpu.enqueue_indirect_dma source(%dma_start3A_336 : memref<10112x128xf32, #tpu.memory_space<hbm>>) target(%arg14 : memref<64x128xf32, #tpu.memory_space<vmem>>) offsets(%dma_start3A_333 : memref<64xi32, #tpu.memory_space<vmem>>) semaphore(%arg19 : memref<!tpu.dma_semaphore, #tpu.memory_space<semaphore_mem>>)
      } else {
      }
    }
    %scan3A_38 = arith.constant 20 : i32
    %barrier3A_39 = arith.constant 0 : index
    tpu.barrier barrier_id(%barrier3A_39)
    %mul3A_40 = arith.constant 632 : i32
    %mul3A_41 = arith.muli %arg1, %mul3A_40 : i32
    %mul3A_42 = arith.constant 632 : i32
    %mul3A_43 = arith.muli %arg1, %mul3A_42 : i32
    "tpu.region"() ({
      %run_scoped3A_87 = tpu.sem_alloc : memref<!tpu.dma_semaphore, #tpu.memory_space<semaphore_mem>>
      %dma_start3A_88 = arith.constant 0 : i32
      %dma_start3A_89 = tpu.memref_slice %arg6[%arg0, %mul3A_43, %dma_start3A_88] : memref<2x10112x128xf32, #tpu.memory_space<hbm>> -> memref<1x632x128xf32, #tpu.memory_space<hbm>>
      %dma_start3A_90 = tpu.memref_squeeze %dma_start3A_89 : memref<1x632x128xf32, #tpu.memory_space<hbm>> -> memref<632x128xf32, #tpu.memory_space<hbm>>
      %dma_start3A_91 = arith.constant 0 : i32
      %dma_start3A_92 = tpu.memref_slice %arg15[%mul3A_41, %dma_start3A_91] : memref<10112x128xf32, #tpu.memory_space<vmem_shared>> -> memref<632x128xf32, #tpu.memory_space<vmem_shared>>
      tpu.enqueue_dma source(%dma_start3A_92 : memref<632x128xf32, #tpu.memory_space<vmem_shared>>) target(%dma_start3A_90 : memref<632x128xf32, #tpu.memory_space<hbm>>) target_semaphore(%run_scoped3A_87 : memref<!tpu.dma_semaphore, #tpu.memory_space<semaphore_mem>>)
      %dma_wait3A = arith.constant 0 : i32
      %dma_wait3A_93 = tpu.memref_slice %arg6[%arg0, %mul3A_43, %dma_wait3A] : memref<2x10112x128xf32, #tpu.memory_space<hbm>> -> memref<1x632x128xf32, #tpu.memory_space<hbm>>
      %dma_wait3A_94 = tpu.memref_squeeze %dma_wait3A_93 : memref<1x632x128xf32, #tpu.memory_space<hbm>> -> memref<632x128xf32, #tpu.memory_space<hbm>>
      %dma_wait3A_95 = arith.constant 0 : i32
      %dma_wait3A_96 = tpu.memref_slice %arg15[%mul3A_41, %dma_wait3A_95] : memref<10112x128xf32, #tpu.memory_space<vmem_shared>> -> memref<632x128xf32, #tpu.memory_space<vmem_shared>>
      tpu.wait_dma2 semaphore(%run_scoped3A_87 : memref<!tpu.dma_semaphore, #tpu.memory_space<semaphore_mem>>) src(%dma_wait3A_96 : memref<632x128xf32, #tpu.memory_space<vmem_shared>>) dst(%dma_wait3A_94 : memref<632x128xf32, #tpu.memory_space<hbm>>)
      tpu.yield
    }) : () -> ()
    %mul3A_44 = arith.constant 632 : i32
    %mul3A_45 = arith.muli %arg1, %mul3A_44 : i32
    %mul3A_46 = arith.constant 632 : i32
    %mul3A_47 = arith.muli %arg1, %mul3A_46 : i32
    "tpu.region"() ({
      %run_scoped3A_87 = tpu.sem_alloc : memref<!tpu.dma_semaphore, #tpu.memory_space<semaphore_mem>>
      %dma_start3A_88 = arith.constant 0 : i32
      %dma_start3A_89 = tpu.memref_slice %arg15[%mul3A_47, %dma_start3A_88] : memref<10112x128xf32, #tpu.memory_space<vmem_shared>> -> memref<632x128xf32, #tpu.memory_space<vmem_shared>>
      %dma_start3A_90 = arith.constant 0 : i32
      %dma_start3A_91 = tpu.memref_slice %arg5[%mul3A_45, %dma_start3A_90] : memref<10112x128xf32, #tpu.memory_space<hbm>> -> memref<632x128xf32, #tpu.memory_space<hbm>>
      tpu.enqueue_dma source(%dma_start3A_91 : memref<632x128xf32, #tpu.memory_space<hbm>>) target(%dma_start3A_89 : memref<632x128xf32, #tpu.memory_space<vmem_shared>>) target_semaphore(%run_scoped3A_87 : memref<!tpu.dma_semaphore, #tpu.memory_space<semaphore_mem>>)
      %dma_wait3A = arith.constant 0 : i32
      %dma_wait3A_92 = tpu.memref_slice %arg15[%mul3A_47, %dma_wait3A] : memref<10112x128xf32, #tpu.memory_space<vmem_shared>> -> memref<632x128xf32, #tpu.memory_space<vmem_shared>>
      %dma_wait3A_93 = arith.constant 0 : i32
      %dma_wait3A_94 = tpu.memref_slice %arg5[%mul3A_45, %dma_wait3A_93] : memref<10112x128xf32, #tpu.memory_space<hbm>> -> memref<632x128xf32, #tpu.memory_space<hbm>>
      tpu.wait_dma2 semaphore(%run_scoped3A_87 : memref<!tpu.dma_semaphore, #tpu.memory_space<semaphore_mem>>) src(%dma_wait3A_94 : memref<632x128xf32, #tpu.memory_space<hbm>>) dst(%dma_wait3A_92 : memref<632x128xf32, #tpu.memory_space<vmem_shared>>)
      tpu.yield
    }) : () -> ()
    %barrier3A_48 = arith.constant 0 : index
    tpu.barrier barrier_id(%barrier3A_48)
    %dma_start3A_49 = arith.constant 0 : i32
    %dma_start3A_50 = arith.constant 0 : i32
    %dma_start3A_51 = tpu.memref_slice %arg8[%dma_start3A_49, %dma_start3A_50] : memref<40x128xi32, #tpu.memory_space<vmem>> -> memref<1x64xi32, #tpu.memory_space<vmem>>
    %dma_start3A_52 = tpu.memref_squeeze %dma_start3A_51 : memref<1x64xi32, #tpu.memory_space<vmem>> -> memref<64xi32, #tpu.memory_space<vmem>>
    %dma_start3A_53 = arith.constant 0 : i32
    %dma_start3A_54 = arith.constant 0 : i32
    %dma_start3A_55 = tpu.memref_slice %arg3[%dma_start3A_53, %dma_start3A_54] : memref<10112x128xf32, #tpu.memory_space<hbm>> -> memref<10112x128xf32, #tpu.memory_space<hbm>>
    tpu.enqueue_indirect_dma source(%dma_start3A_55 : memref<10112x128xf32, #tpu.memory_space<hbm>>) target(%arg11 : memref<64x128xf32, #tpu.memory_space<vmem>>) offsets(%dma_start3A_52 : memref<64xi32, #tpu.memory_space<vmem>>) semaphore(%arg16 : memref<!tpu.dma_semaphore, #tpu.memory_space<semaphore_mem>>)
    %dma_start3A_56 = arith.constant 0 : i32
    %dma_start3A_57 = arith.constant 64 : i32
    %dma_start3A_58 = tpu.memref_slice %arg8[%dma_start3A_56, %dma_start3A_57] : memref<40x128xi32, #tpu.memory_space<vmem>> -> memref<1x64xi32, #tpu.memory_space<vmem>>
    %dma_start3A_59 = tpu.memref_squeeze %dma_start3A_58 : memref<1x64xi32, #tpu.memory_space<vmem>> -> memref<64xi32, #tpu.memory_space<vmem>>
    %dma_start3A_60 = arith.constant 0 : i32
    %dma_start3A_61 = arith.constant 0 : i32
    %dma_start3A_62 = tpu.memref_slice %arg3[%dma_start3A_60, %dma_start3A_61] : memref<10112x128xf32, #tpu.memory_space<hbm>> -> memref<10112x128xf32, #tpu.memory_space<hbm>>
    tpu.enqueue_indirect_dma source(%dma_start3A_62 : memref<10112x128xf32, #tpu.memory_space<hbm>>) target(%arg12 : memref<64x128xf32, #tpu.memory_space<vmem>>) offsets(%dma_start3A_59 : memref<64xi32, #tpu.memory_space<vmem>>) semaphore(%arg17 : memref<!tpu.dma_semaphore, #tpu.memory_space<semaphore_mem>>)
    %dma_start3A_63 = arith.constant 1 : i32
    %dma_start3A_64 = arith.constant 0 : i32
    %dma_start3A_65 = tpu.memref_slice %arg8[%dma_start3A_63, %dma_start3A_64] : memref<40x128xi32, #tpu.memory_space<vmem>> -> memref<1x64xi32, #tpu.memory_space<vmem>>
    %dma_start3A_66 = tpu.memref_squeeze %dma_start3A_65 : memref<1x64xi32, #tpu.memory_space<vmem>> -> memref<64xi32, #tpu.memory_space<vmem>>
    %dma_start3A_67 = arith.constant 0 : i32
    %dma_start3A_68 = arith.constant 0 : i32
    %dma_start3A_69 = tpu.memref_slice %arg3[%dma_start3A_67, %dma_start3A_68] : memref<10112x128xf32, #tpu.memory_space<hbm>> -> memref<10112x128xf32, #tpu.memory_space<hbm>>
    tpu.enqueue_indirect_dma source(%dma_start3A_69 : memref<10112x128xf32, #tpu.memory_space<hbm>>) target(%arg13 : memref<64x128xf32, #tpu.memory_space<vmem>>) offsets(%dma_start3A_66 : memref<64xi32, #tpu.memory_space<vmem>>) semaphore(%arg18 : memref<!tpu.dma_semaphore, #tpu.memory_space<semaphore_mem>>)
    %dma_start3A_70 = arith.constant 1 : i32
    %dma_start3A_71 = arith.constant 64 : i32
    %dma_start3A_72 = tpu.memref_slice %arg8[%dma_start3A_70, %dma_start3A_71] : memref<40x128xi32, #tpu.memory_space<vmem>> -> memref<1x64xi32, #tpu.memory_space<vmem>>
    %dma_start3A_73 = tpu.memref_squeeze %dma_start3A_72 : memref<1x64xi32, #tpu.memory_space<vmem>> -> memref<64xi32, #tpu.memory_space<vmem>>
    %dma_start3A_74 = arith.constant 0 : i32
    %dma_start3A_75 = arith.constant 0 : i32
    %dma_start3A_76 = tpu.memref_slice %arg3[%dma_start3A_74, %dma_start3A_75] : memref<10112x128xf32, #tpu.memory_space<hbm>> -> memref<10112x128xf32, #tpu.memory_space<hbm>>
    tpu.enqueue_indirect_dma source(%dma_start3A_76 : memref<10112x128xf32, #tpu.memory_space<hbm>>) target(%arg14 : memref<64x128xf32, #tpu.memory_space<vmem>>) offsets(%dma_start3A_73 : memref<64xi32, #tpu.memory_space<vmem>>) semaphore(%arg19 : memref<!tpu.dma_semaphore, #tpu.memory_space<semaphore_mem>>)
    %scan3A_77 = arith.constant 0 : i32
    %scan3A_78 = arith.constant 20 : i32
    %scan3A_79 = arith.addi %scan3A_77, %scan3A_78 : i32
    %scan3A_80 = arith.constant 1 : i32
    scf.for %scan3A_87 = %scan3A_77 to %scan3A_79 step %scan3A_80  : i32 {
      %mul3A_88 = arith.constant 4 : i32
      %mul3A_89 = arith.muli %scan3A_87, %mul3A_88 : i32
      %add3A_90 = arith.constant 0 : i32
      %add3A_91 = arith.addi %add3A_90, %mul3A_89 : i32
      %add3A_92 = arith.constant 0 : i32
      %add3A_93 = arith.addi %add3A_91, %add3A_92 : i32
      %shift_right_arithmetic3A = arith.constant 1 : i32
      %shift_right_arithmetic3A_94 = arith.shrsi %add3A_93, %shift_right_arithmetic3A : i32
      %and3A = arith.constant 1 : i32
      %and3A_95 = arith.andi %add3A_93, %and3A : i32
      %mul3A_96 = arith.constant 64 : i32
      %mul3A_97 = arith.muli %and3A_95, %mul3A_96 : i32
      %dma_wait3A = tpu.memref_slice %arg8[%shift_right_arithmetic3A_94, %mul3A_97] : memref<40x128xi32, #tpu.memory_space<vmem>> -> memref<1x64xi32, #tpu.memory_space<vmem>>
      %dma_wait3A_98 = tpu.memref_squeeze %dma_wait3A : memref<1x64xi32, #tpu.memory_space<vmem>> -> memref<64xi32, #tpu.memory_space<vmem>>
      %dma_wait3A_99 = arith.constant 0 : i32
      %dma_wait3A_100 = arith.constant 0 : i32
      %dma_wait3A_101 = tpu.memref_slice %arg3[%dma_wait3A_99, %dma_wait3A_100] : memref<10112x128xf32, #tpu.memory_space<hbm>> -> memref<10112x128xf32, #tpu.memory_space<hbm>>
      tpu.wait_indirect_dma semaphore(%arg16 : memref<!tpu.dma_semaphore, #tpu.memory_space<semaphore_mem>>) src(%dma_wait3A_101 : memref<10112x128xf32, #tpu.memory_space<hbm>>) dst(%arg11 : memref<64x128xf32, #tpu.memory_space<vmem>>)
      %add3A_102 = arith.constant 0 : i32
      %add3A_103 = arith.addi %mul3A_97, %add3A_102 : i32
      %get3A = arith.index_cast %shift_right_arithmetic3A_94 : i32 to index
      %get3A_104 = arith.index_cast %add3A_103 : i32 to index
      %get3A_105 = tpu.vector_load %arg9[%get3A, %get3A_104] {strides = array<i32>} : memref<40x128xi32, #tpu.memory_space<vmem>>, vector<1x16xi32>,
      %get3A_106 = vector.shape_cast %get3A_105 : vector<1x16xi32> to vector<16xi32>
      %swap3A = arith.constant 0 : index
      %swap3A_107 = tpu.vector_load %arg10[%swap3A] {strides = array<i32>} : memref<64xi32, #tpu.memory_space<vmem>>, vector<16xi32>,
      %swap3A_108 = vector.shape_cast %swap3A_107 : vector<16xi32> to vector<16xi32>
      %swap3A_109 = vector.shape_cast %get3A_106 : vector<16xi32> to vector<16xi32>
      tpu.vector_store %arg10[%swap3A], %swap3A_109 {strides = array<i32>} : memref<64xi32, #tpu.memory_space<vmem>>, vector<16xi32>,
      %add3A_110 = arith.constant 16 : i32
      %add3A_111 = arith.addi %mul3A_97, %add3A_110 : i32
      %get3A_112 = arith.index_cast %shift_right_arithmetic3A_94 : i32 to index
      %get3A_113 = arith.index_cast %add3A_111 : i32 to index
      %get3A_114 = tpu.vector_load %arg9[%get3A_112, %get3A_113] {strides = array<i32>} : memref<40x128xi32, #tpu.memory_space<vmem>>, vector<1x16xi32>,
      %get3A_115 = vector.shape_cast %get3A_114 : vector<1x16xi32> to vector<16xi32>
      %swap3A_116 = arith.constant 16 : index
      %swap3A_117 = tpu.vector_load %arg10[%swap3A_116] {strides = array<i32>} : memref<64xi32, #tpu.memory_space<vmem>>, vector<16xi32>,
      %swap3A_118 = vector.shape_cast %swap3A_117 : vector<16xi32> to vector<16xi32>
      %swap3A_119 = vector.shape_cast %get3A_115 : vector<16xi32> to vector<16xi32>
      tpu.vector_store %arg10[%swap3A_116], %swap3A_119 {strides = array<i32>} : memref<64xi32, #tpu.memory_space<vmem>>, vector<16xi32>,
      %add3A_120 = arith.constant 32 : i32
      %add3A_121 = arith.addi %mul3A_97, %add3A_120 : i32
      %get3A_122 = arith.index_cast %shift_right_arithmetic3A_94 : i32 to index
      %get3A_123 = arith.index_cast %add3A_121 : i32 to index
      %get3A_124 = tpu.vector_load %arg9[%get3A_122, %get3A_123] {strides = array<i32>} : memref<40x128xi32, #tpu.memory_space<vmem>>, vector<1x16xi32>,
      %get3A_125 = vector.shape_cast %get3A_124 : vector<1x16xi32> to vector<16xi32>
      %swap3A_126 = arith.constant 32 : index
      %swap3A_127 = tpu.vector_load %arg10[%swap3A_126] {strides = array<i32>} : memref<64xi32, #tpu.memory_space<vmem>>, vector<16xi32>,
      %swap3A_128 = vector.shape_cast %swap3A_127 : vector<16xi32> to vector<16xi32>
      %swap3A_129 = vector.shape_cast %get3A_125 : vector<16xi32> to vector<16xi32>
      tpu.vector_store %arg10[%swap3A_126], %swap3A_129 {strides = array<i32>} : memref<64xi32, #tpu.memory_space<vmem>>, vector<16xi32>,
      %add3A_130 = arith.constant 48 : i32
      %add3A_131 = arith.addi %mul3A_97, %add3A_130 : i32
      %get3A_132 = arith.index_cast %shift_right_arithmetic3A_94 : i32 to index
      %get3A_133 = arith.index_cast %add3A_131 : i32 to index
      %get3A_134 = tpu.vector_load %arg9[%get3A_132, %get3A_133] {strides = array<i32>} : memref<40x128xi32, #tpu.memory_space<vmem>>, vector<1x16xi32>,
      %get3A_135 = vector.shape_cast %get3A_134 : vector<1x16xi32> to vector<16xi32>
      %swap3A_136 = arith.constant 48 : index
      %swap3A_137 = tpu.vector_load %arg10[%swap3A_136] {strides = array<i32>} : memref<64xi32, #tpu.memory_space<vmem>>, vector<16xi32>,
      %swap3A_138 = vector.shape_cast %swap3A_137 : vector<16xi32> to vector<16xi32>
      %swap3A_139 = vector.shape_cast %get3A_135 : vector<16xi32> to vector<16xi32>
      tpu.vector_store %arg10[%swap3A_136], %swap3A_139 {strides = array<i32>} : memref<64xi32, #tpu.memory_space<vmem>>, vector<16xi32>,
      "tpu.region"() ({
        %run_scoped3A_324 = tpu.sem_alloc : memref<!tpu.dma_semaphore, #tpu.memory_space<semaphore_mem>>
        %dma_start3A_325 = arith.constant 0 : i32
        %dma_start3A_326 = arith.constant 0 : i32
        %dma_start3A_327 = tpu.memref_slice %arg15[%dma_start3A_325, %dma_start3A_326] : memref<10112x128xf32, #tpu.memory_space<vmem_shared>> -> memref<10112x128xf32, #tpu.memory_space<vmem_shared>>
        tpu.enqueue_indirect_dma source(%arg11 : memref<64x128xf32, #tpu.memory_space<vmem>>) target(%dma_start3A_327 : memref<10112x128xf32, #tpu.memory_space<vmem_shared>>) offsets(%arg10 : memref<64xi32, #tpu.memory_space<vmem>>) semaphore(%run_scoped3A_324 : memref<!tpu.dma_semaphore, #tpu.memory_space<semaphore_mem>>) {add = true}
        %dma_wait3A_328 = arith.constant 0 : i32
        %dma_wait3A_329 = arith.constant 0 : i32
        %dma_wait3A_330 = tpu.memref_slice %arg15[%dma_wait3A_328, %dma_wait3A_329] : memref<10112x128xf32, #tpu.memory_space<vmem_shared>> -> memref<10112x128xf32, #tpu.memory_space<vmem_shared>>
        tpu.wait_indirect_dma semaphore(%run_scoped3A_324 : memref<!tpu.dma_semaphore, #tpu.memory_space<semaphore_mem>>) src(%arg11 : memref<64x128xf32, #tpu.memory_space<vmem>>) dst(%dma_wait3A_330 : memref<10112x128xf32, #tpu.memory_space<vmem_shared>>)
        tpu.yield
      }) : () -> ()
      %add3A_140 = arith.constant 4 : i32
      %add3A_141 = arith.addi %add3A_93, %add3A_140 : i32
      %lt3A = arith.constant 80 : i32
      %lt3A_142 = arith.cmpi slt, %add3A_141, %lt3A : i32
      %convert_element_type3A = arith.extui %lt3A_142 : i1 to i32
      %cond3A = arith.constant 0 : i32
      %cond3A_143 = arith.cmpi ne, %convert_element_type3A, %cond3A : i32
      scf.if %cond3A_143 {
        %add3A_324 = arith.constant 4 : i32
        %add3A_325 = arith.addi %add3A_93, %add3A_324 : i32
        %shift_right_arithmetic3A_326 = arith.constant 1 : i32
        %shift_right_arithmetic3A_327 = arith.shrsi %add3A_325, %shift_right_arithmetic3A_326 : i32
        %and3A_328 = arith.constant 1 : i32
        %and3A_329 = arith.andi %add3A_325, %and3A_328 : i32
        %mul3A_330 = arith.constant 64 : i32
        %mul3A_331 = arith.muli %and3A_329, %mul3A_330 : i32
        %dma_start3A_332 = tpu.memref_slice %arg8[%shift_right_arithmetic3A_327, %mul3A_331] : memref<40x128xi32, #tpu.memory_space<vmem>> -> memref<1x64xi32, #tpu.memory_space<vmem>>
        %dma_start3A_333 = tpu.memref_squeeze %dma_start3A_332 : memref<1x64xi32, #tpu.memory_space<vmem>> -> memref<64xi32, #tpu.memory_space<vmem>>
        %dma_start3A_334 = arith.constant 0 : i32
        %dma_start3A_335 = arith.constant 0 : i32
        %dma_start3A_336 = tpu.memref_slice %arg3[%dma_start3A_334, %dma_start3A_335] : memref<10112x128xf32, #tpu.memory_space<hbm>> -> memref<10112x128xf32, #tpu.memory_space<hbm>>
        tpu.enqueue_indirect_dma source(%dma_start3A_336 : memref<10112x128xf32, #tpu.memory_space<hbm>>) target(%arg11 : memref<64x128xf32, #tpu.memory_space<vmem>>) offsets(%dma_start3A_333 : memref<64xi32, #tpu.memory_space<vmem>>) semaphore(%arg16 : memref<!tpu.dma_semaphore, #tpu.memory_space<semaphore_mem>>)
      } else {
      }
      %add3A_144 = arith.constant 1 : i32
      %add3A_145 = arith.addi %add3A_91, %add3A_144 : i32
      %shift_right_arithmetic3A_146 = arith.constant 1 : i32
      %shift_right_arithmetic3A_147 = arith.shrsi %add3A_145, %shift_right_arithmetic3A_146 : i32
      %and3A_148 = arith.constant 1 : i32
      %and3A_149 = arith.andi %add3A_145, %and3A_148 : i32
      %mul3A_150 = arith.constant 64 : i32
      %mul3A_151 = arith.muli %and3A_149, %mul3A_150 : i32
      %dma_wait3A_152 = tpu.memref_slice %arg8[%shift_right_arithmetic3A_147, %mul3A_151] : memref<40x128xi32, #tpu.memory_space<vmem>> -> memref<1x64xi32, #tpu.memory_space<vmem>>
      %dma_wait3A_153 = tpu.memref_squeeze %dma_wait3A_152 : memref<1x64xi32, #tpu.memory_space<vmem>> -> memref<64xi32, #tpu.memory_space<vmem>>
      %dma_wait3A_154 = arith.constant 0 : i32
      %dma_wait3A_155 = arith.constant 0 : i32
      %dma_wait3A_156 = tpu.memref_slice %arg3[%dma_wait3A_154, %dma_wait3A_155] : memref<10112x128xf32, #tpu.memory_space<hbm>> -> memref<10112x128xf32, #tpu.memory_space<hbm>>
      tpu.wait_indirect_dma semaphore(%arg17 : memref<!tpu.dma_semaphore, #tpu.memory_space<semaphore_mem>>) src(%dma_wait3A_156 : memref<10112x128xf32, #tpu.memory_space<hbm>>) dst(%arg12 : memref<64x128xf32, #tpu.memory_space<vmem>>)
      %add3A_157 = arith.constant 0 : i32
      %add3A_158 = arith.addi %mul3A_151, %add3A_157 : i32
      %get3A_159 = arith.index_cast %shift_right_arithmetic3A_147 : i32 to index
      %get3A_160 = arith.index_cast %add3A_158 : i32 to index
      %get3A_161 = tpu.vector_load %arg9[%get3A_159, %get3A_160] {strides = array<i32>} : memref<40x128xi32, #tpu.memory_space<vmem>>, vector<1x16xi32>,
      %get3A_162 = vector.shape_cast %get3A_161 : vector<1x16xi32> to vector<16xi32>
      %swap3A_163 = arith.constant 0 : index
      %swap3A_164 = tpu.vector_load %arg10[%swap3A_163] {strides = array<i32>} : memref<64xi32, #tpu.memory_space<vmem>>, vector<16xi32>,
      %swap3A_165 = vector.shape_cast %swap3A_164 : vector<16xi32> to vector<16xi32>
      %swap3A_166 = vector.shape_cast %get3A_162 : vector<16xi32> to vector<16xi32>
      tpu.vector_store %arg10[%swap3A_163], %swap3A_166 {strides = array<i32>} : memref<64xi32, #tpu.memory_space<vmem>>, vector<16xi32>,
      %add3A_167 = arith.constant 16 : i32
      %add3A_168 = arith.addi %mul3A_151, %add3A_167 : i32
      %get3A_169 = arith.index_cast %shift_right_arithmetic3A_147 : i32 to index
      %get3A_170 = arith.index_cast %add3A_168 : i32 to index
      %get3A_171 = tpu.vector_load %arg9[%get3A_169, %get3A_170] {strides = array<i32>} : memref<40x128xi32, #tpu.memory_space<vmem>>, vector<1x16xi32>,
      %get3A_172 = vector.shape_cast %get3A_171 : vector<1x16xi32> to vector<16xi32>
      %swap3A_173 = arith.constant 16 : index
      %swap3A_174 = tpu.vector_load %arg10[%swap3A_173] {strides = array<i32>} : memref<64xi32, #tpu.memory_space<vmem>>, vector<16xi32>,
      %swap3A_175 = vector.shape_cast %swap3A_174 : vector<16xi32> to vector<16xi32>
      %swap3A_176 = vector.shape_cast %get3A_172 : vector<16xi32> to vector<16xi32>
      tpu.vector_store %arg10[%swap3A_173], %swap3A_176 {strides = array<i32>} : memref<64xi32, #tpu.memory_space<vmem>>, vector<16xi32>,
      %add3A_177 = arith.constant 32 : i32
      %add3A_178 = arith.addi %mul3A_151, %add3A_177 : i32
      %get3A_179 = arith.index_cast %shift_right_arithmetic3A_147 : i32 to index
      %get3A_180 = arith.index_cast %add3A_178 : i32 to index
      %get3A_181 = tpu.vector_load %arg9[%get3A_179, %get3A_180] {strides = array<i32>} : memref<40x128xi32, #tpu.memory_space<vmem>>, vector<1x16xi32>,
      %get3A_182 = vector.shape_cast %get3A_181 : vector<1x16xi32> to vector<16xi32>
      %swap3A_183 = arith.constant 32 : index
      %swap3A_184 = tpu.vector_load %arg10[%swap3A_183] {strides = array<i32>} : memref<64xi32, #tpu.memory_space<vmem>>, vector<16xi32>,
      %swap3A_185 = vector.shape_cast %swap3A_184 : vector<16xi32> to vector<16xi32>
      %swap3A_186 = vector.shape_cast %get3A_182 : vector<16xi32> to vector<16xi32>
      tpu.vector_store %arg10[%swap3A_183], %swap3A_186 {strides = array<i32>} : memref<64xi32, #tpu.memory_space<vmem>>, vector<16xi32>,
      %add3A_187 = arith.constant 48 : i32
      %add3A_188 = arith.addi %mul3A_151, %add3A_187 : i32
      %get3A_189 = arith.index_cast %shift_right_arithmetic3A_147 : i32 to index
      %get3A_190 = arith.index_cast %add3A_188 : i32 to index
      %get3A_191 = tpu.vector_load %arg9[%get3A_189, %get3A_190] {strides = array<i32>} : memref<40x128xi32, #tpu.memory_space<vmem>>, vector<1x16xi32>,
      %get3A_192 = vector.shape_cast %get3A_191 : vector<1x16xi32> to vector<16xi32>
      %swap3A_193 = arith.constant 48 : index
      %swap3A_194 = tpu.vector_load %arg10[%swap3A_193] {strides = array<i32>} : memref<64xi32, #tpu.memory_space<vmem>>, vector<16xi32>,
      %swap3A_195 = vector.shape_cast %swap3A_194 : vector<16xi32> to vector<16xi32>
      %swap3A_196 = vector.shape_cast %get3A_192 : vector<16xi32> to vector<16xi32>
      tpu.vector_store %arg10[%swap3A_193], %swap3A_196 {strides = array<i32>} : memref<64xi32, #tpu.memory_space<vmem>>, vector<16xi32>,
      "tpu.region"() ({
        %run_scoped3A_324 = tpu.sem_alloc : memref<!tpu.dma_semaphore, #tpu.memory_space<semaphore_mem>>
        %dma_start3A_325 = arith.constant 0 : i32
        %dma_start3A_326 = arith.constant 0 : i32
        %dma_start3A_327 = tpu.memref_slice %arg15[%dma_start3A_325, %dma_start3A_326] : memref<10112x128xf32, #tpu.memory_space<vmem_shared>> -> memref<10112x128xf32, #tpu.memory_space<vmem_shared>>
        tpu.enqueue_indirect_dma source(%arg12 : memref<64x128xf32, #tpu.memory_space<vmem>>) target(%dma_start3A_327 : memref<10112x128xf32, #tpu.memory_space<vmem_shared>>) offsets(%arg10 : memref<64xi32, #tpu.memory_space<vmem>>) semaphore(%run_scoped3A_324 : memref<!tpu.dma_semaphore, #tpu.memory_space<semaphore_mem>>) {add = true}
        %dma_wait3A_328 = arith.constant 0 : i32
        %dma_wait3A_329 = arith.constant 0 : i32
        %dma_wait3A_330 = tpu.memref_slice %arg15[%dma_wait3A_328, %dma_wait3A_329] : memref<10112x128xf32, #tpu.memory_space<vmem_shared>> -> memref<10112x128xf32, #tpu.memory_space<vmem_shared>>
        tpu.wait_indirect_dma semaphore(%run_scoped3A_324 : memref<!tpu.dma_semaphore, #tpu.memory_space<semaphore_mem>>) src(%arg12 : memref<64x128xf32, #tpu.memory_space<vmem>>) dst(%dma_wait3A_330 : memref<10112x128xf32, #tpu.memory_space<vmem_shared>>)
        tpu.yield
      }) : () -> ()
      %add3A_197 = arith.constant 4 : i32
      %add3A_198 = arith.addi %add3A_145, %add3A_197 : i32
      %lt3A_199 = arith.constant 80 : i32
      %lt3A_200 = arith.cmpi slt, %add3A_198, %lt3A_199 : i32
      %convert_element_type3A_201 = arith.extui %lt3A_200 : i1 to i32
      %cond3A_202 = arith.constant 0 : i32
      %cond3A_203 = arith.cmpi ne, %convert_element_type3A_201, %cond3A_202 : i32
      scf.if %cond3A_203 {
        %add3A_324 = arith.constant 4 : i32
        %add3A_325 = arith.addi %add3A_145, %add3A_324 : i32
        %shift_right_arithmetic3A_326 = arith.constant 1 : i32
        %shift_right_arithmetic3A_327 = arith.shrsi %add3A_325, %shift_right_arithmetic3A_326 : i32
        %and3A_328 = arith.constant 1 : i32
        %and3A_329 = arith.andi %add3A_325, %and3A_328 : i32
        %mul3A_330 = arith.constant 64 : i32
        %mul3A_331 = arith.muli %and3A_329, %mul3A_330 : i32
        %dma_start3A_332 = tpu.memref_slice %arg8[%shift_right_arithmetic3A_327, %mul3A_331] : memref<40x128xi32, #tpu.memory_space<vmem>> -> memref<1x64xi32, #tpu.memory_space<vmem>>
        %dma_start3A_333 = tpu.memref_squeeze %dma_start3A_332 : memref<1x64xi32, #tpu.memory_space<vmem>> -> memref<64xi32, #tpu.memory_space<vmem>>
        %dma_start3A_334 = arith.constant 0 : i32
        %dma_start3A_335 = arith.constant 0 : i32
        %dma_start3A_336 = tpu.memref_slice %arg3[%dma_start3A_334, %dma_start3A_335] : memref<10112x128xf32, #tpu.memory_space<hbm>> -> memref<10112x128xf32, #tpu.memory_space<hbm>>
        tpu.enqueue_indirect_dma source(%dma_start3A_336 : memref<10112x128xf32, #tpu.memory_space<hbm>>) target(%arg12 : memref<64x128xf32, #tpu.memory_space<vmem>>) offsets(%dma_start3A_333 : memref<64xi32, #tpu.memory_space<vmem>>) semaphore(%arg17 : memref<!tpu.dma_semaphore, #tpu.memory_space<semaphore_mem>>)
      } else {
      }
      %add3A_204 = arith.constant 2 : i32
      %add3A_205 = arith.addi %add3A_91, %add3A_204 : i32
      %shift_right_arithmetic3A_206 = arith.constant 1 : i32
      %shift_right_arithmetic3A_207 = arith.shrsi %add3A_205, %shift_right_arithmetic3A_206 : i32
      %and3A_208 = arith.constant 1 : i32
      %and3A_209 = arith.andi %add3A_205, %and3A_208 : i32
      %mul3A_210 = arith.constant 64 : i32
      %mul3A_211 = arith.muli %and3A_209, %mul3A_210 : i32
      %dma_wait3A_212 = tpu.memref_slice %arg8[%shift_right_arithmetic3A_207, %mul3A_211] : memref<40x128xi32, #tpu.memory_space<vmem>> -> memref<1x64xi32, #tpu.memory_space<vmem>>
      %dma_wait3A_213 = tpu.memref_squeeze %dma_wait3A_212 : memref<1x64xi32, #tpu.memory_space<vmem>> -> memref<64xi32, #tpu.memory_space<vmem>>
      %dma_wait3A_214 = arith.constant 0 : i32
      %dma_wait3A_215 = arith.constant 0 : i32
      %dma_wait3A_216 = tpu.memref_slice %arg3[%dma_wait3A_214, %dma_wait3A_215] : memref<10112x128xf32, #tpu.memory_space<hbm>> -> memref<10112x128xf32, #tpu.memory_space<hbm>>
      tpu.wait_indirect_dma semaphore(%arg18 : memref<!tpu.dma_semaphore, #tpu.memory_space<semaphore_mem>>) src(%dma_wait3A_216 : memref<10112x128xf32, #tpu.memory_space<hbm>>) dst(%arg13 : memref<64x128xf32, #tpu.memory_space<vmem>>)
      %add3A_217 = arith.constant 0 : i32
      %add3A_218 = arith.addi %mul3A_211, %add3A_217 : i32
      %get3A_219 = arith.index_cast %shift_right_arithmetic3A_207 : i32 to index
      %get3A_220 = arith.index_cast %add3A_218 : i32 to index
      %get3A_221 = tpu.vector_load %arg9[%get3A_219, %get3A_220] {strides = array<i32>} : memref<40x128xi32, #tpu.memory_space<vmem>>, vector<1x16xi32>,
      %get3A_222 = vector.shape_cast %get3A_221 : vector<1x16xi32> to vector<16xi32>
      %swap3A_223 = arith.constant 0 : index
      %swap3A_224 = tpu.vector_load %arg10[%swap3A_223] {strides = array<i32>} : memref<64xi32, #tpu.memory_space<vmem>>, vector<16xi32>,
      %swap3A_225 = vector.shape_cast %swap3A_224 : vector<16xi32> to vector<16xi32>
      %swap3A_226 = vector.shape_cast %get3A_222 : vector<16xi32> to vector<16xi32>
      tpu.vector_store %arg10[%swap3A_223], %swap3A_226 {strides = array<i32>} : memref<64xi32, #tpu.memory_space<vmem>>, vector<16xi32>,
      %add3A_227 = arith.constant 16 : i32
      %add3A_228 = arith.addi %mul3A_211, %add3A_227 : i32
      %get3A_229 = arith.index_cast %shift_right_arithmetic3A_207 : i32 to index
      %get3A_230 = arith.index_cast %add3A_228 : i32 to index
      %get3A_231 = tpu.vector_load %arg9[%get3A_229, %get3A_230] {strides = array<i32>} : memref<40x128xi32, #tpu.memory_space<vmem>>, vector<1x16xi32>,
      %get3A_232 = vector.shape_cast %get3A_231 : vector<1x16xi32> to vector<16xi32>
      %swap3A_233 = arith.constant 16 : index
      %swap3A_234 = tpu.vector_load %arg10[%swap3A_233] {strides = array<i32>} : memref<64xi32, #tpu.memory_space<vmem>>, vector<16xi32>,
      %swap3A_235 = vector.shape_cast %swap3A_234 : vector<16xi32> to vector<16xi32>
      %swap3A_236 = vector.shape_cast %get3A_232 : vector<16xi32> to vector<16xi32>
      tpu.vector_store %arg10[%swap3A_233], %swap3A_236 {strides = array<i32>} : memref<64xi32, #tpu.memory_space<vmem>>, vector<16xi32>,
      %add3A_237 = arith.constant 32 : i32
      %add3A_238 = arith.addi %mul3A_211, %add3A_237 : i32
      %get3A_239 = arith.index_cast %shift_right_arithmetic3A_207 : i32 to index
      %get3A_240 = arith.index_cast %add3A_238 : i32 to index
      %get3A_241 = tpu.vector_load %arg9[%get3A_239, %get3A_240] {strides = array<i32>} : memref<40x128xi32, #tpu.memory_space<vmem>>, vector<1x16xi32>,
      %get3A_242 = vector.shape_cast %get3A_241 : vector<1x16xi32> to vector<16xi32>
      %swap3A_243 = arith.constant 32 : index
      %swap3A_244 = tpu.vector_load %arg10[%swap3A_243] {strides = array<i32>} : memref<64xi32, #tpu.memory_space<vmem>>, vector<16xi32>,
      %swap3A_245 = vector.shape_cast %swap3A_244 : vector<16xi32> to vector<16xi32>
      %swap3A_246 = vector.shape_cast %get3A_242 : vector<16xi32> to vector<16xi32>
      tpu.vector_store %arg10[%swap3A_243], %swap3A_246 {strides = array<i32>} : memref<64xi32, #tpu.memory_space<vmem>>, vector<16xi32>,
      %add3A_247 = arith.constant 48 : i32
      %add3A_248 = arith.addi %mul3A_211, %add3A_247 : i32
      %get3A_249 = arith.index_cast %shift_right_arithmetic3A_207 : i32 to index
      %get3A_250 = arith.index_cast %add3A_248 : i32 to index
      %get3A_251 = tpu.vector_load %arg9[%get3A_249, %get3A_250] {strides = array<i32>} : memref<40x128xi32, #tpu.memory_space<vmem>>, vector<1x16xi32>,
      %get3A_252 = vector.shape_cast %get3A_251 : vector<1x16xi32> to vector<16xi32>
      %swap3A_253 = arith.constant 48 : index
      %swap3A_254 = tpu.vector_load %arg10[%swap3A_253] {strides = array<i32>} : memref<64xi32, #tpu.memory_space<vmem>>, vector<16xi32>,
      %swap3A_255 = vector.shape_cast %swap3A_254 : vector<16xi32> to vector<16xi32>
      %swap3A_256 = vector.shape_cast %get3A_252 : vector<16xi32> to vector<16xi32>
      tpu.vector_store %arg10[%swap3A_253], %swap3A_256 {strides = array<i32>} : memref<64xi32, #tpu.memory_space<vmem>>, vector<16xi32>,
      "tpu.region"() ({
        %run_scoped3A_324 = tpu.sem_alloc : memref<!tpu.dma_semaphore, #tpu.memory_space<semaphore_mem>>
        %dma_start3A_325 = arith.constant 0 : i32
        %dma_start3A_326 = arith.constant 0 : i32
        %dma_start3A_327 = tpu.memref_slice %arg15[%dma_start3A_325, %dma_start3A_326] : memref<10112x128xf32, #tpu.memory_space<vmem_shared>> -> memref<10112x128xf32, #tpu.memory_space<vmem_shared>>
        tpu.enqueue_indirect_dma source(%arg13 : memref<64x128xf32, #tpu.memory_space<vmem>>) target(%dma_start3A_327 : memref<10112x128xf32, #tpu.memory_space<vmem_shared>>) offsets(%arg10 : memref<64xi32, #tpu.memory_space<vmem>>) semaphore(%run_scoped3A_324 : memref<!tpu.dma_semaphore, #tpu.memory_space<semaphore_mem>>) {add = true}
        %dma_wait3A_328 = arith.constant 0 : i32
        %dma_wait3A_329 = arith.constant 0 : i32
        %dma_wait3A_330 = tpu.memref_slice %arg15[%dma_wait3A_328, %dma_wait3A_329] : memref<10112x128xf32, #tpu.memory_space<vmem_shared>> -> memref<10112x128xf32, #tpu.memory_space<vmem_shared>>
        tpu.wait_indirect_dma semaphore(%run_scoped3A_324 : memref<!tpu.dma_semaphore, #tpu.memory_space<semaphore_mem>>) src(%arg13 : memref<64x128xf32, #tpu.memory_space<vmem>>) dst(%dma_wait3A_330 : memref<10112x128xf32, #tpu.memory_space<vmem_shared>>)
        tpu.yield
      }) : () -> ()
      %add3A_257 = arith.constant 4 : i32
      %add3A_258 = arith.addi %add3A_205, %add3A_257 : i32
      %lt3A_259 = arith.constant 80 : i32
      %lt3A_260 = arith.cmpi slt, %add3A_258, %lt3A_259 : i32
      %convert_element_type3A_261 = arith.extui %lt3A_260 : i1 to i32
      %cond3A_262 = arith.constant 0 : i32
      %cond3A_263 = arith.cmpi ne, %convert_element_type3A_261, %cond3A_262 : i32
      scf.if %cond3A_263 {
        %add3A_324 = arith.constant 4 : i32
        %add3A_325 = arith.addi %add3A_205, %add3A_324 : i32
        %shift_right_arithmetic3A_326 = arith.constant 1 : i32
        %shift_right_arithmetic3A_327 = arith.shrsi %add3A_325, %shift_right_arithmetic3A_326 : i32
        %and3A_328 = arith.constant 1 : i32
        %and3A_329 = arith.andi %add3A_325, %and3A_328 : i32
        %mul3A_330 = arith.constant 64 : i32
        %mul3A_331 = arith.muli %and3A_329, %mul3A_330 : i32
        %dma_start3A_332 = tpu.memref_slice %arg8[%shift_right_arithmetic3A_327, %mul3A_331] : memref<40x128xi32, #tpu.memory_space<vmem>> -> memref<1x64xi32, #tpu.memory_space<vmem>>
        %dma_start3A_333 = tpu.memref_squeeze %dma_start3A_332 : memref<1x64xi32, #tpu.memory_space<vmem>> -> memref<64xi32, #tpu.memory_space<vmem>>
        %dma_start3A_334 = arith.constant 0 : i32
        %dma_start3A_335 = arith.constant 0 : i32
        %dma_start3A_336 = tpu.memref_slice %arg3[%dma_start3A_334, %dma_start3A_335] : memref<10112x128xf32, #tpu.memory_space<hbm>> -> memref<10112x128xf32, #tpu.memory_space<hbm>>
        tpu.enqueue_indirect_dma source(%dma_start3A_336 : memref<10112x128xf32, #tpu.memory_space<hbm>>) target(%arg13 : memref<64x128xf32, #tpu.memory_space<vmem>>) offsets(%dma_start3A_333 : memref<64xi32, #tpu.memory_space<vmem>>) semaphore(%arg18 : memref<!tpu.dma_semaphore, #tpu.memory_space<semaphore_mem>>)
      } else {
      }
      %add3A_264 = arith.constant 3 : i32
      %add3A_265 = arith.addi %add3A_91, %add3A_264 : i32
      %shift_right_arithmetic3A_266 = arith.constant 1 : i32
      %shift_right_arithmetic3A_267 = arith.shrsi %add3A_265, %shift_right_arithmetic3A_266 : i32
      %and3A_268 = arith.constant 1 : i32
      %and3A_269 = arith.andi %add3A_265, %and3A_268 : i32
      %mul3A_270 = arith.constant 64 : i32
      %mul3A_271 = arith.muli %and3A_269, %mul3A_270 : i32
      %dma_wait3A_272 = tpu.memref_slice %arg8[%shift_right_arithmetic3A_267, %mul3A_271] : memref<40x128xi32, #tpu.memory_space<vmem>> -> memref<1x64xi32, #tpu.memory_space<vmem>>
      %dma_wait3A_273 = tpu.memref_squeeze %dma_wait3A_272 : memref<1x64xi32, #tpu.memory_space<vmem>> -> memref<64xi32, #tpu.memory_space<vmem>>
      %dma_wait3A_274 = arith.constant 0 : i32
      %dma_wait3A_275 = arith.constant 0 : i32
      %dma_wait3A_276 = tpu.memref_slice %arg3[%dma_wait3A_274, %dma_wait3A_275] : memref<10112x128xf32, #tpu.memory_space<hbm>> -> memref<10112x128xf32, #tpu.memory_space<hbm>>
      tpu.wait_indirect_dma semaphore(%arg19 : memref<!tpu.dma_semaphore, #tpu.memory_space<semaphore_mem>>) src(%dma_wait3A_276 : memref<10112x128xf32, #tpu.memory_space<hbm>>) dst(%arg14 : memref<64x128xf32, #tpu.memory_space<vmem>>)
      %add3A_277 = arith.constant 0 : i32
      %add3A_278 = arith.addi %mul3A_271, %add3A_277 : i32
      %get3A_279 = arith.index_cast %shift_right_arithmetic3A_267 : i32 to index
      %get3A_280 = arith.index_cast %add3A_278 : i32 to index
      %get3A_281 = tpu.vector_load %arg9[%get3A_279, %get3A_280] {strides = array<i32>} : memref<40x128xi32, #tpu.memory_space<vmem>>, vector<1x16xi32>,
      %get3A_282 = vector.shape_cast %get3A_281 : vector<1x16xi32> to vector<16xi32>
      %swap3A_283 = arith.constant 0 : index
      %swap3A_284 = tpu.vector_load %arg10[%swap3A_283] {strides = array<i32>} : memref<64xi32, #tpu.memory_space<vmem>>, vector<16xi32>,
      %swap3A_285 = vector.shape_cast %swap3A_284 : vector<16xi32> to vector<16xi32>
      %swap3A_286 = vector.shape_cast %get3A_282 : vector<16xi32> to vector<16xi32>
      tpu.vector_store %arg10[%swap3A_283], %swap3A_286 {strides = array<i32>} : memref<64xi32, #tpu.memory_space<vmem>>, vector<16xi32>,
      %add3A_287 = arith.constant 16 : i32
      %add3A_288 = arith.addi %mul3A_271, %add3A_287 : i32
      %get3A_289 = arith.index_cast %shift_right_arithmetic3A_267 : i32 to index
      %get3A_290 = arith.index_cast %add3A_288 : i32 to index
      %get3A_291 = tpu.vector_load %arg9[%get3A_289, %get3A_290] {strides = array<i32>} : memref<40x128xi32, #tpu.memory_space<vmem>>, vector<1x16xi32>,
      %get3A_292 = vector.shape_cast %get3A_291 : vector<1x16xi32> to vector<16xi32>
      %swap3A_293 = arith.constant 16 : index
      %swap3A_294 = tpu.vector_load %arg10[%swap3A_293] {strides = array<i32>} : memref<64xi32, #tpu.memory_space<vmem>>, vector<16xi32>,
      %swap3A_295 = vector.shape_cast %swap3A_294 : vector<16xi32> to vector<16xi32>
      %swap3A_296 = vector.shape_cast %get3A_292 : vector<16xi32> to vector<16xi32>
      tpu.vector_store %arg10[%swap3A_293], %swap3A_296 {strides = array<i32>} : memref<64xi32, #tpu.memory_space<vmem>>, vector<16xi32>,
      %add3A_297 = arith.constant 32 : i32
      %add3A_298 = arith.addi %mul3A_271, %add3A_297 : i32
      %get3A_299 = arith.index_cast %shift_right_arithmetic3A_267 : i32 to index
      %get3A_300 = arith.index_cast %add3A_298 : i32 to index
      %get3A_301 = tpu.vector_load %arg9[%get3A_299, %get3A_300] {strides = array<i32>} : memref<40x128xi32, #tpu.memory_space<vmem>>, vector<1x16xi32>,
      %get3A_302 = vector.shape_cast %get3A_301 : vector<1x16xi32> to vector<16xi32>
      %swap3A_303 = arith.constant 32 : index
      %swap3A_304 = tpu.vector_load %arg10[%swap3A_303] {strides = array<i32>} : memref<64xi32, #tpu.memory_space<vmem>>, vector<16xi32>,
      %swap3A_305 = vector.shape_cast %swap3A_304 : vector<16xi32> to vector<16xi32>
      %swap3A_306 = vector.shape_cast %get3A_302 : vector<16xi32> to vector<16xi32>
      tpu.vector_store %arg10[%swap3A_303], %swap3A_306 {strides = array<i32>} : memref<64xi32, #tpu.memory_space<vmem>>, vector<16xi32>,
      %add3A_307 = arith.constant 48 : i32
      %add3A_308 = arith.addi %mul3A_271, %add3A_307 : i32
      %get3A_309 = arith.index_cast %shift_right_arithmetic3A_267 : i32 to index
      %get3A_310 = arith.index_cast %add3A_308 : i32 to index
      %get3A_311 = tpu.vector_load %arg9[%get3A_309, %get3A_310] {strides = array<i32>} : memref<40x128xi32, #tpu.memory_space<vmem>>, vector<1x16xi32>,
      %get3A_312 = vector.shape_cast %get3A_311 : vector<1x16xi32> to vector<16xi32>
      %swap3A_313 = arith.constant 48 : index
      %swap3A_314 = tpu.vector_load %arg10[%swap3A_313] {strides = array<i32>} : memref<64xi32, #tpu.memory_space<vmem>>, vector<16xi32>,
      %swap3A_315 = vector.shape_cast %swap3A_314 : vector<16xi32> to vector<16xi32>
      %swap3A_316 = vector.shape_cast %get3A_312 : vector<16xi32> to vector<16xi32>
      tpu.vector_store %arg10[%swap3A_313], %swap3A_316 {strides = array<i32>} : memref<64xi32, #tpu.memory_space<vmem>>, vector<16xi32>,
      "tpu.region"() ({
        %run_scoped3A_324 = tpu.sem_alloc : memref<!tpu.dma_semaphore, #tpu.memory_space<semaphore_mem>>
        %dma_start3A_325 = arith.constant 0 : i32
        %dma_start3A_326 = arith.constant 0 : i32
        %dma_start3A_327 = tpu.memref_slice %arg15[%dma_start3A_325, %dma_start3A_326] : memref<10112x128xf32, #tpu.memory_space<vmem_shared>> -> memref<10112x128xf32, #tpu.memory_space<vmem_shared>>
        tpu.enqueue_indirect_dma source(%arg14 : memref<64x128xf32, #tpu.memory_space<vmem>>) target(%dma_start3A_327 : memref<10112x128xf32, #tpu.memory_space<vmem_shared>>) offsets(%arg10 : memref<64xi32, #tpu.memory_space<vmem>>) semaphore(%run_scoped3A_324 : memref<!tpu.dma_semaphore, #tpu.memory_space<semaphore_mem>>) {add = true}
        %dma_wait3A_328 = arith.constant 0 : i32
        %dma_wait3A_329 = arith.constant 0 : i32
        %dma_wait3A_330 = tpu.memref_slice %arg15[%dma_wait3A_328, %dma_wait3A_329] : memref<10112x128xf32, #tpu.memory_space<vmem_shared>> -> memref<10112x128xf32, #tpu.memory_space<vmem_shared>>
        tpu.wait_indirect_dma semaphore(%run_scoped3A_324 : memref<!tpu.dma_semaphore, #tpu.memory_space<semaphore_mem>>) src(%arg14 : memref<64x128xf32, #tpu.memory_space<vmem>>) dst(%dma_wait3A_330 : memref<10112x128xf32, #tpu.memory_space<vmem_shared>>)
        tpu.yield
      }) : () -> ()
      %add3A_317 = arith.constant 4 : i32
      %add3A_318 = arith.addi %add3A_265, %add3A_317 : i32
      %lt3A_319 = arith.constant 80 : i32
      %lt3A_320 = arith.cmpi slt, %add3A_318, %lt3A_319 : i32
      %convert_element_type3A_321 = arith.extui %lt3A_320 : i1 to i32
      %cond3A_322 = arith.constant 0 : i32
      %cond3A_323 = arith.cmpi ne, %convert_element_type3A_321, %cond3A_322 : i32
      scf.if %cond3A_323 {
        %add3A_324 = arith.constant 4 : i32
        %add3A_325 = arith.addi %add3A_265, %add3A_324 : i32
        %shift_right_arithmetic3A_326 = arith.constant 1 : i32
        %shift_right_arithmetic3A_327 = arith.shrsi %add3A_325, %shift_right_arithmetic3A_326 : i32
        %and3A_328 = arith.constant 1 : i32
        %and3A_329 = arith.andi %add3A_325, %and3A_328 : i32
        %mul3A_330 = arith.constant 64 : i32
        %mul3A_331 = arith.muli %and3A_329, %mul3A_330 : i32
        %dma_start3A_332 = tpu.memref_slice %arg8[%shift_right_arithmetic3A_327, %mul3A_331] : memref<40x128xi32, #tpu.memory_space<vmem>> -> memref<1x64xi32, #tpu.memory_space<vmem>>
        %dma_start3A_333 = tpu.memref_squeeze %dma_start3A_332 : memref<1x64xi32, #tpu.memory_space<vmem>> -> memref<64xi32, #tpu.memory_space<vmem>>
        %dma_start3A_334 = arith.constant 0 : i32
        %dma_start3A_335 = arith.constant 0 : i32
        %dma_start3A_336 = tpu.memref_slice %arg3[%dma_start3A_334, %dma_start3A_335] : memref<10112x128xf32, #tpu.memory_space<hbm>> -> memref<10112x128xf32, #tpu.memory_space<hbm>>
        tpu.enqueue_indirect_dma source(%dma_start3A_336 : memref<10112x128xf32, #tpu.memory_space<hbm>>) target(%arg14 : memref<64x128xf32, #tpu.memory_space<vmem>>) offsets(%dma_start3A_333 : memref<64xi32, #tpu.memory_space<vmem>>) semaphore(%arg19 : memref<!tpu.dma_semaphore, #tpu.memory_space<semaphore_mem>>)
      } else {
      }
    }
    %scan3A_81 = arith.constant 20 : i32
    %barrier3A_82 = arith.constant 0 : index
    tpu.barrier barrier_id(%barrier3A_82)
    %mul3A_83 = arith.constant 632 : i32
    %mul3A_84 = arith.muli %arg1, %mul3A_83 : i32
    %mul3A_85 = arith.constant 632 : i32
    %mul3A_86 = arith.muli %arg1, %mul3A_85 : i32
    "tpu.region"() ({
      %run_scoped3A_87 = tpu.sem_alloc : memref<!tpu.dma_semaphore, #tpu.memory_space<semaphore_mem>>
      %dma_start3A_88 = arith.constant 0 : i32
      %dma_start3A_89 = tpu.memref_slice %arg7[%arg0, %mul3A_86, %dma_start3A_88] : memref<2x10112x128xf32, #tpu.memory_space<hbm>> -> memref<1x632x128xf32, #tpu.memory_space<hbm>>
      %dma_start3A_90 = tpu.memref_squeeze %dma_start3A_89 : memref<1x632x128xf32, #tpu.memory_space<hbm>> -> memref<632x128xf32, #tpu.memory_space<hbm>>
      %dma_start3A_91 = arith.constant 0 : i32
      %dma_start3A_92 = tpu.memref_slice %arg15[%mul3A_84, %dma_start3A_91] : memref<10112x128xf32, #tpu.memory_space<vmem_shared>> -> memref<632x128xf32, #tpu.memory_space<vmem_shared>>
      tpu.enqueue_dma source(%dma_start3A_92 : memref<632x128xf32, #tpu.memory_space<vmem_shared>>) target(%dma_start3A_90 : memref<632x128xf32, #tpu.memory_space<hbm>>) target_semaphore(%run_scoped3A_87 : memref<!tpu.dma_semaphore, #tpu.memory_space<semaphore_mem>>)
      %dma_wait3A = arith.constant 0 : i32
      %dma_wait3A_93 = tpu.memref_slice %arg7[%arg0, %mul3A_86, %dma_wait3A] : memref<2x10112x128xf32, #tpu.memory_space<hbm>> -> memref<1x632x128xf32, #tpu.memory_space<hbm>>
      %dma_wait3A_94 = tpu.memref_squeeze %dma_wait3A_93 : memref<1x632x128xf32, #tpu.memory_space<hbm>> -> memref<632x128xf32, #tpu.memory_space<hbm>>
      %dma_wait3A_95 = arith.constant 0 : i32
      %dma_wait3A_96 = tpu.memref_slice %arg15[%mul3A_84, %dma_wait3A_95] : memref<10112x128xf32, #tpu.memory_space<vmem_shared>> -> memref<632x128xf32, #tpu.memory_space<vmem_shared>>
      tpu.wait_dma2 semaphore(%run_scoped3A_87 : memref<!tpu.dma_semaphore, #tpu.memory_space<semaphore_mem>>) src(%dma_wait3A_96 : memref<632x128xf32, #tpu.memory_space<vmem_shared>>) dst(%dma_wait3A_94 : memref<632x128xf32, #tpu.memory_space<hbm>>)
      tpu.yield
    }) : () -> ()
    return
  }
}

#map = affine_map<(d0, d1) -> (0, 0)>
#map1 = affine_map<(d0, d1) -> (0, 0, 0)>
module attributes {stable_mosaic.version = 14 : i64} {
  func.func @_sc_agg_body(%arg0: i32, %arg1: i32, %arg2: memref<10112x128xf32, #tpu.memory_space<hbm>>, %arg3: memref<10112x128xf32, #tpu.memory_space<hbm>>, %arg4: memref<2x1280x128xi32, #tpu.memory_space<hbm>>, %arg5: memref<10112x128xf32, #tpu.memory_space<hbm>>, %arg6: memref<2x10112x128xf32, #tpu.memory_space<hbm>>, %arg7: memref<2x10112x128xf32, #tpu.memory_space<hbm>>, %arg8: memref<40x128xi32, #tpu.memory_space<vmem>>, %arg9: memref<40x128xi32, #tpu.memory_space<vmem>>, %arg10: memref<64xi32, #tpu.memory_space<vmem>>, %arg11: memref<64x128xf32, #tpu.memory_space<vmem>>, %arg12: memref<64x128xf32, #tpu.memory_space<vmem>>, %arg13: memref<64x128xf32, #tpu.memory_space<vmem>>, %arg14: memref<64x128xf32, #tpu.memory_space<vmem>>, %arg15: memref<10112x128xf32, #tpu.memory_space<vmem_shared>>, %arg16: memref<!tpu.dma_semaphore, #tpu.memory_space<semaphore_mem>>, %arg17: memref<!tpu.dma_semaphore, #tpu.memory_space<semaphore_mem>>, %arg18: memref<!tpu.dma_semaphore, #tpu.memory_space<semaphore_mem>>, %arg19: memref<!tpu.dma_semaphore, #tpu.memory_space<semaphore_mem>>) attributes {dimension_semantics = [#tpu.dimension_semantics<core_parallel>, #tpu.dimension_semantics<subcore_parallel>], iteration_bounds = array<i64: 2, 16>, scalar_prefetch = 0 : i64, scratch_operands = 12 : i64, tpu.core_type = #tpu.core_type<sc_vector_subcore>, window_params = [{transform_indices = #map}, {transform_indices = #map}, {transform_indices = #map1}, {transform_indices = #map}, {transform_indices = #map1}, {transform_indices = #map1}]} {
    %mul3A = arith.constant 2 : i32
    %mul3A_0 = arith.muli %arg1, %mul3A : i32
    %add3A = arith.addi %mul3A_0, %arg0 : i32
    %mul3A_1 = arith.constant 40 : i32
    %mul3A_2 = arith.muli %add3A, %mul3A_1 : i32
    %run_scoped3A = arith.constant 0 : i32
    "tpu.region"() ({
      %run_scoped3A_87 = tpu.sem_alloc : memref<!tpu.dma_semaphore, #tpu.memory_space<semaphore_mem>>
      %dma_start3A_88 = arith.constant 0 : i32
      %dma_start3A_89 = tpu.memref_slice %arg4[%run_scoped3A, %mul3A_2, %dma_start3A_88] : memref<2x1280x128xi32, #tpu.memory_space<hbm>> -> memref<1x40x128xi32, #tpu.memory_space<hbm>>
      %dma_start3A_90 = tpu.memref_squeeze %dma_start3A_89 : memref<1x40x128xi32, #tpu.memory_space<hbm>> -> memref<40x128xi32, #tpu.memory_space<hbm>>
      %dma_start3A_91 = arith.constant 0 : i32
      %dma_start3A_92 = tpu.memref_slice %arg4[%run_scoped3A, %mul3A_2, %dma_start3A_91] : memref<2x1280x128xi32, #tpu.memory_space<hbm>> -> memref<1x40x128xi32, #tpu.memory_space<hbm>>
      %dma_start3A_93 = tpu.memref_squeeze %dma_start3A_92 : memref<1x40x128xi32, #tpu.memory_space<hbm>> -> memref<40x128xi32, #tpu.memory_space<hbm>>
      tpu.enqueue_dma source(%dma_start3A_93 : memref<40x128xi32, #tpu.memory_space<hbm>>) target(%arg8 : memref<40x128xi32, #tpu.memory_space<vmem>>) target_semaphore(%run_scoped3A_87 : memref<!tpu.dma_semaphore, #tpu.memory_space<semaphore_mem>>)
      %dma_wait3A = arith.constant 0 : i32
      %dma_wait3A_94 = tpu.memref_slice %arg4[%run_scoped3A, %mul3A_2, %dma_wait3A] : memref<2x1280x128xi32, #tpu.memory_space<hbm>> -> memref<1x40x128xi32, #tpu.memory_space<hbm>>
      %dma_wait3A_95 = tpu.memref_squeeze %dma_wait3A_94 : memref<1x40x128xi32, #tpu.memory_space<hbm>> -> memref<40x128xi32, #tpu.memory_space<hbm>>
      %dma_wait3A_96 = arith.constant 0 : i32
      %dma_wait3A_97 = tpu.memref_slice %arg4[%run_scoped3A, %mul3A_2, %dma_wait3A_96] : memref<2x1280x128xi32, #tpu.memory_space<hbm>> -> memref<1x40x128xi32, #tpu.memory_space<hbm>>
      %dma_wait3A_98 = tpu.memref_squeeze %dma_wait3A_97 : memref<1x40x128xi32, #tpu.memory_space<hbm>> -> memref<40x128xi32, #tpu.memory_space<hbm>>
      tpu.wait_dma2 semaphore(%run_scoped3A_87 : memref<!tpu.dma_semaphore, #tpu.memory_space<semaphore_mem>>) src(%dma_wait3A_98 : memref<40x128xi32, #tpu.memory_space<hbm>>) dst(%arg8 : memref<40x128xi32, #tpu.memory_space<vmem>>)
      tpu.yield
    }) : () -> ()
    %run_scoped3A_3 = arith.constant 1 : i32
    "tpu.region"() ({
      %run_scoped3A_87 = tpu.sem_alloc : memref<!tpu.dma_semaphore, #tpu.memory_space<semaphore_mem>>
      %dma_start3A_88 = arith.constant 0 : i32
      %dma_start3A_89 = tpu.memref_slice %arg4[%run_scoped3A_3, %mul3A_2, %dma_start3A_88] : memref<2x1280x128xi32, #tpu.memory_space<hbm>> -> memref<1x40x128xi32, #tpu.memory_space<hbm>>
      %dma_start3A_90 = tpu.memref_squeeze %dma_start3A_89 : memref<1x40x128xi32, #tpu.memory_space<hbm>> -> memref<40x128xi32, #tpu.memory_space<hbm>>
      %dma_start3A_91 = arith.constant 0 : i32
      %dma_start3A_92 = tpu.memref_slice %arg4[%run_scoped3A_3, %mul3A_2, %dma_start3A_91] : memref<2x1280x128xi32, #tpu.memory_space<hbm>> -> memref<1x40x128xi32, #tpu.memory_space<hbm>>
      %dma_start3A_93 = tpu.memref_squeeze %dma_start3A_92 : memref<1x40x128xi32, #tpu.memory_space<hbm>> -> memref<40x128xi32, #tpu.memory_space<hbm>>
      tpu.enqueue_dma source(%dma_start3A_93 : memref<40x128xi32, #tpu.memory_space<hbm>>) target(%arg9 : memref<40x128xi32, #tpu.memory_space<vmem>>) target_semaphore(%run_scoped3A_87 : memref<!tpu.dma_semaphore, #tpu.memory_space<semaphore_mem>>)
      %dma_wait3A = arith.constant 0 : i32
      %dma_wait3A_94 = tpu.memref_slice %arg4[%run_scoped3A_3, %mul3A_2, %dma_wait3A] : memref<2x1280x128xi32, #tpu.memory_space<hbm>> -> memref<1x40x128xi32, #tpu.memory_space<hbm>>
      %dma_wait3A_95 = tpu.memref_squeeze %dma_wait3A_94 : memref<1x40x128xi32, #tpu.memory_space<hbm>> -> memref<40x128xi32, #tpu.memory_space<hbm>>
      %dma_wait3A_96 = arith.constant 0 : i32
      %dma_wait3A_97 = tpu.memref_slice %arg4[%run_scoped3A_3, %mul3A_2, %dma_wait3A_96] : memref<2x1280x128xi32, #tpu.memory_space<hbm>> -> memref<1x40x128xi32, #tpu.memory_space<hbm>>
      %dma_wait3A_98 = tpu.memref_squeeze %dma_wait3A_97 : memref<1x40x128xi32, #tpu.memory_space<hbm>> -> memref<40x128xi32, #tpu.memory_space<hbm>>
      tpu.wait_dma2 semaphore(%run_scoped3A_87 : memref<!tpu.dma_semaphore, #tpu.memory_space<semaphore_mem>>) src(%dma_wait3A_98 : memref<40x128xi32, #tpu.memory_space<hbm>>) dst(%arg9 : memref<40x128xi32, #tpu.memory_space<vmem>>)
      tpu.yield
    }) : () -> ()
    %mul3A_4 = arith.constant 632 : i32
    %mul3A_5 = arith.muli %arg1, %mul3A_4 : i32
    %mul3A_6 = arith.constant 632 : i32
    %mul3A_7 = arith.muli %arg1, %mul3A_6 : i32
    "tpu.region"() ({
      %run_scoped3A_87 = tpu.sem_alloc : memref<!tpu.dma_semaphore, #tpu.memory_space<semaphore_mem>>
      %dma_start3A_88 = arith.constant 0 : i32
      %dma_start3A_89 = tpu.memref_slice %arg15[%mul3A_7, %dma_start3A_88] : memref<10112x128xf32, #tpu.memory_space<vmem_shared>> -> memref<632x128xf32, #tpu.memory_space<vmem_shared>>
      %dma_start3A_90 = arith.constant 0 : i32
      %dma_start3A_91 = tpu.memref_slice %arg5[%mul3A_5, %dma_start3A_90] : memref<10112x128xf32, #tpu.memory_space<hbm>> -> memref<632x128xf32, #tpu.memory_space<hbm>>
      tpu.enqueue_dma source(%dma_start3A_91 : memref<632x128xf32, #tpu.memory_space<hbm>>) target(%dma_start3A_89 : memref<632x128xf32, #tpu.memory_space<vmem_shared>>) target_semaphore(%run_scoped3A_87 : memref<!tpu.dma_semaphore, #tpu.memory_space<semaphore_mem>>)
      %dma_wait3A = arith.constant 0 : i32
      %dma_wait3A_92 = tpu.memref_slice %arg15[%mul3A_7, %dma_wait3A] : memref<10112x128xf32, #tpu.memory_space<vmem_shared>> -> memref<632x128xf32, #tpu.memory_space<vmem_shared>>
      %dma_wait3A_93 = arith.constant 0 : i32
      %dma_wait3A_94 = tpu.memref_slice %arg5[%mul3A_5, %dma_wait3A_93] : memref<10112x128xf32, #tpu.memory_space<hbm>> -> memref<632x128xf32, #tpu.memory_space<hbm>>
      tpu.wait_dma2 semaphore(%run_scoped3A_87 : memref<!tpu.dma_semaphore, #tpu.memory_space<semaphore_mem>>) src(%dma_wait3A_94 : memref<632x128xf32, #tpu.memory_space<hbm>>) dst(%dma_wait3A_92 : memref<632x128xf32, #tpu.memory_space<vmem_shared>>)
      tpu.yield
    }) : () -> ()
    %barrier3A = arith.constant 0 : index
    tpu.barrier barrier_id(%barrier3A)
    %dma_start3A = arith.constant 0 : i32
    %dma_start3A_8 = arith.constant 0 : i32
    %dma_start3A_9 = tpu.memref_slice %arg8[%dma_start3A, %dma_start3A_8] : memref<40x128xi32, #tpu.memory_space<vmem>> -> memref<1x64xi32, #tpu.memory_space<vmem>>
    %dma_start3A_10 = tpu.memref_squeeze %dma_start3A_9 : memref<1x64xi32, #tpu.memory_space<vmem>> -> memref<64xi32, #tpu.memory_space<vmem>>
    %dma_start3A_11 = arith.constant 0 : i32
    %dma_start3A_12 = arith.constant 0 : i32
    %dma_start3A_13 = tpu.memref_slice %arg2[%dma_start3A_11, %dma_start3A_12] : memref<10112x128xf32, #tpu.memory_space<hbm>> -> memref<10112x128xf32, #tpu.memory_space<hbm>>
    tpu.enqueue_indirect_dma source(%dma_start3A_13 : memref<10112x128xf32, #tpu.memory_space<hbm>>) target(%arg11 : memref<64x128xf32, #tpu.memory_space<vmem>>) offsets(%dma_start3A_10 : memref<64xi32, #tpu.memory_space<vmem>>) semaphore(%arg16 : memref<!tpu.dma_semaphore, #tpu.memory_space<semaphore_mem>>)
    %dma_start3A_14 = arith.constant 0 : i32
    %dma_start3A_15 = arith.constant 64 : i32
    %dma_start3A_16 = tpu.memref_slice %arg8[%dma_start3A_14, %dma_start3A_15] : memref<40x128xi32, #tpu.memory_space<vmem>> -> memref<1x64xi32, #tpu.memory_space<vmem>>
    %dma_start3A_17 = tpu.memref_squeeze %dma_start3A_16 : memref<1x64xi32, #tpu.memory_space<vmem>> -> memref<64xi32, #tpu.memory_space<vmem>>
    %dma_start3A_18 = arith.constant 0 : i32
    %dma_start3A_19 = arith.constant 0 : i32
    %dma_start3A_20 = tpu.memref_slice %arg2[%dma_start3A_18, %dma_start3A_19] : memref<10112x128xf32, #tpu.memory_space<hbm>> -> memref<10112x128xf32, #tpu.memory_space<hbm>>
    tpu.enqueue_indirect_dma source(%dma_start3A_20 : memref<10112x128xf32, #tpu.memory_space<hbm>>) target(%arg12 : memref<64x128xf32, #tpu.memory_space<vmem>>) offsets(%dma_start3A_17 : memref<64xi32, #tpu.memory_space<vmem>>) semaphore(%arg17 : memref<!tpu.dma_semaphore, #tpu.memory_space<semaphore_mem>>)
    %dma_start3A_21 = arith.constant 1 : i32
    %dma_start3A_22 = arith.constant 0 : i32
    %dma_start3A_23 = tpu.memref_slice %arg8[%dma_start3A_21, %dma_start3A_22] : memref<40x128xi32, #tpu.memory_space<vmem>> -> memref<1x64xi32, #tpu.memory_space<vmem>>
    %dma_start3A_24 = tpu.memref_squeeze %dma_start3A_23 : memref<1x64xi32, #tpu.memory_space<vmem>> -> memref<64xi32, #tpu.memory_space<vmem>>
    %dma_start3A_25 = arith.constant 0 : i32
    %dma_start3A_26 = arith.constant 0 : i32
    %dma_start3A_27 = tpu.memref_slice %arg2[%dma_start3A_25, %dma_start3A_26] : memref<10112x128xf32, #tpu.memory_space<hbm>> -> memref<10112x128xf32, #tpu.memory_space<hbm>>
    tpu.enqueue_indirect_dma source(%dma_start3A_27 : memref<10112x128xf32, #tpu.memory_space<hbm>>) target(%arg13 : memref<64x128xf32, #tpu.memory_space<vmem>>) offsets(%dma_start3A_24 : memref<64xi32, #tpu.memory_space<vmem>>) semaphore(%arg18 : memref<!tpu.dma_semaphore, #tpu.memory_space<semaphore_mem>>)
    %dma_start3A_28 = arith.constant 1 : i32
    %dma_start3A_29 = arith.constant 64 : i32
    %dma_start3A_30 = tpu.memref_slice %arg8[%dma_start3A_28, %dma_start3A_29] : memref<40x128xi32, #tpu.memory_space<vmem>> -> memref<1x64xi32, #tpu.memory_space<vmem>>
    %dma_start3A_31 = tpu.memref_squeeze %dma_start3A_30 : memref<1x64xi32, #tpu.memory_space<vmem>> -> memref<64xi32, #tpu.memory_space<vmem>>
    %dma_start3A_32 = arith.constant 0 : i32
    %dma_start3A_33 = arith.constant 0 : i32
    %dma_start3A_34 = tpu.memref_slice %arg2[%dma_start3A_32, %dma_start3A_33] : memref<10112x128xf32, #tpu.memory_space<hbm>> -> memref<10112x128xf32, #tpu.memory_space<hbm>>
    tpu.enqueue_indirect_dma source(%dma_start3A_34 : memref<10112x128xf32, #tpu.memory_space<hbm>>) target(%arg14 : memref<64x128xf32, #tpu.memory_space<vmem>>) offsets(%dma_start3A_31 : memref<64xi32, #tpu.memory_space<vmem>>) semaphore(%arg19 : memref<!tpu.dma_semaphore, #tpu.memory_space<semaphore_mem>>)
    %scan3A = arith.constant 0 : i32
    %scan3A_35 = arith.constant 20 : i32
    %scan3A_36 = arith.addi %scan3A, %scan3A_35 : i32
    %scan3A_37 = arith.constant 1 : i32
    scf.for %scan3A_87 = %scan3A to %scan3A_36 step %scan3A_37  : i32 {
      %mul3A_88 = arith.constant 4 : i32
      %mul3A_89 = arith.muli %scan3A_87, %mul3A_88 : i32
      %add3A_90 = arith.constant 0 : i32
      %add3A_91 = arith.addi %add3A_90, %mul3A_89 : i32
      %add3A_92 = arith.constant 0 : i32
      %add3A_93 = arith.addi %add3A_91, %add3A_92 : i32
      %shift_right_arithmetic3A = arith.constant 1 : i32
      %shift_right_arithmetic3A_94 = arith.shrsi %add3A_93, %shift_right_arithmetic3A : i32
      %and3A = arith.constant 1 : i32
      %and3A_95 = arith.andi %add3A_93, %and3A : i32
      %mul3A_96 = arith.constant 64 : i32
      %mul3A_97 = arith.muli %and3A_95, %mul3A_96 : i32
      %dma_wait3A = tpu.memref_slice %arg8[%shift_right_arithmetic3A_94, %mul3A_97] : memref<40x128xi32, #tpu.memory_space<vmem>> -> memref<1x64xi32, #tpu.memory_space<vmem>>
      %dma_wait3A_98 = tpu.memref_squeeze %dma_wait3A : memref<1x64xi32, #tpu.memory_space<vmem>> -> memref<64xi32, #tpu.memory_space<vmem>>
      %dma_wait3A_99 = arith.constant 0 : i32
      %dma_wait3A_100 = arith.constant 0 : i32
      %dma_wait3A_101 = tpu.memref_slice %arg2[%dma_wait3A_99, %dma_wait3A_100] : memref<10112x128xf32, #tpu.memory_space<hbm>> -> memref<10112x128xf32, #tpu.memory_space<hbm>>
      tpu.wait_indirect_dma semaphore(%arg16 : memref<!tpu.dma_semaphore, #tpu.memory_space<semaphore_mem>>) src(%dma_wait3A_101 : memref<10112x128xf32, #tpu.memory_space<hbm>>) dst(%arg11 : memref<64x128xf32, #tpu.memory_space<vmem>>)
      %add3A_102 = arith.constant 0 : i32
      %add3A_103 = arith.addi %mul3A_97, %add3A_102 : i32
      %get3A = arith.index_cast %shift_right_arithmetic3A_94 : i32 to index
      %get3A_104 = arith.index_cast %add3A_103 : i32 to index
      %get3A_105 = tpu.vector_load %arg9[%get3A, %get3A_104] {strides = array<i32>} : memref<40x128xi32, #tpu.memory_space<vmem>>, vector<1x16xi32>,
      %get3A_106 = vector.shape_cast %get3A_105 : vector<1x16xi32> to vector<16xi32>
      %swap3A = arith.constant 0 : index
      %swap3A_107 = tpu.vector_load %arg10[%swap3A] {strides = array<i32>} : memref<64xi32, #tpu.memory_space<vmem>>, vector<16xi32>,
      %swap3A_108 = vector.shape_cast %swap3A_107 : vector<16xi32> to vector<16xi32>
      %swap3A_109 = vector.shape_cast %get3A_106 : vector<16xi32> to vector<16xi32>
      tpu.vector_store %arg10[%swap3A], %swap3A_109 {strides = array<i32>} : memref<64xi32, #tpu.memory_space<vmem>>, vector<16xi32>,
      %add3A_110 = arith.constant 16 : i32
      %add3A_111 = arith.addi %mul3A_97, %add3A_110 : i32
      %get3A_112 = arith.index_cast %shift_right_arithmetic3A_94 : i32 to index
      %get3A_113 = arith.index_cast %add3A_111 : i32 to index
      %get3A_114 = tpu.vector_load %arg9[%get3A_112, %get3A_113] {strides = array<i32>} : memref<40x128xi32, #tpu.memory_space<vmem>>, vector<1x16xi32>,
      %get3A_115 = vector.shape_cast %get3A_114 : vector<1x16xi32> to vector<16xi32>
      %swap3A_116 = arith.constant 16 : index
      %swap3A_117 = tpu.vector_load %arg10[%swap3A_116] {strides = array<i32>} : memref<64xi32, #tpu.memory_space<vmem>>, vector<16xi32>,
      %swap3A_118 = vector.shape_cast %swap3A_117 : vector<16xi32> to vector<16xi32>
      %swap3A_119 = vector.shape_cast %get3A_115 : vector<16xi32> to vector<16xi32>
      tpu.vector_store %arg10[%swap3A_116], %swap3A_119 {strides = array<i32>} : memref<64xi32, #tpu.memory_space<vmem>>, vector<16xi32>,
      %add3A_120 = arith.constant 32 : i32
      %add3A_121 = arith.addi %mul3A_97, %add3A_120 : i32
      %get3A_122 = arith.index_cast %shift_right_arithmetic3A_94 : i32 to index
      %get3A_123 = arith.index_cast %add3A_121 : i32 to index
      %get3A_124 = tpu.vector_load %arg9[%get3A_122, %get3A_123] {strides = array<i32>} : memref<40x128xi32, #tpu.memory_space<vmem>>, vector<1x16xi32>,
      %get3A_125 = vector.shape_cast %get3A_124 : vector<1x16xi32> to vector<16xi32>
      %swap3A_126 = arith.constant 32 : index
      %swap3A_127 = tpu.vector_load %arg10[%swap3A_126] {strides = array<i32>} : memref<64xi32, #tpu.memory_space<vmem>>, vector<16xi32>,
      %swap3A_128 = vector.shape_cast %swap3A_127 : vector<16xi32> to vector<16xi32>
      %swap3A_129 = vector.shape_cast %get3A_125 : vector<16xi32> to vector<16xi32>
      tpu.vector_store %arg10[%swap3A_126], %swap3A_129 {strides = array<i32>} : memref<64xi32, #tpu.memory_space<vmem>>, vector<16xi32>,
      %add3A_130 = arith.constant 48 : i32
      %add3A_131 = arith.addi %mul3A_97, %add3A_130 : i32
      %get3A_132 = arith.index_cast %shift_right_arithmetic3A_94 : i32 to index
      %get3A_133 = arith.index_cast %add3A_131 : i32 to index
      %get3A_134 = tpu.vector_load %arg9[%get3A_132, %get3A_133] {strides = array<i32>} : memref<40x128xi32, #tpu.memory_space<vmem>>, vector<1x16xi32>,
      %get3A_135 = vector.shape_cast %get3A_134 : vector<1x16xi32> to vector<16xi32>
      %swap3A_136 = arith.constant 48 : index
      %swap3A_137 = tpu.vector_load %arg10[%swap3A_136] {strides = array<i32>} : memref<64xi32, #tpu.memory_space<vmem>>, vector<16xi32>,
      %swap3A_138 = vector.shape_cast %swap3A_137 : vector<16xi32> to vector<16xi32>
      %swap3A_139 = vector.shape_cast %get3A_135 : vector<16xi32> to vector<16xi32>
      tpu.vector_store %arg10[%swap3A_136], %swap3A_139 {strides = array<i32>} : memref<64xi32, #tpu.memory_space<vmem>>, vector<16xi32>,
      "tpu.region"() ({
        %run_scoped3A_324 = tpu.sem_alloc : memref<!tpu.dma_semaphore, #tpu.memory_space<semaphore_mem>>
        %dma_start3A_325 = arith.constant 0 : i32
        %dma_start3A_326 = arith.constant 0 : i32
        %dma_start3A_327 = tpu.memref_slice %arg15[%dma_start3A_325, %dma_start3A_326] : memref<10112x128xf32, #tpu.memory_space<vmem_shared>> -> memref<10112x128xf32, #tpu.memory_space<vmem_shared>>
        tpu.enqueue_indirect_dma source(%arg11 : memref<64x128xf32, #tpu.memory_space<vmem>>) target(%dma_start3A_327 : memref<10112x128xf32, #tpu.memory_space<vmem_shared>>) offsets(%arg10 : memref<64xi32, #tpu.memory_space<vmem>>) semaphore(%run_scoped3A_324 : memref<!tpu.dma_semaphore, #tpu.memory_space<semaphore_mem>>) {add = true}
        %dma_wait3A_328 = arith.constant 0 : i32
        %dma_wait3A_329 = arith.constant 0 : i32
        %dma_wait3A_330 = tpu.memref_slice %arg15[%dma_wait3A_328, %dma_wait3A_329] : memref<10112x128xf32, #tpu.memory_space<vmem_shared>> -> memref<10112x128xf32, #tpu.memory_space<vmem_shared>>
        tpu.wait_indirect_dma semaphore(%run_scoped3A_324 : memref<!tpu.dma_semaphore, #tpu.memory_space<semaphore_mem>>) src(%arg11 : memref<64x128xf32, #tpu.memory_space<vmem>>) dst(%dma_wait3A_330 : memref<10112x128xf32, #tpu.memory_space<vmem_shared>>)
        tpu.yield
      }) : () -> ()
      %add3A_140 = arith.constant 4 : i32
      %add3A_141 = arith.addi %add3A_93, %add3A_140 : i32
      %lt3A = arith.constant 80 : i32
      %lt3A_142 = arith.cmpi slt, %add3A_141, %lt3A : i32
      %convert_element_type3A = arith.extui %lt3A_142 : i1 to i32
      %cond3A = arith.constant 0 : i32
      %cond3A_143 = arith.cmpi ne, %convert_element_type3A, %cond3A : i32
      scf.if %cond3A_143 {
        %add3A_324 = arith.constant 4 : i32
        %add3A_325 = arith.addi %add3A_93, %add3A_324 : i32
        %shift_right_arithmetic3A_326 = arith.constant 1 : i32
        %shift_right_arithmetic3A_327 = arith.shrsi %add3A_325, %shift_right_arithmetic3A_326 : i32
        %and3A_328 = arith.constant 1 : i32
        %and3A_329 = arith.andi %add3A_325, %and3A_328 : i32
        %mul3A_330 = arith.constant 64 : i32
        %mul3A_331 = arith.muli %and3A_329, %mul3A_330 : i32
        %dma_start3A_332 = tpu.memref_slice %arg8[%shift_right_arithmetic3A_327, %mul3A_331] : memref<40x128xi32, #tpu.memory_space<vmem>> -> memref<1x64xi32, #tpu.memory_space<vmem>>
        %dma_start3A_333 = tpu.memref_squeeze %dma_start3A_332 : memref<1x64xi32, #tpu.memory_space<vmem>> -> memref<64xi32, #tpu.memory_space<vmem>>
        %dma_start3A_334 = arith.constant 0 : i32
        %dma_start3A_335 = arith.constant 0 : i32
        %dma_start3A_336 = tpu.memref_slice %arg2[%dma_start3A_334, %dma_start3A_335] : memref<10112x128xf32, #tpu.memory_space<hbm>> -> memref<10112x128xf32, #tpu.memory_space<hbm>>
        tpu.enqueue_indirect_dma source(%dma_start3A_336 : memref<10112x128xf32, #tpu.memory_space<hbm>>) target(%arg11 : memref<64x128xf32, #tpu.memory_space<vmem>>) offsets(%dma_start3A_333 : memref<64xi32, #tpu.memory_space<vmem>>) semaphore(%arg16 : memref<!tpu.dma_semaphore, #tpu.memory_space<semaphore_mem>>)
      } else {
      }
      %add3A_144 = arith.constant 1 : i32
      %add3A_145 = arith.addi %add3A_91, %add3A_144 : i32
      %shift_right_arithmetic3A_146 = arith.constant 1 : i32
      %shift_right_arithmetic3A_147 = arith.shrsi %add3A_145, %shift_right_arithmetic3A_146 : i32
      %and3A_148 = arith.constant 1 : i32
      %and3A_149 = arith.andi %add3A_145, %and3A_148 : i32
      %mul3A_150 = arith.constant 64 : i32
      %mul3A_151 = arith.muli %and3A_149, %mul3A_150 : i32
      %dma_wait3A_152 = tpu.memref_slice %arg8[%shift_right_arithmetic3A_147, %mul3A_151] : memref<40x128xi32, #tpu.memory_space<vmem>> -> memref<1x64xi32, #tpu.memory_space<vmem>>
      %dma_wait3A_153 = tpu.memref_squeeze %dma_wait3A_152 : memref<1x64xi32, #tpu.memory_space<vmem>> -> memref<64xi32, #tpu.memory_space<vmem>>
      %dma_wait3A_154 = arith.constant 0 : i32
      %dma_wait3A_155 = arith.constant 0 : i32
      %dma_wait3A_156 = tpu.memref_slice %arg2[%dma_wait3A_154, %dma_wait3A_155] : memref<10112x128xf32, #tpu.memory_space<hbm>> -> memref<10112x128xf32, #tpu.memory_space<hbm>>
      tpu.wait_indirect_dma semaphore(%arg17 : memref<!tpu.dma_semaphore, #tpu.memory_space<semaphore_mem>>) src(%dma_wait3A_156 : memref<10112x128xf32, #tpu.memory_space<hbm>>) dst(%arg12 : memref<64x128xf32, #tpu.memory_space<vmem>>)
      %add3A_157 = arith.constant 0 : i32
      %add3A_158 = arith.addi %mul3A_151, %add3A_157 : i32
      %get3A_159 = arith.index_cast %shift_right_arithmetic3A_147 : i32 to index
      %get3A_160 = arith.index_cast %add3A_158 : i32 to index
      %get3A_161 = tpu.vector_load %arg9[%get3A_159, %get3A_160] {strides = array<i32>} : memref<40x128xi32, #tpu.memory_space<vmem>>, vector<1x16xi32>,
      %get3A_162 = vector.shape_cast %get3A_161 : vector<1x16xi32> to vector<16xi32>
      %swap3A_163 = arith.constant 0 : index
      %swap3A_164 = tpu.vector_load %arg10[%swap3A_163] {strides = array<i32>} : memref<64xi32, #tpu.memory_space<vmem>>, vector<16xi32>,
      %swap3A_165 = vector.shape_cast %swap3A_164 : vector<16xi32> to vector<16xi32>
      %swap3A_166 = vector.shape_cast %get3A_162 : vector<16xi32> to vector<16xi32>
      tpu.vector_store %arg10[%swap3A_163], %swap3A_166 {strides = array<i32>} : memref<64xi32, #tpu.memory_space<vmem>>, vector<16xi32>,
      %add3A_167 = arith.constant 16 : i32
      %add3A_168 = arith.addi %mul3A_151, %add3A_167 : i32
      %get3A_169 = arith.index_cast %shift_right_arithmetic3A_147 : i32 to index
      %get3A_170 = arith.index_cast %add3A_168 : i32 to index
      %get3A_171 = tpu.vector_load %arg9[%get3A_169, %get3A_170] {strides = array<i32>} : memref<40x128xi32, #tpu.memory_space<vmem>>, vector<1x16xi32>,
      %get3A_172 = vector.shape_cast %get3A_171 : vector<1x16xi32> to vector<16xi32>
      %swap3A_173 = arith.constant 16 : index
      %swap3A_174 = tpu.vector_load %arg10[%swap3A_173] {strides = array<i32>} : memref<64xi32, #tpu.memory_space<vmem>>, vector<16xi32>,
      %swap3A_175 = vector.shape_cast %swap3A_174 : vector<16xi32> to vector<16xi32>
      %swap3A_176 = vector.shape_cast %get3A_172 : vector<16xi32> to vector<16xi32>
      tpu.vector_store %arg10[%swap3A_173], %swap3A_176 {strides = array<i32>} : memref<64xi32, #tpu.memory_space<vmem>>, vector<16xi32>,
      %add3A_177 = arith.constant 32 : i32
      %add3A_178 = arith.addi %mul3A_151, %add3A_177 : i32
      %get3A_179 = arith.index_cast %shift_right_arithmetic3A_147 : i32 to index
      %get3A_180 = arith.index_cast %add3A_178 : i32 to index
      %get3A_181 = tpu.vector_load %arg9[%get3A_179, %get3A_180] {strides = array<i32>} : memref<40x128xi32, #tpu.memory_space<vmem>>, vector<1x16xi32>,
      %get3A_182 = vector.shape_cast %get3A_181 : vector<1x16xi32> to vector<16xi32>
      %swap3A_183 = arith.constant 32 : index
      %swap3A_184 = tpu.vector_load %arg10[%swap3A_183] {strides = array<i32>} : memref<64xi32, #tpu.memory_space<vmem>>, vector<16xi32>,
      %swap3A_185 = vector.shape_cast %swap3A_184 : vector<16xi32> to vector<16xi32>
      %swap3A_186 = vector.shape_cast %get3A_182 : vector<16xi32> to vector<16xi32>
      tpu.vector_store %arg10[%swap3A_183], %swap3A_186 {strides = array<i32>} : memref<64xi32, #tpu.memory_space<vmem>>, vector<16xi32>,
      %add3A_187 = arith.constant 48 : i32
      %add3A_188 = arith.addi %mul3A_151, %add3A_187 : i32
      %get3A_189 = arith.index_cast %shift_right_arithmetic3A_147 : i32 to index
      %get3A_190 = arith.index_cast %add3A_188 : i32 to index
      %get3A_191 = tpu.vector_load %arg9[%get3A_189, %get3A_190] {strides = array<i32>} : memref<40x128xi32, #tpu.memory_space<vmem>>, vector<1x16xi32>,
      %get3A_192 = vector.shape_cast %get3A_191 : vector<1x16xi32> to vector<16xi32>
      %swap3A_193 = arith.constant 48 : index
      %swap3A_194 = tpu.vector_load %arg10[%swap3A_193] {strides = array<i32>} : memref<64xi32, #tpu.memory_space<vmem>>, vector<16xi32>,
      %swap3A_195 = vector.shape_cast %swap3A_194 : vector<16xi32> to vector<16xi32>
      %swap3A_196 = vector.shape_cast %get3A_192 : vector<16xi32> to vector<16xi32>
      tpu.vector_store %arg10[%swap3A_193], %swap3A_196 {strides = array<i32>} : memref<64xi32, #tpu.memory_space<vmem>>, vector<16xi32>,
      "tpu.region"() ({
        %run_scoped3A_324 = tpu.sem_alloc : memref<!tpu.dma_semaphore, #tpu.memory_space<semaphore_mem>>
        %dma_start3A_325 = arith.constant 0 : i32
        %dma_start3A_326 = arith.constant 0 : i32
        %dma_start3A_327 = tpu.memref_slice %arg15[%dma_start3A_325, %dma_start3A_326] : memref<10112x128xf32, #tpu.memory_space<vmem_shared>> -> memref<10112x128xf32, #tpu.memory_space<vmem_shared>>
        tpu.enqueue_indirect_dma source(%arg12 : memref<64x128xf32, #tpu.memory_space<vmem>>) target(%dma_start3A_327 : memref<10112x128xf32, #tpu.memory_space<vmem_shared>>) offsets(%arg10 : memref<64xi32, #tpu.memory_space<vmem>>) semaphore(%run_scoped3A_324 : memref<!tpu.dma_semaphore, #tpu.memory_space<semaphore_mem>>) {add = true}
        %dma_wait3A_328 = arith.constant 0 : i32
        %dma_wait3A_329 = arith.constant 0 : i32
        %dma_wait3A_330 = tpu.memref_slice %arg15[%dma_wait3A_328, %dma_wait3A_329] : memref<10112x128xf32, #tpu.memory_space<vmem_shared>> -> memref<10112x128xf32, #tpu.memory_space<vmem_shared>>
        tpu.wait_indirect_dma semaphore(%run_scoped3A_324 : memref<!tpu.dma_semaphore, #tpu.memory_space<semaphore_mem>>) src(%arg12 : memref<64x128xf32, #tpu.memory_space<vmem>>) dst(%dma_wait3A_330 : memref<10112x128xf32, #tpu.memory_space<vmem_shared>>)
        tpu.yield
      }) : () -> ()
      %add3A_197 = arith.constant 4 : i32
      %add3A_198 = arith.addi %add3A_145, %add3A_197 : i32
      %lt3A_199 = arith.constant 80 : i32
      %lt3A_200 = arith.cmpi slt, %add3A_198, %lt3A_199 : i32
      %convert_element_type3A_201 = arith.extui %lt3A_200 : i1 to i32
      %cond3A_202 = arith.constant 0 : i32
      %cond3A_203 = arith.cmpi ne, %convert_element_type3A_201, %cond3A_202 : i32
      scf.if %cond3A_203 {
        %add3A_324 = arith.constant 4 : i32
        %add3A_325 = arith.addi %add3A_145, %add3A_324 : i32
        %shift_right_arithmetic3A_326 = arith.constant 1 : i32
        %shift_right_arithmetic3A_327 = arith.shrsi %add3A_325, %shift_right_arithmetic3A_326 : i32
        %and3A_328 = arith.constant 1 : i32
        %and3A_329 = arith.andi %add3A_325, %and3A_328 : i32
        %mul3A_330 = arith.constant 64 : i32
        %mul3A_331 = arith.muli %and3A_329, %mul3A_330 : i32
        %dma_start3A_332 = tpu.memref_slice %arg8[%shift_right_arithmetic3A_327, %mul3A_331] : memref<40x128xi32, #tpu.memory_space<vmem>> -> memref<1x64xi32, #tpu.memory_space<vmem>>
        %dma_start3A_333 = tpu.memref_squeeze %dma_start3A_332 : memref<1x64xi32, #tpu.memory_space<vmem>> -> memref<64xi32, #tpu.memory_space<vmem>>
        %dma_start3A_334 = arith.constant 0 : i32
        %dma_start3A_335 = arith.constant 0 : i32
        %dma_start3A_336 = tpu.memref_slice %arg2[%dma_start3A_334, %dma_start3A_335] : memref<10112x128xf32, #tpu.memory_space<hbm>> -> memref<10112x128xf32, #tpu.memory_space<hbm>>
        tpu.enqueue_indirect_dma source(%dma_start3A_336 : memref<10112x128xf32, #tpu.memory_space<hbm>>) target(%arg12 : memref<64x128xf32, #tpu.memory_space<vmem>>) offsets(%dma_start3A_333 : memref<64xi32, #tpu.memory_space<vmem>>) semaphore(%arg17 : memref<!tpu.dma_semaphore, #tpu.memory_space<semaphore_mem>>)
      } else {
      }
      %add3A_204 = arith.constant 2 : i32
      %add3A_205 = arith.addi %add3A_91, %add3A_204 : i32
      %shift_right_arithmetic3A_206 = arith.constant 1 : i32
      %shift_right_arithmetic3A_207 = arith.shrsi %add3A_205, %shift_right_arithmetic3A_206 : i32
      %and3A_208 = arith.constant 1 : i32
      %and3A_209 = arith.andi %add3A_205, %and3A_208 : i32
      %mul3A_210 = arith.constant 64 : i32
      %mul3A_211 = arith.muli %and3A_209, %mul3A_210 : i32
      %dma_wait3A_212 = tpu.memref_slice %arg8[%shift_right_arithmetic3A_207, %mul3A_211] : memref<40x128xi32, #tpu.memory_space<vmem>> -> memref<1x64xi32, #tpu.memory_space<vmem>>
      %dma_wait3A_213 = tpu.memref_squeeze %dma_wait3A_212 : memref<1x64xi32, #tpu.memory_space<vmem>> -> memref<64xi32, #tpu.memory_space<vmem>>
      %dma_wait3A_214 = arith.constant 0 : i32
      %dma_wait3A_215 = arith.constant 0 : i32
      %dma_wait3A_216 = tpu.memref_slice %arg2[%dma_wait3A_214, %dma_wait3A_215] : memref<10112x128xf32, #tpu.memory_space<hbm>> -> memref<10112x128xf32, #tpu.memory_space<hbm>>
      tpu.wait_indirect_dma semaphore(%arg18 : memref<!tpu.dma_semaphore, #tpu.memory_space<semaphore_mem>>) src(%dma_wait3A_216 : memref<10112x128xf32, #tpu.memory_space<hbm>>) dst(%arg13 : memref<64x128xf32, #tpu.memory_space<vmem>>)
      %add3A_217 = arith.constant 0 : i32
      %add3A_218 = arith.addi %mul3A_211, %add3A_217 : i32
      %get3A_219 = arith.index_cast %shift_right_arithmetic3A_207 : i32 to index
      %get3A_220 = arith.index_cast %add3A_218 : i32 to index
      %get3A_221 = tpu.vector_load %arg9[%get3A_219, %get3A_220] {strides = array<i32>} : memref<40x128xi32, #tpu.memory_space<vmem>>, vector<1x16xi32>,
      %get3A_222 = vector.shape_cast %get3A_221 : vector<1x16xi32> to vector<16xi32>
      %swap3A_223 = arith.constant 0 : index
      %swap3A_224 = tpu.vector_load %arg10[%swap3A_223] {strides = array<i32>} : memref<64xi32, #tpu.memory_space<vmem>>, vector<16xi32>,
      %swap3A_225 = vector.shape_cast %swap3A_224 : vector<16xi32> to vector<16xi32>
      %swap3A_226 = vector.shape_cast %get3A_222 : vector<16xi32> to vector<16xi32>
      tpu.vector_store %arg10[%swap3A_223], %swap3A_226 {strides = array<i32>} : memref<64xi32, #tpu.memory_space<vmem>>, vector<16xi32>,
      %add3A_227 = arith.constant 16 : i32
      %add3A_228 = arith.addi %mul3A_211, %add3A_227 : i32
      %get3A_229 = arith.index_cast %shift_right_arithmetic3A_207 : i32 to index
      %get3A_230 = arith.index_cast %add3A_228 : i32 to index
      %get3A_231 = tpu.vector_load %arg9[%get3A_229, %get3A_230] {strides = array<i32>} : memref<40x128xi32, #tpu.memory_space<vmem>>, vector<1x16xi32>,
      %get3A_232 = vector.shape_cast %get3A_231 : vector<1x16xi32> to vector<16xi32>
      %swap3A_233 = arith.constant 16 : index
      %swap3A_234 = tpu.vector_load %arg10[%swap3A_233] {strides = array<i32>} : memref<64xi32, #tpu.memory_space<vmem>>, vector<16xi32>,
      %swap3A_235 = vector.shape_cast %swap3A_234 : vector<16xi32> to vector<16xi32>
      %swap3A_236 = vector.shape_cast %get3A_232 : vector<16xi32> to vector<16xi32>
      tpu.vector_store %arg10[%swap3A_233], %swap3A_236 {strides = array<i32>} : memref<64xi32, #tpu.memory_space<vmem>>, vector<16xi32>,
      %add3A_237 = arith.constant 32 : i32
      %add3A_238 = arith.addi %mul3A_211, %add3A_237 : i32
      %get3A_239 = arith.index_cast %shift_right_arithmetic3A_207 : i32 to index
      %get3A_240 = arith.index_cast %add3A_238 : i32 to index
      %get3A_241 = tpu.vector_load %arg9[%get3A_239, %get3A_240] {strides = array<i32>} : memref<40x128xi32, #tpu.memory_space<vmem>>, vector<1x16xi32>,
      %get3A_242 = vector.shape_cast %get3A_241 : vector<1x16xi32> to vector<16xi32>
      %swap3A_243 = arith.constant 32 : index
      %swap3A_244 = tpu.vector_load %arg10[%swap3A_243] {strides = array<i32>} : memref<64xi32, #tpu.memory_space<vmem>>, vector<16xi32>,
      %swap3A_245 = vector.shape_cast %swap3A_244 : vector<16xi32> to vector<16xi32>
      %swap3A_246 = vector.shape_cast %get3A_242 : vector<16xi32> to vector<16xi32>
      tpu.vector_store %arg10[%swap3A_243], %swap3A_246 {strides = array<i32>} : memref<64xi32, #tpu.memory_space<vmem>>, vector<16xi32>,
      %add3A_247 = arith.constant 48 : i32
      %add3A_248 = arith.addi %mul3A_211, %add3A_247 : i32
      %get3A_249 = arith.index_cast %shift_right_arithmetic3A_207 : i32 to index
      %get3A_250 = arith.index_cast %add3A_248 : i32 to index
      %get3A_251 = tpu.vector_load %arg9[%get3A_249, %get3A_250] {strides = array<i32>} : memref<40x128xi32, #tpu.memory_space<vmem>>, vector<1x16xi32>,
      %get3A_252 = vector.shape_cast %get3A_251 : vector<1x16xi32> to vector<16xi32>
      %swap3A_253 = arith.constant 48 : index
      %swap3A_254 = tpu.vector_load %arg10[%swap3A_253] {strides = array<i32>} : memref<64xi32, #tpu.memory_space<vmem>>, vector<16xi32>,
      %swap3A_255 = vector.shape_cast %swap3A_254 : vector<16xi32> to vector<16xi32>
      %swap3A_256 = vector.shape_cast %get3A_252 : vector<16xi32> to vector<16xi32>
      tpu.vector_store %arg10[%swap3A_253], %swap3A_256 {strides = array<i32>} : memref<64xi32, #tpu.memory_space<vmem>>, vector<16xi32>,
      "tpu.region"() ({
        %run_scoped3A_324 = tpu.sem_alloc : memref<!tpu.dma_semaphore, #tpu.memory_space<semaphore_mem>>
        %dma_start3A_325 = arith.constant 0 : i32
        %dma_start3A_326 = arith.constant 0 : i32
        %dma_start3A_327 = tpu.memref_slice %arg15[%dma_start3A_325, %dma_start3A_326] : memref<10112x128xf32, #tpu.memory_space<vmem_shared>> -> memref<10112x128xf32, #tpu.memory_space<vmem_shared>>
        tpu.enqueue_indirect_dma source(%arg13 : memref<64x128xf32, #tpu.memory_space<vmem>>) target(%dma_start3A_327 : memref<10112x128xf32, #tpu.memory_space<vmem_shared>>) offsets(%arg10 : memref<64xi32, #tpu.memory_space<vmem>>) semaphore(%run_scoped3A_324 : memref<!tpu.dma_semaphore, #tpu.memory_space<semaphore_mem>>) {add = true}
        %dma_wait3A_328 = arith.constant 0 : i32
        %dma_wait3A_329 = arith.constant 0 : i32
        %dma_wait3A_330 = tpu.memref_slice %arg15[%dma_wait3A_328, %dma_wait3A_329] : memref<10112x128xf32, #tpu.memory_space<vmem_shared>> -> memref<10112x128xf32, #tpu.memory_space<vmem_shared>>
        tpu.wait_indirect_dma semaphore(%run_scoped3A_324 : memref<!tpu.dma_semaphore, #tpu.memory_space<semaphore_mem>>) src(%arg13 : memref<64x128xf32, #tpu.memory_space<vmem>>) dst(%dma_wait3A_330 : memref<10112x128xf32, #tpu.memory_space<vmem_shared>>)
        tpu.yield
      }) : () -> ()
      %add3A_257 = arith.constant 4 : i32
      %add3A_258 = arith.addi %add3A_205, %add3A_257 : i32
      %lt3A_259 = arith.constant 80 : i32
      %lt3A_260 = arith.cmpi slt, %add3A_258, %lt3A_259 : i32
      %convert_element_type3A_261 = arith.extui %lt3A_260 : i1 to i32
      %cond3A_262 = arith.constant 0 : i32
      %cond3A_263 = arith.cmpi ne, %convert_element_type3A_261, %cond3A_262 : i32
      scf.if %cond3A_263 {
        %add3A_324 = arith.constant 4 : i32
        %add3A_325 = arith.addi %add3A_205, %add3A_324 : i32
        %shift_right_arithmetic3A_326 = arith.constant 1 : i32
        %shift_right_arithmetic3A_327 = arith.shrsi %add3A_325, %shift_right_arithmetic3A_326 : i32
        %and3A_328 = arith.constant 1 : i32
        %and3A_329 = arith.andi %add3A_325, %and3A_328 : i32
        %mul3A_330 = arith.constant 64 : i32
        %mul3A_331 = arith.muli %and3A_329, %mul3A_330 : i32
        %dma_start3A_332 = tpu.memref_slice %arg8[%shift_right_arithmetic3A_327, %mul3A_331] : memref<40x128xi32, #tpu.memory_space<vmem>> -> memref<1x64xi32, #tpu.memory_space<vmem>>
        %dma_start3A_333 = tpu.memref_squeeze %dma_start3A_332 : memref<1x64xi32, #tpu.memory_space<vmem>> -> memref<64xi32, #tpu.memory_space<vmem>>
        %dma_start3A_334 = arith.constant 0 : i32
        %dma_start3A_335 = arith.constant 0 : i32
        %dma_start3A_336 = tpu.memref_slice %arg2[%dma_start3A_334, %dma_start3A_335] : memref<10112x128xf32, #tpu.memory_space<hbm>> -> memref<10112x128xf32, #tpu.memory_space<hbm>>
        tpu.enqueue_indirect_dma source(%dma_start3A_336 : memref<10112x128xf32, #tpu.memory_space<hbm>>) target(%arg13 : memref<64x128xf32, #tpu.memory_space<vmem>>) offsets(%dma_start3A_333 : memref<64xi32, #tpu.memory_space<vmem>>) semaphore(%arg18 : memref<!tpu.dma_semaphore, #tpu.memory_space<semaphore_mem>>)
      } else {
      }
      %add3A_264 = arith.constant 3 : i32
      %add3A_265 = arith.addi %add3A_91, %add3A_264 : i32
      %shift_right_arithmetic3A_266 = arith.constant 1 : i32
      %shift_right_arithmetic3A_267 = arith.shrsi %add3A_265, %shift_right_arithmetic3A_266 : i32
      %and3A_268 = arith.constant 1 : i32
      %and3A_269 = arith.andi %add3A_265, %and3A_268 : i32
      %mul3A_270 = arith.constant 64 : i32
      %mul3A_271 = arith.muli %and3A_269, %mul3A_270 : i32
      %dma_wait3A_272 = tpu.memref_slice %arg8[%shift_right_arithmetic3A_267, %mul3A_271] : memref<40x128xi32, #tpu.memory_space<vmem>> -> memref<1x64xi32, #tpu.memory_space<vmem>>
      %dma_wait3A_273 = tpu.memref_squeeze %dma_wait3A_272 : memref<1x64xi32, #tpu.memory_space<vmem>> -> memref<64xi32, #tpu.memory_space<vmem>>
      %dma_wait3A_274 = arith.constant 0 : i32
      %dma_wait3A_275 = arith.constant 0 : i32
      %dma_wait3A_276 = tpu.memref_slice %arg2[%dma_wait3A_274, %dma_wait3A_275] : memref<10112x128xf32, #tpu.memory_space<hbm>> -> memref<10112x128xf32, #tpu.memory_space<hbm>>
      tpu.wait_indirect_dma semaphore(%arg19 : memref<!tpu.dma_semaphore, #tpu.memory_space<semaphore_mem>>) src(%dma_wait3A_276 : memref<10112x128xf32, #tpu.memory_space<hbm>>) dst(%arg14 : memref<64x128xf32, #tpu.memory_space<vmem>>)
      %add3A_277 = arith.constant 0 : i32
      %add3A_278 = arith.addi %mul3A_271, %add3A_277 : i32
      %get3A_279 = arith.index_cast %shift_right_arithmetic3A_267 : i32 to index
      %get3A_280 = arith.index_cast %add3A_278 : i32 to index
      %get3A_281 = tpu.vector_load %arg9[%get3A_279, %get3A_280] {strides = array<i32>} : memref<40x128xi32, #tpu.memory_space<vmem>>, vector<1x16xi32>,
      %get3A_282 = vector.shape_cast %get3A_281 : vector<1x16xi32> to vector<16xi32>
      %swap3A_283 = arith.constant 0 : index
      %swap3A_284 = tpu.vector_load %arg10[%swap3A_283] {strides = array<i32>} : memref<64xi32, #tpu.memory_space<vmem>>, vector<16xi32>,
      %swap3A_285 = vector.shape_cast %swap3A_284 : vector<16xi32> to vector<16xi32>
      %swap3A_286 = vector.shape_cast %get3A_282 : vector<16xi32> to vector<16xi32>
      tpu.vector_store %arg10[%swap3A_283], %swap3A_286 {strides = array<i32>} : memref<64xi32, #tpu.memory_space<vmem>>, vector<16xi32>,
      %add3A_287 = arith.constant 16 : i32
      %add3A_288 = arith.addi %mul3A_271, %add3A_287 : i32
      %get3A_289 = arith.index_cast %shift_right_arithmetic3A_267 : i32 to index
      %get3A_290 = arith.index_cast %add3A_288 : i32 to index
      %get3A_291 = tpu.vector_load %arg9[%get3A_289, %get3A_290] {strides = array<i32>} : memref<40x128xi32, #tpu.memory_space<vmem>>, vector<1x16xi32>,
      %get3A_292 = vector.shape_cast %get3A_291 : vector<1x16xi32> to vector<16xi32>
      %swap3A_293 = arith.constant 16 : index
      %swap3A_294 = tpu.vector_load %arg10[%swap3A_293] {strides = array<i32>} : memref<64xi32, #tpu.memory_space<vmem>>, vector<16xi32>,
      %swap3A_295 = vector.shape_cast %swap3A_294 : vector<16xi32> to vector<16xi32>
      %swap3A_296 = vector.shape_cast %get3A_292 : vector<16xi32> to vector<16xi32>
      tpu.vector_store %arg10[%swap3A_293], %swap3A_296 {strides = array<i32>} : memref<64xi32, #tpu.memory_space<vmem>>, vector<16xi32>,
      %add3A_297 = arith.constant 32 : i32
      %add3A_298 = arith.addi %mul3A_271, %add3A_297 : i32
      %get3A_299 = arith.index_cast %shift_right_arithmetic3A_267 : i32 to index
      %get3A_300 = arith.index_cast %add3A_298 : i32 to index
      %get3A_301 = tpu.vector_load %arg9[%get3A_299, %get3A_300] {strides = array<i32>} : memref<40x128xi32, #tpu.memory_space<vmem>>, vector<1x16xi32>,
      %get3A_302 = vector.shape_cast %get3A_301 : vector<1x16xi32> to vector<16xi32>
      %swap3A_303 = arith.constant 32 : index
      %swap3A_304 = tpu.vector_load %arg10[%swap3A_303] {strides = array<i32>} : memref<64xi32, #tpu.memory_space<vmem>>, vector<16xi32>,
      %swap3A_305 = vector.shape_cast %swap3A_304 : vector<16xi32> to vector<16xi32>
      %swap3A_306 = vector.shape_cast %get3A_302 : vector<16xi32> to vector<16xi32>
      tpu.vector_store %arg10[%swap3A_303], %swap3A_306 {strides = array<i32>} : memref<64xi32, #tpu.memory_space<vmem>>, vector<16xi32>,
      %add3A_307 = arith.constant 48 : i32
      %add3A_308 = arith.addi %mul3A_271, %add3A_307 : i32
      %get3A_309 = arith.index_cast %shift_right_arithmetic3A_267 : i32 to index
      %get3A_310 = arith.index_cast %add3A_308 : i32 to index
      %get3A_311 = tpu.vector_load %arg9[%get3A_309, %get3A_310] {strides = array<i32>} : memref<40x128xi32, #tpu.memory_space<vmem>>, vector<1x16xi32>,
      %get3A_312 = vector.shape_cast %get3A_311 : vector<1x16xi32> to vector<16xi32>
      %swap3A_313 = arith.constant 48 : index
      %swap3A_314 = tpu.vector_load %arg10[%swap3A_313] {strides = array<i32>} : memref<64xi32, #tpu.memory_space<vmem>>, vector<16xi32>,
      %swap3A_315 = vector.shape_cast %swap3A_314 : vector<16xi32> to vector<16xi32>
      %swap3A_316 = vector.shape_cast %get3A_312 : vector<16xi32> to vector<16xi32>
      tpu.vector_store %arg10[%swap3A_313], %swap3A_316 {strides = array<i32>} : memref<64xi32, #tpu.memory_space<vmem>>, vector<16xi32>,
      "tpu.region"() ({
        %run_scoped3A_324 = tpu.sem_alloc : memref<!tpu.dma_semaphore, #tpu.memory_space<semaphore_mem>>
        %dma_start3A_325 = arith.constant 0 : i32
        %dma_start3A_326 = arith.constant 0 : i32
        %dma_start3A_327 = tpu.memref_slice %arg15[%dma_start3A_325, %dma_start3A_326] : memref<10112x128xf32, #tpu.memory_space<vmem_shared>> -> memref<10112x128xf32, #tpu.memory_space<vmem_shared>>
        tpu.enqueue_indirect_dma source(%arg14 : memref<64x128xf32, #tpu.memory_space<vmem>>) target(%dma_start3A_327 : memref<10112x128xf32, #tpu.memory_space<vmem_shared>>) offsets(%arg10 : memref<64xi32, #tpu.memory_space<vmem>>) semaphore(%run_scoped3A_324 : memref<!tpu.dma_semaphore, #tpu.memory_space<semaphore_mem>>) {add = true}
        %dma_wait3A_328 = arith.constant 0 : i32
        %dma_wait3A_329 = arith.constant 0 : i32
        %dma_wait3A_330 = tpu.memref_slice %arg15[%dma_wait3A_328, %dma_wait3A_329] : memref<10112x128xf32, #tpu.memory_space<vmem_shared>> -> memref<10112x128xf32, #tpu.memory_space<vmem_shared>>
        tpu.wait_indirect_dma semaphore(%run_scoped3A_324 : memref<!tpu.dma_semaphore, #tpu.memory_space<semaphore_mem>>) src(%arg14 : memref<64x128xf32, #tpu.memory_space<vmem>>) dst(%dma_wait3A_330 : memref<10112x128xf32, #tpu.memory_space<vmem_shared>>)
        tpu.yield
      }) : () -> ()
      %add3A_317 = arith.constant 4 : i32
      %add3A_318 = arith.addi %add3A_265, %add3A_317 : i32
      %lt3A_319 = arith.constant 80 : i32
      %lt3A_320 = arith.cmpi slt, %add3A_318, %lt3A_319 : i32
      %convert_element_type3A_321 = arith.extui %lt3A_320 : i1 to i32
      %cond3A_322 = arith.constant 0 : i32
      %cond3A_323 = arith.cmpi ne, %convert_element_type3A_321, %cond3A_322 : i32
      scf.if %cond3A_323 {
        %add3A_324 = arith.constant 4 : i32
        %add3A_325 = arith.addi %add3A_265, %add3A_324 : i32
        %shift_right_arithmetic3A_326 = arith.constant 1 : i32
        %shift_right_arithmetic3A_327 = arith.shrsi %add3A_325, %shift_right_arithmetic3A_326 : i32
        %and3A_328 = arith.constant 1 : i32
        %and3A_329 = arith.andi %add3A_325, %and3A_328 : i32
        %mul3A_330 = arith.constant 64 : i32
        %mul3A_331 = arith.muli %and3A_329, %mul3A_330 : i32
        %dma_start3A_332 = tpu.memref_slice %arg8[%shift_right_arithmetic3A_327, %mul3A_331] : memref<40x128xi32, #tpu.memory_space<vmem>> -> memref<1x64xi32, #tpu.memory_space<vmem>>
        %dma_start3A_333 = tpu.memref_squeeze %dma_start3A_332 : memref<1x64xi32, #tpu.memory_space<vmem>> -> memref<64xi32, #tpu.memory_space<vmem>>
        %dma_start3A_334 = arith.constant 0 : i32
        %dma_start3A_335 = arith.constant 0 : i32
        %dma_start3A_336 = tpu.memref_slice %arg2[%dma_start3A_334, %dma_start3A_335] : memref<10112x128xf32, #tpu.memory_space<hbm>> -> memref<10112x128xf32, #tpu.memory_space<hbm>>
        tpu.enqueue_indirect_dma source(%dma_start3A_336 : memref<10112x128xf32, #tpu.memory_space<hbm>>) target(%arg14 : memref<64x128xf32, #tpu.memory_space<vmem>>) offsets(%dma_start3A_333 : memref<64xi32, #tpu.memory_space<vmem>>) semaphore(%arg19 : memref<!tpu.dma_semaphore, #tpu.memory_space<semaphore_mem>>)
      } else {
      }
    }
    %scan3A_38 = arith.constant 20 : i32
    %barrier3A_39 = arith.constant 0 : index
    tpu.barrier barrier_id(%barrier3A_39)
    %mul3A_40 = arith.constant 632 : i32
    %mul3A_41 = arith.muli %arg1, %mul3A_40 : i32
    %mul3A_42 = arith.constant 632 : i32
    %mul3A_43 = arith.muli %arg1, %mul3A_42 : i32
    "tpu.region"() ({
      %run_scoped3A_87 = tpu.sem_alloc : memref<!tpu.dma_semaphore, #tpu.memory_space<semaphore_mem>>
      %dma_start3A_88 = arith.constant 0 : i32
      %dma_start3A_89 = tpu.memref_slice %arg6[%arg0, %mul3A_43, %dma_start3A_88] : memref<2x10112x128xf32, #tpu.memory_space<hbm>> -> memref<1x632x128xf32, #tpu.memory_space<hbm>>
      %dma_start3A_90 = tpu.memref_squeeze %dma_start3A_89 : memref<1x632x128xf32, #tpu.memory_space<hbm>> -> memref<632x128xf32, #tpu.memory_space<hbm>>
      %dma_start3A_91 = arith.constant 0 : i32
      %dma_start3A_92 = tpu.memref_slice %arg15[%mul3A_41, %dma_start3A_91] : memref<10112x128xf32, #tpu.memory_space<vmem_shared>> -> memref<632x128xf32, #tpu.memory_space<vmem_shared>>
      tpu.enqueue_dma source(%dma_start3A_92 : memref<632x128xf32, #tpu.memory_space<vmem_shared>>) target(%dma_start3A_90 : memref<632x128xf32, #tpu.memory_space<hbm>>) target_semaphore(%run_scoped3A_87 : memref<!tpu.dma_semaphore, #tpu.memory_space<semaphore_mem>>)
      %dma_wait3A = arith.constant 0 : i32
      %dma_wait3A_93 = tpu.memref_slice %arg6[%arg0, %mul3A_43, %dma_wait3A] : memref<2x10112x128xf32, #tpu.memory_space<hbm>> -> memref<1x632x128xf32, #tpu.memory_space<hbm>>
      %dma_wait3A_94 = tpu.memref_squeeze %dma_wait3A_93 : memref<1x632x128xf32, #tpu.memory_space<hbm>> -> memref<632x128xf32, #tpu.memory_space<hbm>>
      %dma_wait3A_95 = arith.constant 0 : i32
      %dma_wait3A_96 = tpu.memref_slice %arg15[%mul3A_41, %dma_wait3A_95] : memref<10112x128xf32, #tpu.memory_space<vmem_shared>> -> memref<632x128xf32, #tpu.memory_space<vmem_shared>>
      tpu.wait_dma2 semaphore(%run_scoped3A_87 : memref<!tpu.dma_semaphore, #tpu.memory_space<semaphore_mem>>) src(%dma_wait3A_96 : memref<632x128xf32, #tpu.memory_space<vmem_shared>>) dst(%dma_wait3A_94 : memref<632x128xf32, #tpu.memory_space<hbm>>)
      tpu.yield
    }) : () -> ()
    %mul3A_44 = arith.constant 632 : i32
    %mul3A_45 = arith.muli %arg1, %mul3A_44 : i32
    %mul3A_46 = arith.constant 632 : i32
    %mul3A_47 = arith.muli %arg1, %mul3A_46 : i32
    "tpu.region"() ({
      %run_scoped3A_87 = tpu.sem_alloc : memref<!tpu.dma_semaphore, #tpu.memory_space<semaphore_mem>>
      %dma_start3A_88 = arith.constant 0 : i32
      %dma_start3A_89 = tpu.memref_slice %arg15[%mul3A_47, %dma_start3A_88] : memref<10112x128xf32, #tpu.memory_space<vmem_shared>> -> memref<632x128xf32, #tpu.memory_space<vmem_shared>>
      %dma_start3A_90 = arith.constant 0 : i32
      %dma_start3A_91 = tpu.memref_slice %arg5[%mul3A_45, %dma_start3A_90] : memref<10112x128xf32, #tpu.memory_space<hbm>> -> memref<632x128xf32, #tpu.memory_space<hbm>>
      tpu.enqueue_dma source(%dma_start3A_91 : memref<632x128xf32, #tpu.memory_space<hbm>>) target(%dma_start3A_89 : memref<632x128xf32, #tpu.memory_space<vmem_shared>>) target_semaphore(%run_scoped3A_87 : memref<!tpu.dma_semaphore, #tpu.memory_space<semaphore_mem>>)
      %dma_wait3A = arith.constant 0 : i32
      %dma_wait3A_92 = tpu.memref_slice %arg15[%mul3A_47, %dma_wait3A] : memref<10112x128xf32, #tpu.memory_space<vmem_shared>> -> memref<632x128xf32, #tpu.memory_space<vmem_shared>>
      %dma_wait3A_93 = arith.constant 0 : i32
      %dma_wait3A_94 = tpu.memref_slice %arg5[%mul3A_45, %dma_wait3A_93] : memref<10112x128xf32, #tpu.memory_space<hbm>> -> memref<632x128xf32, #tpu.memory_space<hbm>>
      tpu.wait_dma2 semaphore(%run_scoped3A_87 : memref<!tpu.dma_semaphore, #tpu.memory_space<semaphore_mem>>) src(%dma_wait3A_94 : memref<632x128xf32, #tpu.memory_space<hbm>>) dst(%dma_wait3A_92 : memref<632x128xf32, #tpu.memory_space<vmem_shared>>)
      tpu.yield
    }) : () -> ()
    %barrier3A_48 = arith.constant 0 : index
    tpu.barrier barrier_id(%barrier3A_48)
    %dma_start3A_49 = arith.constant 0 : i32
    %dma_start3A_50 = arith.constant 0 : i32
    %dma_start3A_51 = tpu.memref_slice %arg8[%dma_start3A_49, %dma_start3A_50] : memref<40x128xi32, #tpu.memory_space<vmem>> -> memref<1x64xi32, #tpu.memory_space<vmem>>
    %dma_start3A_52 = tpu.memref_squeeze %dma_start3A_51 : memref<1x64xi32, #tpu.memory_space<vmem>> -> memref<64xi32, #tpu.memory_space<vmem>>
    %dma_start3A_53 = arith.constant 0 : i32
    %dma_start3A_54 = arith.constant 0 : i32
    %dma_start3A_55 = tpu.memref_slice %arg3[%dma_start3A_53, %dma_start3A_54] : memref<10112x128xf32, #tpu.memory_space<hbm>> -> memref<10112x128xf32, #tpu.memory_space<hbm>>
    tpu.enqueue_indirect_dma source(%dma_start3A_55 : memref<10112x128xf32, #tpu.memory_space<hbm>>) target(%arg11 : memref<64x128xf32, #tpu.memory_space<vmem>>) offsets(%dma_start3A_52 : memref<64xi32, #tpu.memory_space<vmem>>) semaphore(%arg16 : memref<!tpu.dma_semaphore, #tpu.memory_space<semaphore_mem>>)
    %dma_start3A_56 = arith.constant 0 : i32
    %dma_start3A_57 = arith.constant 64 : i32
    %dma_start3A_58 = tpu.memref_slice %arg8[%dma_start3A_56, %dma_start3A_57] : memref<40x128xi32, #tpu.memory_space<vmem>> -> memref<1x64xi32, #tpu.memory_space<vmem>>
    %dma_start3A_59 = tpu.memref_squeeze %dma_start3A_58 : memref<1x64xi32, #tpu.memory_space<vmem>> -> memref<64xi32, #tpu.memory_space<vmem>>
    %dma_start3A_60 = arith.constant 0 : i32
    %dma_start3A_61 = arith.constant 0 : i32
    %dma_start3A_62 = tpu.memref_slice %arg3[%dma_start3A_60, %dma_start3A_61] : memref<10112x128xf32, #tpu.memory_space<hbm>> -> memref<10112x128xf32, #tpu.memory_space<hbm>>
    tpu.enqueue_indirect_dma source(%dma_start3A_62 : memref<10112x128xf32, #tpu.memory_space<hbm>>) target(%arg12 : memref<64x128xf32, #tpu.memory_space<vmem>>) offsets(%dma_start3A_59 : memref<64xi32, #tpu.memory_space<vmem>>) semaphore(%arg17 : memref<!tpu.dma_semaphore, #tpu.memory_space<semaphore_mem>>)
    %dma_start3A_63 = arith.constant 1 : i32
    %dma_start3A_64 = arith.constant 0 : i32
    %dma_start3A_65 = tpu.memref_slice %arg8[%dma_start3A_63, %dma_start3A_64] : memref<40x128xi32, #tpu.memory_space<vmem>> -> memref<1x64xi32, #tpu.memory_space<vmem>>
    %dma_start3A_66 = tpu.memref_squeeze %dma_start3A_65 : memref<1x64xi32, #tpu.memory_space<vmem>> -> memref<64xi32, #tpu.memory_space<vmem>>
    %dma_start3A_67 = arith.constant 0 : i32
    %dma_start3A_68 = arith.constant 0 : i32
    %dma_start3A_69 = tpu.memref_slice %arg3[%dma_start3A_67, %dma_start3A_68] : memref<10112x128xf32, #tpu.memory_space<hbm>> -> memref<10112x128xf32, #tpu.memory_space<hbm>>
    tpu.enqueue_indirect_dma source(%dma_start3A_69 : memref<10112x128xf32, #tpu.memory_space<hbm>>) target(%arg13 : memref<64x128xf32, #tpu.memory_space<vmem>>) offsets(%dma_start3A_66 : memref<64xi32, #tpu.memory_space<vmem>>) semaphore(%arg18 : memref<!tpu.dma_semaphore, #tpu.memory_space<semaphore_mem>>)
    %dma_start3A_70 = arith.constant 1 : i32
    %dma_start3A_71 = arith.constant 64 : i32
    %dma_start3A_72 = tpu.memref_slice %arg8[%dma_start3A_70, %dma_start3A_71] : memref<40x128xi32, #tpu.memory_space<vmem>> -> memref<1x64xi32, #tpu.memory_space<vmem>>
    %dma_start3A_73 = tpu.memref_squeeze %dma_start3A_72 : memref<1x64xi32, #tpu.memory_space<vmem>> -> memref<64xi32, #tpu.memory_space<vmem>>
    %dma_start3A_74 = arith.constant 0 : i32
    %dma_start3A_75 = arith.constant 0 : i32
    %dma_start3A_76 = tpu.memref_slice %arg3[%dma_start3A_74, %dma_start3A_75] : memref<10112x128xf32, #tpu.memory_space<hbm>> -> memref<10112x128xf32, #tpu.memory_space<hbm>>
    tpu.enqueue_indirect_dma source(%dma_start3A_76 : memref<10112x128xf32, #tpu.memory_space<hbm>>) target(%arg14 : memref<64x128xf32, #tpu.memory_space<vmem>>) offsets(%dma_start3A_73 : memref<64xi32, #tpu.memory_space<vmem>>) semaphore(%arg19 : memref<!tpu.dma_semaphore, #tpu.memory_space<semaphore_mem>>)
    %scan3A_77 = arith.constant 0 : i32
    %scan3A_78 = arith.constant 20 : i32
    %scan3A_79 = arith.addi %scan3A_77, %scan3A_78 : i32
    %scan3A_80 = arith.constant 1 : i32
    scf.for %scan3A_87 = %scan3A_77 to %scan3A_79 step %scan3A_80  : i32 {
      %mul3A_88 = arith.constant 4 : i32
      %mul3A_89 = arith.muli %scan3A_87, %mul3A_88 : i32
      %add3A_90 = arith.constant 0 : i32
      %add3A_91 = arith.addi %add3A_90, %mul3A_89 : i32
      %add3A_92 = arith.constant 0 : i32
      %add3A_93 = arith.addi %add3A_91, %add3A_92 : i32
      %shift_right_arithmetic3A = arith.constant 1 : i32
      %shift_right_arithmetic3A_94 = arith.shrsi %add3A_93, %shift_right_arithmetic3A : i32
      %and3A = arith.constant 1 : i32
      %and3A_95 = arith.andi %add3A_93, %and3A : i32
      %mul3A_96 = arith.constant 64 : i32
      %mul3A_97 = arith.muli %and3A_95, %mul3A_96 : i32
      %dma_wait3A = tpu.memref_slice %arg8[%shift_right_arithmetic3A_94, %mul3A_97] : memref<40x128xi32, #tpu.memory_space<vmem>> -> memref<1x64xi32, #tpu.memory_space<vmem>>
      %dma_wait3A_98 = tpu.memref_squeeze %dma_wait3A : memref<1x64xi32, #tpu.memory_space<vmem>> -> memref<64xi32, #tpu.memory_space<vmem>>
      %dma_wait3A_99 = arith.constant 0 : i32
      %dma_wait3A_100 = arith.constant 0 : i32
      %dma_wait3A_101 = tpu.memref_slice %arg3[%dma_wait3A_99, %dma_wait3A_100] : memref<10112x128xf32, #tpu.memory_space<hbm>> -> memref<10112x128xf32, #tpu.memory_space<hbm>>
      tpu.wait_indirect_dma semaphore(%arg16 : memref<!tpu.dma_semaphore, #tpu.memory_space<semaphore_mem>>) src(%dma_wait3A_101 : memref<10112x128xf32, #tpu.memory_space<hbm>>) dst(%arg11 : memref<64x128xf32, #tpu.memory_space<vmem>>)
      %add3A_102 = arith.constant 0 : i32
      %add3A_103 = arith.addi %mul3A_97, %add3A_102 : i32
      %get3A = arith.index_cast %shift_right_arithmetic3A_94 : i32 to index
      %get3A_104 = arith.index_cast %add3A_103 : i32 to index
      %get3A_105 = tpu.vector_load %arg9[%get3A, %get3A_104] {strides = array<i32>} : memref<40x128xi32, #tpu.memory_space<vmem>>, vector<1x16xi32>,
      %get3A_106 = vector.shape_cast %get3A_105 : vector<1x16xi32> to vector<16xi32>
      %swap3A = arith.constant 0 : index
      %swap3A_107 = tpu.vector_load %arg10[%swap3A] {strides = array<i32>} : memref<64xi32, #tpu.memory_space<vmem>>, vector<16xi32>,
      %swap3A_108 = vector.shape_cast %swap3A_107 : vector<16xi32> to vector<16xi32>
      %swap3A_109 = vector.shape_cast %get3A_106 : vector<16xi32> to vector<16xi32>
      tpu.vector_store %arg10[%swap3A], %swap3A_109 {strides = array<i32>} : memref<64xi32, #tpu.memory_space<vmem>>, vector<16xi32>,
      %add3A_110 = arith.constant 16 : i32
      %add3A_111 = arith.addi %mul3A_97, %add3A_110 : i32
      %get3A_112 = arith.index_cast %shift_right_arithmetic3A_94 : i32 to index
      %get3A_113 = arith.index_cast %add3A_111 : i32 to index
      %get3A_114 = tpu.vector_load %arg9[%get3A_112, %get3A_113] {strides = array<i32>} : memref<40x128xi32, #tpu.memory_space<vmem>>, vector<1x16xi32>,
      %get3A_115 = vector.shape_cast %get3A_114 : vector<1x16xi32> to vector<16xi32>
      %swap3A_116 = arith.constant 16 : index
      %swap3A_117 = tpu.vector_load %arg10[%swap3A_116] {strides = array<i32>} : memref<64xi32, #tpu.memory_space<vmem>>, vector<16xi32>,
      %swap3A_118 = vector.shape_cast %swap3A_117 : vector<16xi32> to vector<16xi32>
      %swap3A_119 = vector.shape_cast %get3A_115 : vector<16xi32> to vector<16xi32>
      tpu.vector_store %arg10[%swap3A_116], %swap3A_119 {strides = array<i32>} : memref<64xi32, #tpu.memory_space<vmem>>, vector<16xi32>,
      %add3A_120 = arith.constant 32 : i32
      %add3A_121 = arith.addi %mul3A_97, %add3A_120 : i32
      %get3A_122 = arith.index_cast %shift_right_arithmetic3A_94 : i32 to index
      %get3A_123 = arith.index_cast %add3A_121 : i32 to index
      %get3A_124 = tpu.vector_load %arg9[%get3A_122, %get3A_123] {strides = array<i32>} : memref<40x128xi32, #tpu.memory_space<vmem>>, vector<1x16xi32>,
      %get3A_125 = vector.shape_cast %get3A_124 : vector<1x16xi32> to vector<16xi32>
      %swap3A_126 = arith.constant 32 : index
      %swap3A_127 = tpu.vector_load %arg10[%swap3A_126] {strides = array<i32>} : memref<64xi32, #tpu.memory_space<vmem>>, vector<16xi32>,
      %swap3A_128 = vector.shape_cast %swap3A_127 : vector<16xi32> to vector<16xi32>
      %swap3A_129 = vector.shape_cast %get3A_125 : vector<16xi32> to vector<16xi32>
      tpu.vector_store %arg10[%swap3A_126], %swap3A_129 {strides = array<i32>} : memref<64xi32, #tpu.memory_space<vmem>>, vector<16xi32>,
      %add3A_130 = arith.constant 48 : i32
      %add3A_131 = arith.addi %mul3A_97, %add3A_130 : i32
      %get3A_132 = arith.index_cast %shift_right_arithmetic3A_94 : i32 to index
      %get3A_133 = arith.index_cast %add3A_131 : i32 to index
      %get3A_134 = tpu.vector_load %arg9[%get3A_132, %get3A_133] {strides = array<i32>} : memref<40x128xi32, #tpu.memory_space<vmem>>, vector<1x16xi32>,
      %get3A_135 = vector.shape_cast %get3A_134 : vector<1x16xi32> to vector<16xi32>
      %swap3A_136 = arith.constant 48 : index
      %swap3A_137 = tpu.vector_load %arg10[%swap3A_136] {strides = array<i32>} : memref<64xi32, #tpu.memory_space<vmem>>, vector<16xi32>,
      %swap3A_138 = vector.shape_cast %swap3A_137 : vector<16xi32> to vector<16xi32>
      %swap3A_139 = vector.shape_cast %get3A_135 : vector<16xi32> to vector<16xi32>
      tpu.vector_store %arg10[%swap3A_136], %swap3A_139 {strides = array<i32>} : memref<64xi32, #tpu.memory_space<vmem>>, vector<16xi32>,
      "tpu.region"() ({
        %run_scoped3A_324 = tpu.sem_alloc : memref<!tpu.dma_semaphore, #tpu.memory_space<semaphore_mem>>
        %dma_start3A_325 = arith.constant 0 : i32
        %dma_start3A_326 = arith.constant 0 : i32
        %dma_start3A_327 = tpu.memref_slice %arg15[%dma_start3A_325, %dma_start3A_326] : memref<10112x128xf32, #tpu.memory_space<vmem_shared>> -> memref<10112x128xf32, #tpu.memory_space<vmem_shared>>
        tpu.enqueue_indirect_dma source(%arg11 : memref<64x128xf32, #tpu.memory_space<vmem>>) target(%dma_start3A_327 : memref<10112x128xf32, #tpu.memory_space<vmem_shared>>) offsets(%arg10 : memref<64xi32, #tpu.memory_space<vmem>>) semaphore(%run_scoped3A_324 : memref<!tpu.dma_semaphore, #tpu.memory_space<semaphore_mem>>) {add = true}
        %dma_wait3A_328 = arith.constant 0 : i32
        %dma_wait3A_329 = arith.constant 0 : i32
        %dma_wait3A_330 = tpu.memref_slice %arg15[%dma_wait3A_328, %dma_wait3A_329] : memref<10112x128xf32, #tpu.memory_space<vmem_shared>> -> memref<10112x128xf32, #tpu.memory_space<vmem_shared>>
        tpu.wait_indirect_dma semaphore(%run_scoped3A_324 : memref<!tpu.dma_semaphore, #tpu.memory_space<semaphore_mem>>) src(%arg11 : memref<64x128xf32, #tpu.memory_space<vmem>>) dst(%dma_wait3A_330 : memref<10112x128xf32, #tpu.memory_space<vmem_shared>>)
        tpu.yield
      }) : () -> ()
      %add3A_140 = arith.constant 4 : i32
      %add3A_141 = arith.addi %add3A_93, %add3A_140 : i32
      %lt3A = arith.constant 80 : i32
      %lt3A_142 = arith.cmpi slt, %add3A_141, %lt3A : i32
      %convert_element_type3A = arith.extui %lt3A_142 : i1 to i32
      %cond3A = arith.constant 0 : i32
      %cond3A_143 = arith.cmpi ne, %convert_element_type3A, %cond3A : i32
      scf.if %cond3A_143 {
        %add3A_324 = arith.constant 4 : i32
        %add3A_325 = arith.addi %add3A_93, %add3A_324 : i32
        %shift_right_arithmetic3A_326 = arith.constant 1 : i32
        %shift_right_arithmetic3A_327 = arith.shrsi %add3A_325, %shift_right_arithmetic3A_326 : i32
        %and3A_328 = arith.constant 1 : i32
        %and3A_329 = arith.andi %add3A_325, %and3A_328 : i32
        %mul3A_330 = arith.constant 64 : i32
        %mul3A_331 = arith.muli %and3A_329, %mul3A_330 : i32
        %dma_start3A_332 = tpu.memref_slice %arg8[%shift_right_arithmetic3A_327, %mul3A_331] : memref<40x128xi32, #tpu.memory_space<vmem>> -> memref<1x64xi32, #tpu.memory_space<vmem>>
        %dma_start3A_333 = tpu.memref_squeeze %dma_start3A_332 : memref<1x64xi32, #tpu.memory_space<vmem>> -> memref<64xi32, #tpu.memory_space<vmem>>
        %dma_start3A_334 = arith.constant 0 : i32
        %dma_start3A_335 = arith.constant 0 : i32
        %dma_start3A_336 = tpu.memref_slice %arg3[%dma_start3A_334, %dma_start3A_335] : memref<10112x128xf32, #tpu.memory_space<hbm>> -> memref<10112x128xf32, #tpu.memory_space<hbm>>
        tpu.enqueue_indirect_dma source(%dma_start3A_336 : memref<10112x128xf32, #tpu.memory_space<hbm>>) target(%arg11 : memref<64x128xf32, #tpu.memory_space<vmem>>) offsets(%dma_start3A_333 : memref<64xi32, #tpu.memory_space<vmem>>) semaphore(%arg16 : memref<!tpu.dma_semaphore, #tpu.memory_space<semaphore_mem>>)
      } else {
      }
      %add3A_144 = arith.constant 1 : i32
      %add3A_145 = arith.addi %add3A_91, %add3A_144 : i32
      %shift_right_arithmetic3A_146 = arith.constant 1 : i32
      %shift_right_arithmetic3A_147 = arith.shrsi %add3A_145, %shift_right_arithmetic3A_146 : i32
      %and3A_148 = arith.constant 1 : i32
      %and3A_149 = arith.andi %add3A_145, %and3A_148 : i32
      %mul3A_150 = arith.constant 64 : i32
      %mul3A_151 = arith.muli %and3A_149, %mul3A_150 : i32
      %dma_wait3A_152 = tpu.memref_slice %arg8[%shift_right_arithmetic3A_147, %mul3A_151] : memref<40x128xi32, #tpu.memory_space<vmem>> -> memref<1x64xi32, #tpu.memory_space<vmem>>
      %dma_wait3A_153 = tpu.memref_squeeze %dma_wait3A_152 : memref<1x64xi32, #tpu.memory_space<vmem>> -> memref<64xi32, #tpu.memory_space<vmem>>
      %dma_wait3A_154 = arith.constant 0 : i32
      %dma_wait3A_155 = arith.constant 0 : i32
      %dma_wait3A_156 = tpu.memref_slice %arg3[%dma_wait3A_154, %dma_wait3A_155] : memref<10112x128xf32, #tpu.memory_space<hbm>> -> memref<10112x128xf32, #tpu.memory_space<hbm>>
      tpu.wait_indirect_dma semaphore(%arg17 : memref<!tpu.dma_semaphore, #tpu.memory_space<semaphore_mem>>) src(%dma_wait3A_156 : memref<10112x128xf32, #tpu.memory_space<hbm>>) dst(%arg12 : memref<64x128xf32, #tpu.memory_space<vmem>>)
      %add3A_157 = arith.constant 0 : i32
      %add3A_158 = arith.addi %mul3A_151, %add3A_157 : i32
      %get3A_159 = arith.index_cast %shift_right_arithmetic3A_147 : i32 to index
      %get3A_160 = arith.index_cast %add3A_158 : i32 to index
      %get3A_161 = tpu.vector_load %arg9[%get3A_159, %get3A_160] {strides = array<i32>} : memref<40x128xi32, #tpu.memory_space<vmem>>, vector<1x16xi32>,
      %get3A_162 = vector.shape_cast %get3A_161 : vector<1x16xi32> to vector<16xi32>
      %swap3A_163 = arith.constant 0 : index
      %swap3A_164 = tpu.vector_load %arg10[%swap3A_163] {strides = array<i32>} : memref<64xi32, #tpu.memory_space<vmem>>, vector<16xi32>,
      %swap3A_165 = vector.shape_cast %swap3A_164 : vector<16xi32> to vector<16xi32>
      %swap3A_166 = vector.shape_cast %get3A_162 : vector<16xi32> to vector<16xi32>
      tpu.vector_store %arg10[%swap3A_163], %swap3A_166 {strides = array<i32>} : memref<64xi32, #tpu.memory_space<vmem>>, vector<16xi32>,
      %add3A_167 = arith.constant 16 : i32
      %add3A_168 = arith.addi %mul3A_151, %add3A_167 : i32
      %get3A_169 = arith.index_cast %shift_right_arithmetic3A_147 : i32 to index
      %get3A_170 = arith.index_cast %add3A_168 : i32 to index
      %get3A_171 = tpu.vector_load %arg9[%get3A_169, %get3A_170] {strides = array<i32>} : memref<40x128xi32, #tpu.memory_space<vmem>>, vector<1x16xi32>,
      %get3A_172 = vector.shape_cast %get3A_171 : vector<1x16xi32> to vector<16xi32>
      %swap3A_173 = arith.constant 16 : index
      %swap3A_174 = tpu.vector_load %arg10[%swap3A_173] {strides = array<i32>} : memref<64xi32, #tpu.memory_space<vmem>>, vector<16xi32>,
      %swap3A_175 = vector.shape_cast %swap3A_174 : vector<16xi32> to vector<16xi32>
      %swap3A_176 = vector.shape_cast %get3A_172 : vector<16xi32> to vector<16xi32>
      tpu.vector_store %arg10[%swap3A_173], %swap3A_176 {strides = array<i32>} : memref<64xi32, #tpu.memory_space<vmem>>, vector<16xi32>,
      %add3A_177 = arith.constant 32 : i32
      %add3A_178 = arith.addi %mul3A_151, %add3A_177 : i32
      %get3A_179 = arith.index_cast %shift_right_arithmetic3A_147 : i32 to index
      %get3A_180 = arith.index_cast %add3A_178 : i32 to index
      %get3A_181 = tpu.vector_load %arg9[%get3A_179, %get3A_180] {strides = array<i32>} : memref<40x128xi32, #tpu.memory_space<vmem>>, vector<1x16xi32>,
      %get3A_182 = vector.shape_cast %get3A_181 : vector<1x16xi32> to vector<16xi32>
      %swap3A_183 = arith.constant 32 : index
      %swap3A_184 = tpu.vector_load %arg10[%swap3A_183] {strides = array<i32>} : memref<64xi32, #tpu.memory_space<vmem>>, vector<16xi32>,
      %swap3A_185 = vector.shape_cast %swap3A_184 : vector<16xi32> to vector<16xi32>
      %swap3A_186 = vector.shape_cast %get3A_182 : vector<16xi32> to vector<16xi32>
      tpu.vector_store %arg10[%swap3A_183], %swap3A_186 {strides = array<i32>} : memref<64xi32, #tpu.memory_space<vmem>>, vector<16xi32>,
      %add3A_187 = arith.constant 48 : i32
      %add3A_188 = arith.addi %mul3A_151, %add3A_187 : i32
      %get3A_189 = arith.index_cast %shift_right_arithmetic3A_147 : i32 to index
      %get3A_190 = arith.index_cast %add3A_188 : i32 to index
      %get3A_191 = tpu.vector_load %arg9[%get3A_189, %get3A_190] {strides = array<i32>} : memref<40x128xi32, #tpu.memory_space<vmem>>, vector<1x16xi32>,
      %get3A_192 = vector.shape_cast %get3A_191 : vector<1x16xi32> to vector<16xi32>
      %swap3A_193 = arith.constant 48 : index
      %swap3A_194 = tpu.vector_load %arg10[%swap3A_193] {strides = array<i32>} : memref<64xi32, #tpu.memory_space<vmem>>, vector<16xi32>,
      %swap3A_195 = vector.shape_cast %swap3A_194 : vector<16xi32> to vector<16xi32>
      %swap3A_196 = vector.shape_cast %get3A_192 : vector<16xi32> to vector<16xi32>
      tpu.vector_store %arg10[%swap3A_193], %swap3A_196 {strides = array<i32>} : memref<64xi32, #tpu.memory_space<vmem>>, vector<16xi32>,
      "tpu.region"() ({
        %run_scoped3A_324 = tpu.sem_alloc : memref<!tpu.dma_semaphore, #tpu.memory_space<semaphore_mem>>
        %dma_start3A_325 = arith.constant 0 : i32
        %dma_start3A_326 = arith.constant 0 : i32
        %dma_start3A_327 = tpu.memref_slice %arg15[%dma_start3A_325, %dma_start3A_326] : memref<10112x128xf32, #tpu.memory_space<vmem_shared>> -> memref<10112x128xf32, #tpu.memory_space<vmem_shared>>
        tpu.enqueue_indirect_dma source(%arg12 : memref<64x128xf32, #tpu.memory_space<vmem>>) target(%dma_start3A_327 : memref<10112x128xf32, #tpu.memory_space<vmem_shared>>) offsets(%arg10 : memref<64xi32, #tpu.memory_space<vmem>>) semaphore(%run_scoped3A_324 : memref<!tpu.dma_semaphore, #tpu.memory_space<semaphore_mem>>) {add = true}
        %dma_wait3A_328 = arith.constant 0 : i32
        %dma_wait3A_329 = arith.constant 0 : i32
        %dma_wait3A_330 = tpu.memref_slice %arg15[%dma_wait3A_328, %dma_wait3A_329] : memref<10112x128xf32, #tpu.memory_space<vmem_shared>> -> memref<10112x128xf32, #tpu.memory_space<vmem_shared>>
        tpu.wait_indirect_dma semaphore(%run_scoped3A_324 : memref<!tpu.dma_semaphore, #tpu.memory_space<semaphore_mem>>) src(%arg12 : memref<64x128xf32, #tpu.memory_space<vmem>>) dst(%dma_wait3A_330 : memref<10112x128xf32, #tpu.memory_space<vmem_shared>>)
        tpu.yield
      }) : () -> ()
      %add3A_197 = arith.constant 4 : i32
      %add3A_198 = arith.addi %add3A_145, %add3A_197 : i32
      %lt3A_199 = arith.constant 80 : i32
      %lt3A_200 = arith.cmpi slt, %add3A_198, %lt3A_199 : i32
      %convert_element_type3A_201 = arith.extui %lt3A_200 : i1 to i32
      %cond3A_202 = arith.constant 0 : i32
      %cond3A_203 = arith.cmpi ne, %convert_element_type3A_201, %cond3A_202 : i32
      scf.if %cond3A_203 {
        %add3A_324 = arith.constant 4 : i32
        %add3A_325 = arith.addi %add3A_145, %add3A_324 : i32
        %shift_right_arithmetic3A_326 = arith.constant 1 : i32
        %shift_right_arithmetic3A_327 = arith.shrsi %add3A_325, %shift_right_arithmetic3A_326 : i32
        %and3A_328 = arith.constant 1 : i32
        %and3A_329 = arith.andi %add3A_325, %and3A_328 : i32
        %mul3A_330 = arith.constant 64 : i32
        %mul3A_331 = arith.muli %and3A_329, %mul3A_330 : i32
        %dma_start3A_332 = tpu.memref_slice %arg8[%shift_right_arithmetic3A_327, %mul3A_331] : memref<40x128xi32, #tpu.memory_space<vmem>> -> memref<1x64xi32, #tpu.memory_space<vmem>>
        %dma_start3A_333 = tpu.memref_squeeze %dma_start3A_332 : memref<1x64xi32, #tpu.memory_space<vmem>> -> memref<64xi32, #tpu.memory_space<vmem>>
        %dma_start3A_334 = arith.constant 0 : i32
        %dma_start3A_335 = arith.constant 0 : i32
        %dma_start3A_336 = tpu.memref_slice %arg3[%dma_start3A_334, %dma_start3A_335] : memref<10112x128xf32, #tpu.memory_space<hbm>> -> memref<10112x128xf32, #tpu.memory_space<hbm>>
        tpu.enqueue_indirect_dma source(%dma_start3A_336 : memref<10112x128xf32, #tpu.memory_space<hbm>>) target(%arg12 : memref<64x128xf32, #tpu.memory_space<vmem>>) offsets(%dma_start3A_333 : memref<64xi32, #tpu.memory_space<vmem>>) semaphore(%arg17 : memref<!tpu.dma_semaphore, #tpu.memory_space<semaphore_mem>>)
      } else {
      }
      %add3A_204 = arith.constant 2 : i32
      %add3A_205 = arith.addi %add3A_91, %add3A_204 : i32
      %shift_right_arithmetic3A_206 = arith.constant 1 : i32
      %shift_right_arithmetic3A_207 = arith.shrsi %add3A_205, %shift_right_arithmetic3A_206 : i32
      %and3A_208 = arith.constant 1 : i32
      %and3A_209 = arith.andi %add3A_205, %and3A_208 : i32
      %mul3A_210 = arith.constant 64 : i32
      %mul3A_211 = arith.muli %and3A_209, %mul3A_210 : i32
      %dma_wait3A_212 = tpu.memref_slice %arg8[%shift_right_arithmetic3A_207, %mul3A_211] : memref<40x128xi32, #tpu.memory_space<vmem>> -> memref<1x64xi32, #tpu.memory_space<vmem>>
      %dma_wait3A_213 = tpu.memref_squeeze %dma_wait3A_212 : memref<1x64xi32, #tpu.memory_space<vmem>> -> memref<64xi32, #tpu.memory_space<vmem>>
      %dma_wait3A_214 = arith.constant 0 : i32
      %dma_wait3A_215 = arith.constant 0 : i32
      %dma_wait3A_216 = tpu.memref_slice %arg3[%dma_wait3A_214, %dma_wait3A_215] : memref<10112x128xf32, #tpu.memory_space<hbm>> -> memref<10112x128xf32, #tpu.memory_space<hbm>>
      tpu.wait_indirect_dma semaphore(%arg18 : memref<!tpu.dma_semaphore, #tpu.memory_space<semaphore_mem>>) src(%dma_wait3A_216 : memref<10112x128xf32, #tpu.memory_space<hbm>>) dst(%arg13 : memref<64x128xf32, #tpu.memory_space<vmem>>)
      %add3A_217 = arith.constant 0 : i32
      %add3A_218 = arith.addi %mul3A_211, %add3A_217 : i32
      %get3A_219 = arith.index_cast %shift_right_arithmetic3A_207 : i32 to index
      %get3A_220 = arith.index_cast %add3A_218 : i32 to index
      %get3A_221 = tpu.vector_load %arg9[%get3A_219, %get3A_220] {strides = array<i32>} : memref<40x128xi32, #tpu.memory_space<vmem>>, vector<1x16xi32>,
      %get3A_222 = vector.shape_cast %get3A_221 : vector<1x16xi32> to vector<16xi32>
      %swap3A_223 = arith.constant 0 : index
      %swap3A_224 = tpu.vector_load %arg10[%swap3A_223] {strides = array<i32>} : memref<64xi32, #tpu.memory_space<vmem>>, vector<16xi32>,
      %swap3A_225 = vector.shape_cast %swap3A_224 : vector<16xi32> to vector<16xi32>
      %swap3A_226 = vector.shape_cast %get3A_222 : vector<16xi32> to vector<16xi32>
      tpu.vector_store %arg10[%swap3A_223], %swap3A_226 {strides = array<i32>} : memref<64xi32, #tpu.memory_space<vmem>>, vector<16xi32>,
      %add3A_227 = arith.constant 16 : i32
      %add3A_228 = arith.addi %mul3A_211, %add3A_227 : i32
      %get3A_229 = arith.index_cast %shift_right_arithmetic3A_207 : i32 to index
      %get3A_230 = arith.index_cast %add3A_228 : i32 to index
      %get3A_231 = tpu.vector_load %arg9[%get3A_229, %get3A_230] {strides = array<i32>} : memref<40x128xi32, #tpu.memory_space<vmem>>, vector<1x16xi32>,
      %get3A_232 = vector.shape_cast %get3A_231 : vector<1x16xi32> to vector<16xi32>
      %swap3A_233 = arith.constant 16 : index
      %swap3A_234 = tpu.vector_load %arg10[%swap3A_233] {strides = array<i32>} : memref<64xi32, #tpu.memory_space<vmem>>, vector<16xi32>,
      %swap3A_235 = vector.shape_cast %swap3A_234 : vector<16xi32> to vector<16xi32>
      %swap3A_236 = vector.shape_cast %get3A_232 : vector<16xi32> to vector<16xi32>
      tpu.vector_store %arg10[%swap3A_233], %swap3A_236 {strides = array<i32>} : memref<64xi32, #tpu.memory_space<vmem>>, vector<16xi32>,
      %add3A_237 = arith.constant 32 : i32
      %add3A_238 = arith.addi %mul3A_211, %add3A_237 : i32
      %get3A_239 = arith.index_cast %shift_right_arithmetic3A_207 : i32 to index
      %get3A_240 = arith.index_cast %add3A_238 : i32 to index
      %get3A_241 = tpu.vector_load %arg9[%get3A_239, %get3A_240] {strides = array<i32>} : memref<40x128xi32, #tpu.memory_space<vmem>>, vector<1x16xi32>,
      %get3A_242 = vector.shape_cast %get3A_241 : vector<1x16xi32> to vector<16xi32>
      %swap3A_243 = arith.constant 32 : index
      %swap3A_244 = tpu.vector_load %arg10[%swap3A_243] {strides = array<i32>} : memref<64xi32, #tpu.memory_space<vmem>>, vector<16xi32>,
      %swap3A_245 = vector.shape_cast %swap3A_244 : vector<16xi32> to vector<16xi32>
      %swap3A_246 = vector.shape_cast %get3A_242 : vector<16xi32> to vector<16xi32>
      tpu.vector_store %arg10[%swap3A_243], %swap3A_246 {strides = array<i32>} : memref<64xi32, #tpu.memory_space<vmem>>, vector<16xi32>,
      %add3A_247 = arith.constant 48 : i32
      %add3A_248 = arith.addi %mul3A_211, %add3A_247 : i32
      %get3A_249 = arith.index_cast %shift_right_arithmetic3A_207 : i32 to index
      %get3A_250 = arith.index_cast %add3A_248 : i32 to index
      %get3A_251 = tpu.vector_load %arg9[%get3A_249, %get3A_250] {strides = array<i32>} : memref<40x128xi32, #tpu.memory_space<vmem>>, vector<1x16xi32>,
      %get3A_252 = vector.shape_cast %get3A_251 : vector<1x16xi32> to vector<16xi32>
      %swap3A_253 = arith.constant 48 : index
      %swap3A_254 = tpu.vector_load %arg10[%swap3A_253] {strides = array<i32>} : memref<64xi32, #tpu.memory_space<vmem>>, vector<16xi32>,
      %swap3A_255 = vector.shape_cast %swap3A_254 : vector<16xi32> to vector<16xi32>
      %swap3A_256 = vector.shape_cast %get3A_252 : vector<16xi32> to vector<16xi32>
      tpu.vector_store %arg10[%swap3A_253], %swap3A_256 {strides = array<i32>} : memref<64xi32, #tpu.memory_space<vmem>>, vector<16xi32>,
      "tpu.region"() ({
        %run_scoped3A_324 = tpu.sem_alloc : memref<!tpu.dma_semaphore, #tpu.memory_space<semaphore_mem>>
        %dma_start3A_325 = arith.constant 0 : i32
        %dma_start3A_326 = arith.constant 0 : i32
        %dma_start3A_327 = tpu.memref_slice %arg15[%dma_start3A_325, %dma_start3A_326] : memref<10112x128xf32, #tpu.memory_space<vmem_shared>> -> memref<10112x128xf32, #tpu.memory_space<vmem_shared>>
        tpu.enqueue_indirect_dma source(%arg13 : memref<64x128xf32, #tpu.memory_space<vmem>>) target(%dma_start3A_327 : memref<10112x128xf32, #tpu.memory_space<vmem_shared>>) offsets(%arg10 : memref<64xi32, #tpu.memory_space<vmem>>) semaphore(%run_scoped3A_324 : memref<!tpu.dma_semaphore, #tpu.memory_space<semaphore_mem>>) {add = true}
        %dma_wait3A_328 = arith.constant 0 : i32
        %dma_wait3A_329 = arith.constant 0 : i32
        %dma_wait3A_330 = tpu.memref_slice %arg15[%dma_wait3A_328, %dma_wait3A_329] : memref<10112x128xf32, #tpu.memory_space<vmem_shared>> -> memref<10112x128xf32, #tpu.memory_space<vmem_shared>>
        tpu.wait_indirect_dma semaphore(%run_scoped3A_324 : memref<!tpu.dma_semaphore, #tpu.memory_space<semaphore_mem>>) src(%arg13 : memref<64x128xf32, #tpu.memory_space<vmem>>) dst(%dma_wait3A_330 : memref<10112x128xf32, #tpu.memory_space<vmem_shared>>)
        tpu.yield
      }) : () -> ()
      %add3A_257 = arith.constant 4 : i32
      %add3A_258 = arith.addi %add3A_205, %add3A_257 : i32
      %lt3A_259 = arith.constant 80 : i32
      %lt3A_260 = arith.cmpi slt, %add3A_258, %lt3A_259 : i32
      %convert_element_type3A_261 = arith.extui %lt3A_260 : i1 to i32
      %cond3A_262 = arith.constant 0 : i32
      %cond3A_263 = arith.cmpi ne, %convert_element_type3A_261, %cond3A_262 : i32
      scf.if %cond3A_263 {
        %add3A_324 = arith.constant 4 : i32
        %add3A_325 = arith.addi %add3A_205, %add3A_324 : i32
        %shift_right_arithmetic3A_326 = arith.constant 1 : i32
        %shift_right_arithmetic3A_327 = arith.shrsi %add3A_325, %shift_right_arithmetic3A_326 : i32
        %and3A_328 = arith.constant 1 : i32
        %and3A_329 = arith.andi %add3A_325, %and3A_328 : i32
        %mul3A_330 = arith.constant 64 : i32
        %mul3A_331 = arith.muli %and3A_329, %mul3A_330 : i32
        %dma_start3A_332 = tpu.memref_slice %arg8[%shift_right_arithmetic3A_327, %mul3A_331] : memref<40x128xi32, #tpu.memory_space<vmem>> -> memref<1x64xi32, #tpu.memory_space<vmem>>
        %dma_start3A_333 = tpu.memref_squeeze %dma_start3A_332 : memref<1x64xi32, #tpu.memory_space<vmem>> -> memref<64xi32, #tpu.memory_space<vmem>>
        %dma_start3A_334 = arith.constant 0 : i32
        %dma_start3A_335 = arith.constant 0 : i32
        %dma_start3A_336 = tpu.memref_slice %arg3[%dma_start3A_334, %dma_start3A_335] : memref<10112x128xf32, #tpu.memory_space<hbm>> -> memref<10112x128xf32, #tpu.memory_space<hbm>>
        tpu.enqueue_indirect_dma source(%dma_start3A_336 : memref<10112x128xf32, #tpu.memory_space<hbm>>) target(%arg13 : memref<64x128xf32, #tpu.memory_space<vmem>>) offsets(%dma_start3A_333 : memref<64xi32, #tpu.memory_space<vmem>>) semaphore(%arg18 : memref<!tpu.dma_semaphore, #tpu.memory_space<semaphore_mem>>)
      } else {
      }
      %add3A_264 = arith.constant 3 : i32
      %add3A_265 = arith.addi %add3A_91, %add3A_264 : i32
      %shift_right_arithmetic3A_266 = arith.constant 1 : i32
      %shift_right_arithmetic3A_267 = arith.shrsi %add3A_265, %shift_right_arithmetic3A_266 : i32
      %and3A_268 = arith.constant 1 : i32
      %and3A_269 = arith.andi %add3A_265, %and3A_268 : i32
      %mul3A_270 = arith.constant 64 : i32
      %mul3A_271 = arith.muli %and3A_269, %mul3A_270 : i32
      %dma_wait3A_272 = tpu.memref_slice %arg8[%shift_right_arithmetic3A_267, %mul3A_271] : memref<40x128xi32, #tpu.memory_space<vmem>> -> memref<1x64xi32, #tpu.memory_space<vmem>>
      %dma_wait3A_273 = tpu.memref_squeeze %dma_wait3A_272 : memref<1x64xi32, #tpu.memory_space<vmem>> -> memref<64xi32, #tpu.memory_space<vmem>>
      %dma_wait3A_274 = arith.constant 0 : i32
      %dma_wait3A_275 = arith.constant 0 : i32
      %dma_wait3A_276 = tpu.memref_slice %arg3[%dma_wait3A_274, %dma_wait3A_275] : memref<10112x128xf32, #tpu.memory_space<hbm>> -> memref<10112x128xf32, #tpu.memory_space<hbm>>
      tpu.wait_indirect_dma semaphore(%arg19 : memref<!tpu.dma_semaphore, #tpu.memory_space<semaphore_mem>>) src(%dma_wait3A_276 : memref<10112x128xf32, #tpu.memory_space<hbm>>) dst(%arg14 : memref<64x128xf32, #tpu.memory_space<vmem>>)
      %add3A_277 = arith.constant 0 : i32
      %add3A_278 = arith.addi %mul3A_271, %add3A_277 : i32
      %get3A_279 = arith.index_cast %shift_right_arithmetic3A_267 : i32 to index
      %get3A_280 = arith.index_cast %add3A_278 : i32 to index
      %get3A_281 = tpu.vector_load %arg9[%get3A_279, %get3A_280] {strides = array<i32>} : memref<40x128xi32, #tpu.memory_space<vmem>>, vector<1x16xi32>,
      %get3A_282 = vector.shape_cast %get3A_281 : vector<1x16xi32> to vector<16xi32>
      %swap3A_283 = arith.constant 0 : index
      %swap3A_284 = tpu.vector_load %arg10[%swap3A_283] {strides = array<i32>} : memref<64xi32, #tpu.memory_space<vmem>>, vector<16xi32>,
      %swap3A_285 = vector.shape_cast %swap3A_284 : vector<16xi32> to vector<16xi32>
      %swap3A_286 = vector.shape_cast %get3A_282 : vector<16xi32> to vector<16xi32>
      tpu.vector_store %arg10[%swap3A_283], %swap3A_286 {strides = array<i32>} : memref<64xi32, #tpu.memory_space<vmem>>, vector<16xi32>,
      %add3A_287 = arith.constant 16 : i32
      %add3A_288 = arith.addi %mul3A_271, %add3A_287 : i32
      %get3A_289 = arith.index_cast %shift_right_arithmetic3A_267 : i32 to index
      %get3A_290 = arith.index_cast %add3A_288 : i32 to index
      %get3A_291 = tpu.vector_load %arg9[%get3A_289, %get3A_290] {strides = array<i32>} : memref<40x128xi32, #tpu.memory_space<vmem>>, vector<1x16xi32>,
      %get3A_292 = vector.shape_cast %get3A_291 : vector<1x16xi32> to vector<16xi32>
      %swap3A_293 = arith.constant 16 : index
      %swap3A_294 = tpu.vector_load %arg10[%swap3A_293] {strides = array<i32>} : memref<64xi32, #tpu.memory_space<vmem>>, vector<16xi32>,
      %swap3A_295 = vector.shape_cast %swap3A_294 : vector<16xi32> to vector<16xi32>
      %swap3A_296 = vector.shape_cast %get3A_292 : vector<16xi32> to vector<16xi32>
      tpu.vector_store %arg10[%swap3A_293], %swap3A_296 {strides = array<i32>} : memref<64xi32, #tpu.memory_space<vmem>>, vector<16xi32>,
      %add3A_297 = arith.constant 32 : i32
      %add3A_298 = arith.addi %mul3A_271, %add3A_297 : i32
      %get3A_299 = arith.index_cast %shift_right_arithmetic3A_267 : i32 to index
      %get3A_300 = arith.index_cast %add3A_298 : i32 to index
      %get3A_301 = tpu.vector_load %arg9[%get3A_299, %get3A_300] {strides = array<i32>} : memref<40x128xi32, #tpu.memory_space<vmem>>, vector<1x16xi32>,
      %get3A_302 = vector.shape_cast %get3A_301 : vector<1x16xi32> to vector<16xi32>
      %swap3A_303 = arith.constant 32 : index
      %swap3A_304 = tpu.vector_load %arg10[%swap3A_303] {strides = array<i32>} : memref<64xi32, #tpu.memory_space<vmem>>, vector<16xi32>,
      %swap3A_305 = vector.shape_cast %swap3A_304 : vector<16xi32> to vector<16xi32>
      %swap3A_306 = vector.shape_cast %get3A_302 : vector<16xi32> to vector<16xi32>
      tpu.vector_store %arg10[%swap3A_303], %swap3A_306 {strides = array<i32>} : memref<64xi32, #tpu.memory_space<vmem>>, vector<16xi32>,
      %add3A_307 = arith.constant 48 : i32
      %add3A_308 = arith.addi %mul3A_271, %add3A_307 : i32
      %get3A_309 = arith.index_cast %shift_right_arithmetic3A_267 : i32 to index
      %get3A_310 = arith.index_cast %add3A_308 : i32 to index
      %get3A_311 = tpu.vector_load %arg9[%get3A_309, %get3A_310] {strides = array<i32>} : memref<40x128xi32, #tpu.memory_space<vmem>>, vector<1x16xi32>,
      %get3A_312 = vector.shape_cast %get3A_311 : vector<1x16xi32> to vector<16xi32>
      %swap3A_313 = arith.constant 48 : index
      %swap3A_314 = tpu.vector_load %arg10[%swap3A_313] {strides = array<i32>} : memref<64xi32, #tpu.memory_space<vmem>>, vector<16xi32>,
      %swap3A_315 = vector.shape_cast %swap3A_314 : vector<16xi32> to vector<16xi32>
      %swap3A_316 = vector.shape_cast %get3A_312 : vector<16xi32> to vector<16xi32>
      tpu.vector_store %arg10[%swap3A_313], %swap3A_316 {strides = array<i32>} : memref<64xi32, #tpu.memory_space<vmem>>, vector<16xi32>,
      "tpu.region"() ({
        %run_scoped3A_324 = tpu.sem_alloc : memref<!tpu.dma_semaphore, #tpu.memory_space<semaphore_mem>>
        %dma_start3A_325 = arith.constant 0 : i32
        %dma_start3A_326 = arith.constant 0 : i32
        %dma_start3A_327 = tpu.memref_slice %arg15[%dma_start3A_325, %dma_start3A_326] : memref<10112x128xf32, #tpu.memory_space<vmem_shared>> -> memref<10112x128xf32, #tpu.memory_space<vmem_shared>>
        tpu.enqueue_indirect_dma source(%arg14 : memref<64x128xf32, #tpu.memory_space<vmem>>) target(%dma_start3A_327 : memref<10112x128xf32, #tpu.memory_space<vmem_shared>>) offsets(%arg10 : memref<64xi32, #tpu.memory_space<vmem>>) semaphore(%run_scoped3A_324 : memref<!tpu.dma_semaphore, #tpu.memory_space<semaphore_mem>>) {add = true}
        %dma_wait3A_328 = arith.constant 0 : i32
        %dma_wait3A_329 = arith.constant 0 : i32
        %dma_wait3A_330 = tpu.memref_slice %arg15[%dma_wait3A_328, %dma_wait3A_329] : memref<10112x128xf32, #tpu.memory_space<vmem_shared>> -> memref<10112x128xf32, #tpu.memory_space<vmem_shared>>
        tpu.wait_indirect_dma semaphore(%run_scoped3A_324 : memref<!tpu.dma_semaphore, #tpu.memory_space<semaphore_mem>>) src(%arg14 : memref<64x128xf32, #tpu.memory_space<vmem>>) dst(%dma_wait3A_330 : memref<10112x128xf32, #tpu.memory_space<vmem_shared>>)
        tpu.yield
      }) : () -> ()
      %add3A_317 = arith.constant 4 : i32
      %add3A_318 = arith.addi %add3A_265, %add3A_317 : i32
      %lt3A_319 = arith.constant 80 : i32
      %lt3A_320 = arith.cmpi slt, %add3A_318, %lt3A_319 : i32
      %convert_element_type3A_321 = arith.extui %lt3A_320 : i1 to i32
      %cond3A_322 = arith.constant 0 : i32
      %cond3A_323 = arith.cmpi ne, %convert_element_type3A_321, %cond3A_322 : i32
      scf.if %cond3A_323 {
        %add3A_324 = arith.constant 4 : i32
        %add3A_325 = arith.addi %add3A_265, %add3A_324 : i32
        %shift_right_arithmetic3A_326 = arith.constant 1 : i32
        %shift_right_arithmetic3A_327 = arith.shrsi %add3A_325, %shift_right_arithmetic3A_326 : i32
        %and3A_328 = arith.constant 1 : i32
        %and3A_329 = arith.andi %add3A_325, %and3A_328 : i32
        %mul3A_330 = arith.constant 64 : i32
        %mul3A_331 = arith.muli %and3A_329, %mul3A_330 : i32
        %dma_start3A_332 = tpu.memref_slice %arg8[%shift_right_arithmetic3A_327, %mul3A_331] : memref<40x128xi32, #tpu.memory_space<vmem>> -> memref<1x64xi32, #tpu.memory_space<vmem>>
        %dma_start3A_333 = tpu.memref_squeeze %dma_start3A_332 : memref<1x64xi32, #tpu.memory_space<vmem>> -> memref<64xi32, #tpu.memory_space<vmem>>
        %dma_start3A_334 = arith.constant 0 : i32
        %dma_start3A_335 = arith.constant 0 : i32
        %dma_start3A_336 = tpu.memref_slice %arg3[%dma_start3A_334, %dma_start3A_335] : memref<10112x128xf32, #tpu.memory_space<hbm>> -> memref<10112x128xf32, #tpu.memory_space<hbm>>
        tpu.enqueue_indirect_dma source(%dma_start3A_336 : memref<10112x128xf32, #tpu.memory_space<hbm>>) target(%arg14 : memref<64x128xf32, #tpu.memory_space<vmem>>) offsets(%dma_start3A_333 : memref<64xi32, #tpu.memory_space<vmem>>) semaphore(%arg19 : memref<!tpu.dma_semaphore, #tpu.memory_space<semaphore_mem>>)
      } else {
      }
    }
    %scan3A_81 = arith.constant 20 : i32
    %barrier3A_82 = arith.constant 0 : index
    tpu.barrier barrier_id(%barrier3A_82)
    %mul3A_83 = arith.constant 632 : i32
    %mul3A_84 = arith.muli %arg1, %mul3A_83 : i32
    %mul3A_85 = arith.constant 632 : i32
    %mul3A_86 = arith.muli %arg1, %mul3A_85 : i32
    "tpu.region"() ({
      %run_scoped3A_87 = tpu.sem_alloc : memref<!tpu.dma_semaphore, #tpu.memory_space<semaphore_mem>>
      %dma_start3A_88 = arith.constant 0 : i32
      %dma_start3A_89 = tpu.memref_slice %arg7[%arg0, %mul3A_86, %dma_start3A_88] : memref<2x10112x128xf32, #tpu.memory_space<hbm>> -> memref<1x632x128xf32, #tpu.memory_space<hbm>>
      %dma_start3A_90 = tpu.memref_squeeze %dma_start3A_89 : memref<1x632x128xf32, #tpu.memory_space<hbm>> -> memref<632x128xf32, #tpu.memory_space<hbm>>
      %dma_start3A_91 = arith.constant 0 : i32
      %dma_start3A_92 = tpu.memref_slice %arg15[%mul3A_84, %dma_start3A_91] : memref<10112x128xf32, #tpu.memory_space<vmem_shared>> -> memref<632x128xf32, #tpu.memory_space<vmem_shared>>
      tpu.enqueue_dma source(%dma_start3A_92 : memref<632x128xf32, #tpu.memory_space<vmem_shared>>) target(%dma_start3A_90 : memref<632x128xf32, #tpu.memory_space<hbm>>) target_semaphore(%run_scoped3A_87 : memref<!tpu.dma_semaphore, #tpu.memory_space<semaphore_mem>>)
      %dma_wait3A = arith.constant 0 : i32
      %dma_wait3A_93 = tpu.memref_slice %arg7[%arg0, %mul3A_86, %dma_wait3A] : memref<2x10112x128xf32, #tpu.memory_space<hbm>> -> memref<1x632x128xf32, #tpu.memory_space<hbm>>
      %dma_wait3A_94 = tpu.memref_squeeze %dma_wait3A_93 : memref<1x632x128xf32, #tpu.memory_space<hbm>> -> memref<632x128xf32, #tpu.memory_space<hbm>>
      %dma_wait3A_95 = arith.constant 0 : i32
      %dma_wait3A_96 = tpu.memref_slice %arg15[%mul3A_84, %dma_wait3A_95] : memref<10112x128xf32, #tpu.memory_space<vmem_shared>> -> memref<632x128xf32, #tpu.memory_space<vmem_shared>>
      tpu.wait_dma2 semaphore(%run_scoped3A_87 : memref<!tpu.dma_semaphore, #tpu.memory_space<semaphore_mem>>) src(%dma_wait3A_96 : memref<632x128xf32, #tpu.memory_space<vmem_shared>>) dst(%dma_wait3A_94 : memref<632x128xf32, #tpu.memory_space<hbm>>)
      tpu.yield
    }) : () -> ()
    return
  }
}

#map = affine_map<(d0, d1) -> (0, 0, 0)>
#map1 = affine_map<(d0, d1) -> (0, 0)>
module attributes {stable_mosaic.version = 14 : i64} {
  func.func @_sc_counts_body(%arg0: i32, %arg1: i32, %arg2: memref<2x1280x128xi32, #tpu.memory_space<hbm>>, %arg3: memref<10112x128xf32, #tpu.memory_space<hbm>>, %arg4: memref<128x128xf32, #tpu.memory_space<hbm>>, %arg5: memref<2x10112x128xf32, #tpu.memory_space<hbm>>, %arg6: memref<40x128xi32, #tpu.memory_space<vmem>>, %arg7: memref<128xi32, #tpu.memory_space<vmem>>, %arg8: memref<128x128xf32, #tpu.memory_space<vmem>>, %arg9: memref<10112x128xf32, #tpu.memory_space<vmem_shared>>) attributes {dimension_semantics = [#tpu.dimension_semantics<core_parallel>, #tpu.dimension_semantics<subcore_parallel>], iteration_bounds = array<i64: 2, 16>, scalar_prefetch = 0 : i64, scratch_operands = 4 : i64, tpu.core_type = #tpu.core_type<sc_vector_subcore>, window_params = [{transform_indices = #map}, {transform_indices = #map1}, {transform_indices = #map1}, {transform_indices = #map}]} {
    %mul3A = arith.constant 2 : i32
    %mul3A_0 = arith.muli %arg1, %mul3A : i32
    %add3A = arith.addi %mul3A_0, %arg0 : i32
    %mul3A_1 = arith.constant 40 : i32
    %mul3A_2 = arith.muli %add3A, %mul3A_1 : i32
    %run_scoped3A = arith.constant 1 : i32
    "tpu.region"() ({
      %run_scoped3A_16 = tpu.sem_alloc : memref<!tpu.dma_semaphore, #tpu.memory_space<semaphore_mem>>
      %dma_start3A = arith.constant 0 : i32
      %dma_start3A_17 = tpu.memref_slice %arg2[%run_scoped3A, %mul3A_2, %dma_start3A] : memref<2x1280x128xi32, #tpu.memory_space<hbm>> -> memref<1x40x128xi32, #tpu.memory_space<hbm>>
      %dma_start3A_18 = tpu.memref_squeeze %dma_start3A_17 : memref<1x40x128xi32, #tpu.memory_space<hbm>> -> memref<40x128xi32, #tpu.memory_space<hbm>>
      %dma_start3A_19 = arith.constant 0 : i32
      %dma_start3A_20 = tpu.memref_slice %arg2[%run_scoped3A, %mul3A_2, %dma_start3A_19] : memref<2x1280x128xi32, #tpu.memory_space<hbm>> -> memref<1x40x128xi32, #tpu.memory_space<hbm>>
      %dma_start3A_21 = tpu.memref_squeeze %dma_start3A_20 : memref<1x40x128xi32, #tpu.memory_space<hbm>> -> memref<40x128xi32, #tpu.memory_space<hbm>>
      tpu.enqueue_dma source(%dma_start3A_21 : memref<40x128xi32, #tpu.memory_space<hbm>>) target(%arg6 : memref<40x128xi32, #tpu.memory_space<vmem>>) target_semaphore(%run_scoped3A_16 : memref<!tpu.dma_semaphore, #tpu.memory_space<semaphore_mem>>)
      %dma_wait3A = arith.constant 0 : i32
      %dma_wait3A_22 = tpu.memref_slice %arg2[%run_scoped3A, %mul3A_2, %dma_wait3A] : memref<2x1280x128xi32, #tpu.memory_space<hbm>> -> memref<1x40x128xi32, #tpu.memory_space<hbm>>
      %dma_wait3A_23 = tpu.memref_squeeze %dma_wait3A_22 : memref<1x40x128xi32, #tpu.memory_space<hbm>> -> memref<40x128xi32, #tpu.memory_space<hbm>>
      %dma_wait3A_24 = arith.constant 0 : i32
      %dma_wait3A_25 = tpu.memref_slice %arg2[%run_scoped3A, %mul3A_2, %dma_wait3A_24] : memref<2x1280x128xi32, #tpu.memory_space<hbm>> -> memref<1x40x128xi32, #tpu.memory_space<hbm>>
      %dma_wait3A_26 = tpu.memref_squeeze %dma_wait3A_25 : memref<1x40x128xi32, #tpu.memory_space<hbm>> -> memref<40x128xi32, #tpu.memory_space<hbm>>
      tpu.wait_dma2 semaphore(%run_scoped3A_16 : memref<!tpu.dma_semaphore, #tpu.memory_space<semaphore_mem>>) src(%dma_wait3A_26 : memref<40x128xi32, #tpu.memory_space<hbm>>) dst(%arg6 : memref<40x128xi32, #tpu.memory_space<vmem>>)
      tpu.yield
    }) : () -> ()
    "tpu.region"() ({
      %run_scoped3A_16 = tpu.sem_alloc : memref<!tpu.dma_semaphore, #tpu.memory_space<semaphore_mem>>
      tpu.enqueue_dma source(%arg4 : memref<128x128xf32, #tpu.memory_space<hbm>>) target(%arg8 : memref<128x128xf32, #tpu.memory_space<vmem>>) target_semaphore(%run_scoped3A_16 : memref<!tpu.dma_semaphore, #tpu.memory_space<semaphore_mem>>)
      tpu.wait_dma2 semaphore(%run_scoped3A_16 : memref<!tpu.dma_semaphore, #tpu.memory_space<semaphore_mem>>) src(%arg4 : memref<128x128xf32, #tpu.memory_space<hbm>>) dst(%arg8 : memref<128x128xf32, #tpu.memory_space<vmem>>)
      tpu.yield
    }) : () -> ()
    %mul3A_3 = arith.constant 632 : i32
    %mul3A_4 = arith.muli %arg1, %mul3A_3 : i32
    %mul3A_5 = arith.constant 632 : i32
    %mul3A_6 = arith.muli %arg1, %mul3A_5 : i32
    "tpu.region"() ({
      %run_scoped3A_16 = tpu.sem_alloc : memref<!tpu.dma_semaphore, #tpu.memory_space<semaphore_mem>>
      %dma_start3A = arith.constant 0 : i32
      %dma_start3A_17 = tpu.memref_slice %arg9[%mul3A_6, %dma_start3A] : memref<10112x128xf32, #tpu.memory_space<vmem_shared>> -> memref<632x128xf32, #tpu.memory_space<vmem_shared>>
      %dma_start3A_18 = arith.constant 0 : i32
      %dma_start3A_19 = tpu.memref_slice %arg3[%mul3A_4, %dma_start3A_18] : memref<10112x128xf32, #tpu.memory_space<hbm>> -> memref<632x128xf32, #tpu.memory_space<hbm>>
      tpu.enqueue_dma source(%dma_start3A_19 : memref<632x128xf32, #tpu.memory_space<hbm>>) target(%dma_start3A_17 : memref<632x128xf32, #tpu.memory_space<vmem_shared>>) target_semaphore(%run_scoped3A_16 : memref<!tpu.dma_semaphore, #tpu.memory_space<semaphore_mem>>)
      %dma_wait3A = arith.constant 0 : i32
      %dma_wait3A_20 = tpu.memref_slice %arg9[%mul3A_6, %dma_wait3A] : memref<10112x128xf32, #tpu.memory_space<vmem_shared>> -> memref<632x128xf32, #tpu.memory_space<vmem_shared>>
      %dma_wait3A_21 = arith.constant 0 : i32
      %dma_wait3A_22 = tpu.memref_slice %arg3[%mul3A_4, %dma_wait3A_21] : memref<10112x128xf32, #tpu.memory_space<hbm>> -> memref<632x128xf32, #tpu.memory_space<hbm>>
      tpu.wait_dma2 semaphore(%run_scoped3A_16 : memref<!tpu.dma_semaphore, #tpu.memory_space<semaphore_mem>>) src(%dma_wait3A_22 : memref<632x128xf32, #tpu.memory_space<hbm>>) dst(%dma_wait3A_20 : memref<632x128xf32, #tpu.memory_space<vmem_shared>>)
      tpu.yield
    }) : () -> ()
    %barrier3A = arith.constant 0 : index
    tpu.barrier barrier_id(%barrier3A)
    %scan3A = arith.constant 0 : i32
    %scan3A_7 = arith.constant 40 : i32
    %scan3A_8 = arith.addi %scan3A, %scan3A_7 : i32
    %scan3A_9 = arith.constant 1 : i32
    scf.for %scan3A_16 = %scan3A to %scan3A_8 step %scan3A_9  : i32 {
      %mul3A_17 = arith.constant 1 : i32
      %mul3A_18 = arith.muli %scan3A_16, %mul3A_17 : i32
      %add3A_19 = arith.constant 0 : i32
      %add3A_20 = arith.addi %add3A_19, %mul3A_18 : i32
      %get3A = arith.index_cast %add3A_20 : i32 to index
      %get3A_21 = arith.constant 0 : index
      %get3A_22 = tpu.vector_load %arg6[%get3A, %get3A_21] {strides = array<i32>} : memref<40x128xi32, #tpu.memory_space<vmem>>, vector<1x16xi32>,
      %get3A_23 = vector.shape_cast %get3A_22 : vector<1x16xi32> to vector<16xi32>
      %swap3A = arith.constant 0 : index
      %swap3A_24 = tpu.vector_load %arg7[%swap3A] {strides = array<i32>} : memref<128xi32, #tpu.memory_space<vmem>>, vector<16xi32>,
      %swap3A_25 = vector.shape_cast %swap3A_24 : vector<16xi32> to vector<16xi32>
      %swap3A_26 = vector.shape_cast %get3A_23 : vector<16xi32> to vector<16xi32>
      tpu.vector_store %arg7[%swap3A], %swap3A_26 {strides = array<i32>} : memref<128xi32, #tpu.memory_space<vmem>>, vector<16xi32>,
      %get3A_27 = arith.index_cast %add3A_20 : i32 to index
      %get3A_28 = arith.constant 16 : index
      %get3A_29 = tpu.vector_load %arg6[%get3A_27, %get3A_28] {strides = array<i32>} : memref<40x128xi32, #tpu.memory_space<vmem>>, vector<1x16xi32>,
      %get3A_30 = vector.shape_cast %get3A_29 : vector<1x16xi32> to vector<16xi32>
      %swap3A_31 = arith.constant 16 : index
      %swap3A_32 = tpu.vector_load %arg7[%swap3A_31] {strides = array<i32>} : memref<128xi32, #tpu.memory_space<vmem>>, vector<16xi32>,
      %swap3A_33 = vector.shape_cast %swap3A_32 : vector<16xi32> to vector<16xi32>
      %swap3A_34 = vector.shape_cast %get3A_30 : vector<16xi32> to vector<16xi32>
      tpu.vector_store %arg7[%swap3A_31], %swap3A_34 {strides = array<i32>} : memref<128xi32, #tpu.memory_space<vmem>>, vector<16xi32>,
      %get3A_35 = arith.index_cast %add3A_20 : i32 to index
      %get3A_36 = arith.constant 32 : index
      %get3A_37 = tpu.vector_load %arg6[%get3A_35, %get3A_36] {strides = array<i32>} : memref<40x128xi32, #tpu.memory_space<vmem>>, vector<1x16xi32>,
      %get3A_38 = vector.shape_cast %get3A_37 : vector<1x16xi32> to vector<16xi32>
      %swap3A_39 = arith.constant 32 : index
      %swap3A_40 = tpu.vector_load %arg7[%swap3A_39] {strides = array<i32>} : memref<128xi32, #tpu.memory_space<vmem>>, vector<16xi32>,
      %swap3A_41 = vector.shape_cast %swap3A_40 : vector<16xi32> to vector<16xi32>
      %swap3A_42 = vector.shape_cast %get3A_38 : vector<16xi32> to vector<16xi32>
      tpu.vector_store %arg7[%swap3A_39], %swap3A_42 {strides = array<i32>} : memref<128xi32, #tpu.memory_space<vmem>>, vector<16xi32>,
      %get3A_43 = arith.index_cast %add3A_20 : i32 to index
      %get3A_44 = arith.constant 48 : index
      %get3A_45 = tpu.vector_load %arg6[%get3A_43, %get3A_44] {strides = array<i32>} : memref<40x128xi32, #tpu.memory_space<vmem>>, vector<1x16xi32>,
      %get3A_46 = vector.shape_cast %get3A_45 : vector<1x16xi32> to vector<16xi32>
      %swap3A_47 = arith.constant 48 : index
      %swap3A_48 = tpu.vector_load %arg7[%swap3A_47] {strides = array<i32>} : memref<128xi32, #tpu.memory_space<vmem>>, vector<16xi32>,
      %swap3A_49 = vector.shape_cast %swap3A_48 : vector<16xi32> to vector<16xi32>
      %swap3A_50 = vector.shape_cast %get3A_46 : vector<16xi32> to vector<16xi32>
      tpu.vector_store %arg7[%swap3A_47], %swap3A_50 {strides = array<i32>} : memref<128xi32, #tpu.memory_space<vmem>>, vector<16xi32>,
      %get3A_51 = arith.index_cast %add3A_20 : i32 to index
      %get3A_52 = arith.constant 64 : index
      %get3A_53 = tpu.vector_load %arg6[%get3A_51, %get3A_52] {strides = array<i32>} : memref<40x128xi32, #tpu.memory_space<vmem>>, vector<1x16xi32>,
      %get3A_54 = vector.shape_cast %get3A_53 : vector<1x16xi32> to vector<16xi32>
      %swap3A_55 = arith.constant 64 : index
      %swap3A_56 = tpu.vector_load %arg7[%swap3A_55] {strides = array<i32>} : memref<128xi32, #tpu.memory_space<vmem>>, vector<16xi32>,
      %swap3A_57 = vector.shape_cast %swap3A_56 : vector<16xi32> to vector<16xi32>
      %swap3A_58 = vector.shape_cast %get3A_54 : vector<16xi32> to vector<16xi32>
      tpu.vector_store %arg7[%swap3A_55], %swap3A_58 {strides = array<i32>} : memref<128xi32, #tpu.memory_space<vmem>>, vector<16xi32>,
      %get3A_59 = arith.index_cast %add3A_20 : i32 to index
      %get3A_60 = arith.constant 80 : index
      %get3A_61 = tpu.vector_load %arg6[%get3A_59, %get3A_60] {strides = array<i32>} : memref<40x128xi32, #tpu.memory_space<vmem>>, vector<1x16xi32>,
      %get3A_62 = vector.shape_cast %get3A_61 : vector<1x16xi32> to vector<16xi32>
      %swap3A_63 = arith.constant 80 : index
      %swap3A_64 = tpu.vector_load %arg7[%swap3A_63] {strides = array<i32>} : memref<128xi32, #tpu.memory_space<vmem>>, vector<16xi32>,
      %swap3A_65 = vector.shape_cast %swap3A_64 : vector<16xi32> to vector<16xi32>
      %swap3A_66 = vector.shape_cast %get3A_62 : vector<16xi32> to vector<16xi32>
      tpu.vector_store %arg7[%swap3A_63], %swap3A_66 {strides = array<i32>} : memref<128xi32, #tpu.memory_space<vmem>>, vector<16xi32>,
      %get3A_67 = arith.index_cast %add3A_20 : i32 to index
      %get3A_68 = arith.constant 96 : index
      %get3A_69 = tpu.vector_load %arg6[%get3A_67, %get3A_68] {strides = array<i32>} : memref<40x128xi32, #tpu.memory_space<vmem>>, vector<1x16xi32>,
      %get3A_70 = vector.shape_cast %get3A_69 : vector<1x16xi32> to vector<16xi32>
      %swap3A_71 = arith.constant 96 : index
      %swap3A_72 = tpu.vector_load %arg7[%swap3A_71] {strides = array<i32>} : memref<128xi32, #tpu.memory_space<vmem>>, vector<16xi32>,
      %swap3A_73 = vector.shape_cast %swap3A_72 : vector<16xi32> to vector<16xi32>
      %swap3A_74 = vector.shape_cast %get3A_70 : vector<16xi32> to vector<16xi32>
      tpu.vector_store %arg7[%swap3A_71], %swap3A_74 {strides = array<i32>} : memref<128xi32, #tpu.memory_space<vmem>>, vector<16xi32>,
      %get3A_75 = arith.index_cast %add3A_20 : i32 to index
      %get3A_76 = arith.constant 112 : index
      %get3A_77 = tpu.vector_load %arg6[%get3A_75, %get3A_76] {strides = array<i32>} : memref<40x128xi32, #tpu.memory_space<vmem>>, vector<1x16xi32>,
      %get3A_78 = vector.shape_cast %get3A_77 : vector<1x16xi32> to vector<16xi32>
      %swap3A_79 = arith.constant 112 : index
      %swap3A_80 = tpu.vector_load %arg7[%swap3A_79] {strides = array<i32>} : memref<128xi32, #tpu.memory_space<vmem>>, vector<16xi32>,
      %swap3A_81 = vector.shape_cast %swap3A_80 : vector<16xi32> to vector<16xi32>
      %swap3A_82 = vector.shape_cast %get3A_78 : vector<16xi32> to vector<16xi32>
      tpu.vector_store %arg7[%swap3A_79], %swap3A_82 {strides = array<i32>} : memref<128xi32, #tpu.memory_space<vmem>>, vector<16xi32>,
      "tpu.region"() ({
        %run_scoped3A_83 = tpu.sem_alloc : memref<!tpu.dma_semaphore, #tpu.memory_space<semaphore_mem>>
        %dma_start3A = arith.constant 0 : i32
        %dma_start3A_84 = arith.constant 0 : i32
        %dma_start3A_85 = tpu.memref_slice %arg9[%dma_start3A, %dma_start3A_84] : memref<10112x128xf32, #tpu.memory_space<vmem_shared>> -> memref<10112x128xf32, #tpu.memory_space<vmem_shared>>
        tpu.enqueue_indirect_dma source(%arg8 : memref<128x128xf32, #tpu.memory_space<vmem>>) target(%dma_start3A_85 : memref<10112x128xf32, #tpu.memory_space<vmem_shared>>) offsets(%arg7 : memref<128xi32, #tpu.memory_space<vmem>>) semaphore(%run_scoped3A_83 : memref<!tpu.dma_semaphore, #tpu.memory_space<semaphore_mem>>) {add = true}
        %dma_wait3A = arith.constant 0 : i32
        %dma_wait3A_86 = arith.constant 0 : i32
        %dma_wait3A_87 = tpu.memref_slice %arg9[%dma_wait3A, %dma_wait3A_86] : memref<10112x128xf32, #tpu.memory_space<vmem_shared>> -> memref<10112x128xf32, #tpu.memory_space<vmem_shared>>
        tpu.wait_indirect_dma semaphore(%run_scoped3A_83 : memref<!tpu.dma_semaphore, #tpu.memory_space<semaphore_mem>>) src(%arg8 : memref<128x128xf32, #tpu.memory_space<vmem>>) dst(%dma_wait3A_87 : memref<10112x128xf32, #tpu.memory_space<vmem_shared>>)
        tpu.yield
      }) : () -> ()
    }
    %scan3A_10 = arith.constant 40 : i32
    %barrier3A_11 = arith.constant 0 : index
    tpu.barrier barrier_id(%barrier3A_11)
    %mul3A_12 = arith.constant 632 : i32
    %mul3A_13 = arith.muli %arg1, %mul3A_12 : i32
    %mul3A_14 = arith.constant 632 : i32
    %mul3A_15 = arith.muli %arg1, %mul3A_14 : i32
    "tpu.region"() ({
      %run_scoped3A_16 = tpu.sem_alloc : memref<!tpu.dma_semaphore, #tpu.memory_space<semaphore_mem>>
      %dma_start3A = arith.constant 0 : i32
      %dma_start3A_17 = tpu.memref_slice %arg5[%arg0, %mul3A_15, %dma_start3A] : memref<2x10112x128xf32, #tpu.memory_space<hbm>> -> memref<1x632x128xf32, #tpu.memory_space<hbm>>
      %dma_start3A_18 = tpu.memref_squeeze %dma_start3A_17 : memref<1x632x128xf32, #tpu.memory_space<hbm>> -> memref<632x128xf32, #tpu.memory_space<hbm>>
      %dma_start3A_19 = arith.constant 0 : i32
      %dma_start3A_20 = tpu.memref_slice %arg9[%mul3A_13, %dma_start3A_19] : memref<10112x128xf32, #tpu.memory_space<vmem_shared>> -> memref<632x128xf32, #tpu.memory_space<vmem_shared>>
      tpu.enqueue_dma source(%dma_start3A_20 : memref<632x128xf32, #tpu.memory_space<vmem_shared>>) target(%dma_start3A_18 : memref<632x128xf32, #tpu.memory_space<hbm>>) target_semaphore(%run_scoped3A_16 : memref<!tpu.dma_semaphore, #tpu.memory_space<semaphore_mem>>)
      %dma_wait3A = arith.constant 0 : i32
      %dma_wait3A_21 = tpu.memref_slice %arg5[%arg0, %mul3A_15, %dma_wait3A] : memref<2x10112x128xf32, #tpu.memory_space<hbm>> -> memref<1x632x128xf32, #tpu.memory_space<hbm>>
      %dma_wait3A_22 = tpu.memref_squeeze %dma_wait3A_21 : memref<1x632x128xf32, #tpu.memory_space<hbm>> -> memref<632x128xf32, #tpu.memory_space<hbm>>
      %dma_wait3A_23 = arith.constant 0 : i32
      %dma_wait3A_24 = tpu.memref_slice %arg9[%mul3A_13, %dma_wait3A_23] : memref<10112x128xf32, #tpu.memory_space<vmem_shared>> -> memref<632x128xf32, #tpu.memory_space<vmem_shared>>
      tpu.wait_dma2 semaphore(%run_scoped3A_16 : memref<!tpu.dma_semaphore, #tpu.memory_space<semaphore_mem>>) src(%dma_wait3A_24 : memref<632x128xf32, #tpu.memory_space<vmem_shared>>) dst(%dma_wait3A_22 : memref<632x128xf32, #tpu.memory_space<hbm>>)
      tpu.yield
    }) : () -> ()
    return
  }
}

module attributes {stable_mosaic.version = 14 : i64} {
  func.func @_norm_split_body(%arg0: i32, %arg1: memref<1000x256xf32, #tpu.memory_space<vmem>>, %arg2: memref<1000x128xf32, #tpu.memory_space<vmem>>, %arg3: memref<1000x128xf32, #tpu.memory_space<vmem>>) attributes {dimension_semantics = [#tpu.dimension_semantics<arbitrary>], iteration_bounds = array<i64: 10>, scalar_prefetch = 0 : i64, scratch_operands = 0 : i64, tpu.core_type = #tpu.core_type<tc>, window_params = [{transform_indices = @transform_0, window_bounds = array<i64: 1000, 256>}, {transform_indices = @transform_1, window_bounds = array<i64: 1000, 128>}, {transform_indices = @transform_2, window_bounds = array<i64: 1000, 128>}]} {
    %get3A = arith.constant 0 : index
    %get3A_0 = arith.constant 0 : index
    %get3A_1 = vector.load %arg1[%get3A, %get3A_0] : memref<1000x256xf32, #tpu.memory_space<vmem>>, vector<1000x256xf32>
    %mul3A = arith.mulf %get3A_1, %get3A_1 : vector<1000x256xf32>
    %reduce_sum3A = arith.constant dense<0.000000e+00> : vector<1000xf32>
    %reduce_sum3A_2 = vector.multi_reduction <add>, %mul3A, %reduce_sum3A [1] : vector<1000x256xf32> to vector<1000xf32>
    %broadcast_in_dim3A = vector.shape_cast %reduce_sum3A_2 : vector<1000xf32> to vector<1000x1xf32>
    %sqrt3A = math.sqrt %broadcast_in_dim3A : vector<1000x1xf32>
    %max3A = arith.constant 9.99999996E-13 : f32
    %max3A_3 = vector.broadcast %max3A : f32 to vector<1000x1xf32>
    %max3A_4 = arith.maximumf %sqrt3A, %max3A_3 : vector<1000x1xf32>
    %div3A = vector.broadcast %max3A_4 : vector<1000x1xf32> to vector<1000x256xf32>
    %div3A_5 = arith.divf %get3A_1, %div3A : vector<1000x256xf32>
    %slice3A = vector.extract_strided_slice %div3A_5 {offsets = [0, 0], sizes = [1000, 128], strides = [1, 1]} : vector<1000x256xf32> to vector<1000x128xf32>
    %swap3A = arith.constant 0 : index
    %swap3A_6 = arith.constant 0 : index
    %swap3A_7 = vector.load %arg2[%swap3A, %swap3A_6] : memref<1000x128xf32, #tpu.memory_space<vmem>>, vector<1000x128xf32>
    tpu.vector_store %arg2[%swap3A, %swap3A_6], %slice3A {strides = array<i32>} : memref<1000x128xf32, #tpu.memory_space<vmem>>, vector<1000x128xf32>,
    %slice3A_8 = vector.extract_strided_slice %div3A_5 {offsets = [0, 128], sizes = [1000, 128], strides = [1, 1]} : vector<1000x256xf32> to vector<1000x128xf32>
    %swap3A_9 = arith.constant 0 : index
    %swap3A_10 = arith.constant 0 : index
    %swap3A_11 = vector.load %arg3[%swap3A_9, %swap3A_10] : memref<1000x128xf32, #tpu.memory_space<vmem>>, vector<1000x128xf32>
    tpu.vector_store %arg3[%swap3A_9, %swap3A_10], %slice3A_8 {strides = array<i32>} : memref<1000x128xf32, #tpu.memory_space<vmem>>, vector<1000x128xf32>,
    return
  }
  func.func @transform_0(%arg0: i32) -> (i32, i32) {
    %c0_i32 = arith.constant 0 : i32
    %c0_i32_0 = arith.constant 0 : i32
    return %arg0, %c0_i32 : i32, i32
  }
  func.func @transform_1(%arg0: i32) -> (i32, i32) {
    %c0_i32 = arith.constant 0 : i32
    %c0_i32_0 = arith.constant 0 : i32
    return %arg0, %c0_i32 : i32, i32
  }
  func.func @transform_2(%arg0: i32) -> (i32, i32) {
    %c0_i32 = arith.constant 0 : i32
    %c0_i32_0 = arith.constant 0 : i32
    return %arg0, %c0_i32 : i32, i32
  }
}

module attributes {stable_mosaic.version = 14 : i64} {
  func.func @_layer_body(%arg0: i32, %arg1: memref<1000x256xf32, #tpu.memory_space<vmem>>, %arg2: memref<1000x128xf32, #tpu.memory_space<vmem>>, %arg3: memref<1000x128xf32, #tpu.memory_space<vmem>>, %arg4: memref<2x1000x128xf32, #tpu.memory_space<vmem>>, %arg5: memref<2x1000x128xf32, #tpu.memory_space<vmem>>, %arg6: memref<2x1000x128xf32, #tpu.memory_space<vmem>>, %arg7: memref<256x256xf32, #tpu.memory_space<vmem>>, %arg8: memref<1x256xf32, #tpu.memory_space<vmem>>, %arg9: memref<256x256xf32, #tpu.memory_space<vmem>>, %arg10: memref<1000x256xf32, #tpu.memory_space<vmem>>, %arg11: memref<1000x128xf32, #tpu.memory_space<vmem>>, %arg12: memref<1000x128xf32, #tpu.memory_space<vmem>>) attributes {dimension_semantics = [#tpu.dimension_semantics<arbitrary>], iteration_bounds = array<i64: 10>, scalar_prefetch = 0 : i64, scratch_operands = 0 : i64, tpu.core_type = #tpu.core_type<tc>, window_params = [{transform_indices = @transform_0, window_bounds = array<i64: 1000, 256>}, {transform_indices = @transform_1, window_bounds = array<i64: 1000, 128>}, {transform_indices = @transform_2, window_bounds = array<i64: 1000, 128>}, {transform_indices = @transform_3, window_bounds = array<i64: 2, 1000, 128>}, {transform_indices = @transform_4, window_bounds = array<i64: 2, 1000, 128>}, {transform_indices = @transform_5, window_bounds = array<i64: 2, 1000, 128>}, {pipeline_mode = #tpu.pipeline_mode<synchronous>, transform_indices = @transform_6, window_bounds = array<i64: 256, 256>}, {pipeline_mode = #tpu.pipeline_mode<synchronous>, transform_indices = @transform_7, window_bounds = array<i64: 1, 256>}, {pipeline_mode = #tpu.pipeline_mode<synchronous>, transform_indices = @transform_8, window_bounds = array<i64: 256, 256>}, {transform_indices = @transform_9, window_bounds = array<i64: 1000, 256>}, {transform_indices = @transform_10, window_bounds = array<i64: 1000, 128>}, {transform_indices = @transform_11, window_bounds = array<i64: 1000, 128>}]} {
    %get3A = arith.constant 0 : index
    %get3A_0 = arith.constant 0 : index
    %get3A_1 = arith.constant 0 : index
    %get3A_2 = vector.load %arg6[%get3A, %get3A_0, %get3A_1] : memref<2x1000x128xf32, #tpu.memory_space<vmem>>, vector<1x1000x1xf32>
    %get3A_3 = vector.shape_cast %get3A_2 : vector<1x1000x1xf32> to vector<1000x1xf32>
    %get3A_4 = arith.constant 1 : index
    %get3A_5 = arith.constant 0 : index
    %get3A_6 = arith.constant 0 : index
    %get3A_7 = vector.load %arg6[%get3A_4, %get3A_5, %get3A_6] : memref<2x1000x128xf32, #tpu.memory_space<vmem>>, vector<1x1000x1xf32>
    %get3A_8 = vector.shape_cast %get3A_7 : vector<1x1000x1xf32> to vector<1000x1xf32>
    %add3A = arith.addf %get3A_3, %get3A_8 : vector<1000x1xf32>
    %max3A = arith.constant 1.000000e+00 : f32
    %max3A_9 = vector.broadcast %max3A : f32 to vector<1000x1xf32>
    %max3A_10 = arith.maximumf %add3A, %max3A_9 : vector<1000x1xf32>
    %div3A = arith.constant 1.000000e+00 : f32
    %div3A_11 = vector.broadcast %div3A : f32 to vector<1000x1xf32>
    %div3A_12 = arith.divf %div3A_11, %max3A_10 : vector<1000x1xf32>
    %get3A_13 = arith.constant 0 : index
    %get3A_14 = arith.constant 0 : index
    %get3A_15 = arith.constant 0 : index
    %get3A_16 = vector.load %arg4[%get3A_13, %get3A_14, %get3A_15] : memref<2x1000x128xf32, #tpu.memory_space<vmem>>, vector<1x1000x128xf32>
    %get3A_17 = vector.shape_cast %get3A_16 : vector<1x1000x128xf32> to vector<1000x128xf32>
    %get3A_18 = arith.constant 1 : index
    %get3A_19 = arith.constant 0 : index
    %get3A_20 = arith.constant 0 : index
    %get3A_21 = vector.load %arg4[%get3A_18, %get3A_19, %get3A_20] : memref<2x1000x128xf32, #tpu.memory_space<vmem>>, vector<1x1000x128xf32>
    %get3A_22 = vector.shape_cast %get3A_21 : vector<1x1000x128xf32> to vector<1000x128xf32>
    %add3A_23 = arith.addf %get3A_17, %get3A_22 : vector<1000x128xf32>
    %get3A_24 = arith.constant 0 : index
    %get3A_25 = arith.constant 0 : index
    %get3A_26 = arith.constant 0 : index
    %get3A_27 = vector.load %arg5[%get3A_24, %get3A_25, %get3A_26] : memref<2x1000x128xf32, #tpu.memory_space<vmem>>, vector<1x1000x128xf32>
    %get3A_28 = vector.shape_cast %get3A_27 : vector<1x1000x128xf32> to vector<1000x128xf32>
    %get3A_29 = arith.constant 1 : index
    %get3A_30 = arith.constant 0 : index
    %get3A_31 = arith.constant 0 : index
    %get3A_32 = vector.load %arg5[%get3A_29, %get3A_30, %get3A_31] : memref<2x1000x128xf32, #tpu.memory_space<vmem>>, vector<1x1000x128xf32>
    %get3A_33 = vector.shape_cast %get3A_32 : vector<1x1000x128xf32> to vector<1000x128xf32>
    %add3A_34 = arith.addf %get3A_28, %get3A_33 : vector<1000x128xf32>
    %concatenate3A = tpu.concatenate %add3A_23, %add3A_34 in 1 : vector<1000x128xf32>, vector<1000x128xf32> -> vector<1000x256xf32>
    %mul3A = vector.broadcast %div3A_12 : vector<1000x1xf32> to vector<1000x256xf32>
    %mul3A_35 = arith.mulf %concatenate3A, %mul3A : vector<1000x256xf32>
    %get3A_36 = arith.constant 0 : index
    %get3A_37 = arith.constant 0 : index
    %get3A_38 = vector.load %arg2[%get3A_36, %get3A_37] : memref<1000x128xf32, #tpu.memory_space<vmem>>, vector<1000x128xf32>
    %get3A_39 = arith.constant 0 : index
    %get3A_40 = arith.constant 0 : index
    %get3A_41 = vector.load %arg3[%get3A_39, %get3A_40] : memref<1000x128xf32, #tpu.memory_space<vmem>>, vector<1000x128xf32>
    %concatenate3A_42 = tpu.concatenate %get3A_38, %get3A_41 in 1 : vector<1000x128xf32>, vector<1000x128xf32> -> vector<1000x256xf32>
    %get3A_43 = arith.constant 0 : index
    %get3A_44 = arith.constant 0 : index
    %get3A_45 = vector.load %arg7[%get3A_43, %get3A_44] : memref<256x256xf32, #tpu.memory_space<vmem>>, vector<256x256xf32>
    %dot_general3A = arith.constant dense<0.000000e+00> : vector<1000x256xf32>
    %dot_general3A_46 = tpu.matmul %mul3A_35, %get3A_45, %dot_general3A {dimension_numbers = #tpu.dot_dimension_numbers<[1], [0], [0], [1], [0, 0, 1, 1], [], []>, precision = #tpu.contract_precision<fp32>, transpose_lhs_hint = false} : vector<1000x256xf32>, vector<256x256xf32>, vector<1000x256xf32> -> vector<1000x256xf32>
    %get3A_47 = arith.constant 0 : index
    %get3A_48 = arith.constant 0 : index
    %get3A_49 = vector.load %arg8[%get3A_47, %get3A_48] : memref<1x256xf32, #tpu.memory_space<vmem>>, vector<1x256xf32>
    %add3A_50 = vector.broadcast %get3A_49 : vector<1x256xf32> to vector<1000x256xf32>
    %add3A_51 = arith.addf %dot_general3A_46, %add3A_50 : vector<1000x256xf32>
    %get3A_52 = arith.constant 0 : index
    %get3A_53 = arith.constant 0 : index
    %get3A_54 = vector.load %arg9[%get3A_52, %get3A_53] : memref<256x256xf32, #tpu.memory_space<vmem>>, vector<256x256xf32>
    %dot_general3A_55 = arith.constant dense<0.000000e+00> : vector<1000x256xf32>
    %dot_general3A_56 = tpu.matmul %concatenate3A_42, %get3A_54, %dot_general3A_55 {dimension_numbers = #tpu.dot_dimension_numbers<[1], [0], [0], [1], [0, 0, 1, 1], [], []>, precision = #tpu.contract_precision<fp32>, transpose_lhs_hint = false} : vector<1000x256xf32>, vector<256x256xf32>, vector<1000x256xf32> -> vector<1000x256xf32>
    %add3A_57 = arith.addf %add3A_51, %dot_general3A_56 : vector<1000x256xf32>
    %logistic3A = arith.negf %add3A_57 : vector<1000x256xf32>
    %logistic3A_58 = math.exp %logistic3A : vector<1000x256xf32>
    %logistic3A_59 = arith.constant 1.000000e+00 : f32
    %logistic3A_60 = vector.broadcast %logistic3A_59 : f32 to vector<1000x256xf32>
    %logistic3A_61 = arith.addf %logistic3A_60, %logistic3A_58 : vector<1000x256xf32>
    %logistic3A_62 = arith.divf %logistic3A_60, %logistic3A_61 : vector<1000x256xf32>
    %mul3A_63 = arith.mulf %add3A_57, %logistic3A_62 : vector<1000x256xf32>
    %get3A_64 = arith.constant 0 : index
    %get3A_65 = arith.constant 0 : index
    %get3A_66 = vector.load %arg1[%get3A_64, %get3A_65] : memref<1000x256xf32, #tpu.memory_space<vmem>>, vector<1000x256xf32>
    %add3A_67 = arith.addf %mul3A_63, %get3A_66 : vector<1000x256xf32>
    %swap3A = arith.constant 0 : index
    %swap3A_68 = arith.constant 0 : index
    %swap3A_69 = vector.load %arg10[%swap3A, %swap3A_68] : memref<1000x256xf32, #tpu.memory_space<vmem>>, vector<1000x256xf32>
    tpu.vector_store %arg10[%swap3A, %swap3A_68], %add3A_67 {strides = array<i32>} : memref<1000x256xf32, #tpu.memory_space<vmem>>, vector<1000x256xf32>,
    %mul3A_70 = arith.mulf %add3A_67, %add3A_67 : vector<1000x256xf32>
    %reduce_sum3A = arith.constant dense<0.000000e+00> : vector<1000xf32>
    %reduce_sum3A_71 = vector.multi_reduction <add>, %mul3A_70, %reduce_sum3A [1] : vector<1000x256xf32> to vector<1000xf32>
    %broadcast_in_dim3A = vector.shape_cast %reduce_sum3A_71 : vector<1000xf32> to vector<1000x1xf32>
    %sqrt3A = math.sqrt %broadcast_in_dim3A : vector<1000x1xf32>
    %max3A_72 = arith.constant 9.99999996E-13 : f32
    %max3A_73 = vector.broadcast %max3A_72 : f32 to vector<1000x1xf32>
    %max3A_74 = arith.maximumf %sqrt3A, %max3A_73 : vector<1000x1xf32>
    %div3A_75 = vector.broadcast %max3A_74 : vector<1000x1xf32> to vector<1000x256xf32>
    %div3A_76 = arith.divf %add3A_67, %div3A_75 : vector<1000x256xf32>
    %slice3A = vector.extract_strided_slice %div3A_76 {offsets = [0, 0], sizes = [1000, 128], strides = [1, 1]} : vector<1000x256xf32> to vector<1000x128xf32>
    %swap3A_77 = arith.constant 0 : index
    %swap3A_78 = arith.constant 0 : index
    %swap3A_79 = vector.load %arg11[%swap3A_77, %swap3A_78] : memref<1000x128xf32, #tpu.memory_space<vmem>>, vector<1000x128xf32>
    tpu.vector_store %arg11[%swap3A_77, %swap3A_78], %slice3A {strides = array<i32>} : memref<1000x128xf32, #tpu.memory_space<vmem>>, vector<1000x128xf32>,
    %slice3A_80 = vector.extract_strided_slice %div3A_76 {offsets = [0, 128], sizes = [1000, 128], strides = [1, 1]} : vector<1000x256xf32> to vector<1000x128xf32>
    %swap3A_81 = arith.constant 0 : index
    %swap3A_82 = arith.constant 0 : index
    %swap3A_83 = vector.load %arg12[%swap3A_81, %swap3A_82] : memref<1000x128xf32, #tpu.memory_space<vmem>>, vector<1000x128xf32>
    tpu.vector_store %arg12[%swap3A_81, %swap3A_82], %slice3A_80 {strides = array<i32>} : memref<1000x128xf32, #tpu.memory_space<vmem>>, vector<1000x128xf32>,
    return
  }
  func.func @transform_0(%arg0: i32) -> (i32, i32) {
    %c0_i32 = arith.constant 0 : i32
    %c0_i32_0 = arith.constant 0 : i32
    return %arg0, %c0_i32 : i32, i32
  }
  func.func @transform_1(%arg0: i32) -> (i32, i32) {
    %c0_i32 = arith.constant 0 : i32
    %c0_i32_0 = arith.constant 0 : i32
    return %arg0, %c0_i32 : i32, i32
  }
  func.func @transform_2(%arg0: i32) -> (i32, i32) {
    %c0_i32 = arith.constant 0 : i32
    %c0_i32_0 = arith.constant 0 : i32
    return %arg0, %c0_i32 : i32, i32
  }
  func.func @transform_3(%arg0: i32) -> (i32, i32, i32) {
    %c0_i32 = arith.constant 0 : i32
    %c0_i32_0 = arith.constant 0 : i32
    %c0_i32_1 = arith.constant 0 : i32
    return %c0_i32, %arg0, %c0_i32_0 : i32, i32, i32
  }
  func.func @transform_4(%arg0: i32) -> (i32, i32, i32) {
    %c0_i32 = arith.constant 0 : i32
    %c0_i32_0 = arith.constant 0 : i32
    %c0_i32_1 = arith.constant 0 : i32
    return %c0_i32, %arg0, %c0_i32_0 : i32, i32, i32
  }
  func.func @transform_5(%arg0: i32) -> (i32, i32, i32) {
    %c0_i32 = arith.constant 0 : i32
    %c0_i32_0 = arith.constant 0 : i32
    %c0_i32_1 = arith.constant 0 : i32
    return %c0_i32, %arg0, %c0_i32_0 : i32, i32, i32
  }
  func.func @transform_6(%arg0: i32) -> (i32, i32) {
    %c0_i32 = arith.constant 0 : i32
    %c0_i32_0 = arith.constant 0 : i32
    %c0_i32_1 = arith.constant 0 : i32
    return %c0_i32, %c0_i32_0 : i32, i32
  }
  func.func @transform_7(%arg0: i32) -> (i32, i32) {
    %c0_i32 = arith.constant 0 : i32
    %c0_i32_0 = arith.constant 0 : i32
    %c0_i32_1 = arith.constant 0 : i32
    return %c0_i32, %c0_i32_0 : i32, i32
  }
  func.func @transform_8(%arg0: i32) -> (i32, i32) {
    %c0_i32 = arith.constant 0 : i32
    %c0_i32_0 = arith.constant 0 : i32
    %c0_i32_1 = arith.constant 0 : i32
    return %c0_i32, %c0_i32_0 : i32, i32
  }
  func.func @transform_9(%arg0: i32) -> (i32, i32) {
    %c0_i32 = arith.constant 0 : i32
    %c0_i32_0 = arith.constant 0 : i32
    return %arg0, %c0_i32 : i32, i32
  }
  func.func @transform_10(%arg0: i32) -> (i32, i32) {
    %c0_i32 = arith.constant 0 : i32
    %c0_i32_0 = arith.constant 0 : i32
    return %arg0, %c0_i32 : i32, i32
  }
  func.func @transform_11(%arg0: i32) -> (i32, i32) {
    %c0_i32 = arith.constant 0 : i32
    %c0_i32_0 = arith.constant 0 : i32
    return %arg0, %c0_i32 : i32, i32
  }
}

module attributes {stable_mosaic.version = 14 : i64} {
  func.func @_final_body(%arg0: i32, %arg1: memref<1000x256xf32, #tpu.memory_space<vmem>>, %arg2: memref<1000x128xf32, #tpu.memory_space<vmem>>, %arg3: memref<1000x128xf32, #tpu.memory_space<vmem>>, %arg4: memref<2x1000x128xf32, #tpu.memory_space<vmem>>, %arg5: memref<2x1000x128xf32, #tpu.memory_space<vmem>>, %arg6: memref<2x1000x128xf32, #tpu.memory_space<vmem>>, %arg7: memref<256x256xf32, #tpu.memory_space<vmem>>, %arg8: memref<1x256xf32, #tpu.memory_space<vmem>>, %arg9: memref<256x256xf32, #tpu.memory_space<vmem>>, %arg10: memref<256x256xf32, #tpu.memory_space<vmem>>, %arg11: memref<1x256xf32, #tpu.memory_space<vmem>>, %arg12: memref<1000x256xf32, #tpu.memory_space<vmem>>) attributes {dimension_semantics = [#tpu.dimension_semantics<arbitrary>], iteration_bounds = array<i64: 10>, scalar_prefetch = 0 : i64, scratch_operands = 0 : i64, tpu.core_type = #tpu.core_type<tc>, window_params = [{transform_indices = @transform_0, window_bounds = array<i64: 1000, 256>}, {transform_indices = @transform_1, window_bounds = array<i64: 1000, 128>}, {transform_indices = @transform_2, window_bounds = array<i64: 1000, 128>}, {transform_indices = @transform_3, window_bounds = array<i64: 2, 1000, 128>}, {transform_indices = @transform_4, window_bounds = array<i64: 2, 1000, 128>}, {transform_indices = @transform_5, window_bounds = array<i64: 2, 1000, 128>}, {pipeline_mode = #tpu.pipeline_mode<synchronous>, transform_indices = @transform_6, window_bounds = array<i64: 256, 256>}, {pipeline_mode = #tpu.pipeline_mode<synchronous>, transform_indices = @transform_7, window_bounds = array<i64: 1, 256>}, {pipeline_mode = #tpu.pipeline_mode<synchronous>, transform_indices = @transform_8, window_bounds = array<i64: 256, 256>}, {pipeline_mode = #tpu.pipeline_mode<synchronous>, transform_indices = @transform_9, window_bounds = array<i64: 256, 256>}, {pipeline_mode = #tpu.pipeline_mode<synchronous>, transform_indices = @transform_10, window_bounds = array<i64: 1, 256>}, {transform_indices = @transform_11, window_bounds = array<i64: 1000, 256>}]} {
    %get3A = arith.constant 0 : index
    %get3A_0 = arith.constant 0 : index
    %get3A_1 = arith.constant 0 : index
    %get3A_2 = vector.load %arg6[%get3A, %get3A_0, %get3A_1] : memref<2x1000x128xf32, #tpu.memory_space<vmem>>, vector<1x1000x1xf32>
    %get3A_3 = vector.shape_cast %get3A_2 : vector<1x1000x1xf32> to vector<1000x1xf32>
    %get3A_4 = arith.constant 1 : index
    %get3A_5 = arith.constant 0 : index
    %get3A_6 = arith.constant 0 : index
    %get3A_7 = vector.load %arg6[%get3A_4, %get3A_5, %get3A_6] : memref<2x1000x128xf32, #tpu.memory_space<vmem>>, vector<1x1000x1xf32>
    %get3A_8 = vector.shape_cast %get3A_7 : vector<1x1000x1xf32> to vector<1000x1xf32>
    %add3A = arith.addf %get3A_3, %get3A_8 : vector<1000x1xf32>
    %max3A = arith.constant 1.000000e+00 : f32
    %max3A_9 = vector.broadcast %max3A : f32 to vector<1000x1xf32>
    %max3A_10 = arith.maximumf %add3A, %max3A_9 : vector<1000x1xf32>
    %div3A = arith.constant 1.000000e+00 : f32
    %div3A_11 = vector.broadcast %div3A : f32 to vector<1000x1xf32>
    %div3A_12 = arith.divf %div3A_11, %max3A_10 : vector<1000x1xf32>
    %get3A_13 = arith.constant 0 : index
    %get3A_14 = arith.constant 0 : index
    %get3A_15 = arith.constant 0 : index
    %get3A_16 = vector.load %arg4[%get3A_13, %get3A_14, %get3A_15] : memref<2x1000x128xf32, #tpu.memory_space<vmem>>, vector<1x1000x128xf32>
    %get3A_17 = vector.shape_cast %get3A_16 : vector<1x1000x128xf32> to vector<1000x128xf32>
    %get3A_18 = arith.constant 1 : index
    %get3A_19 = arith.constant 0 : index
    %get3A_20 = arith.constant 0 : index
    %get3A_21 = vector.load %arg4[%get3A_18, %get3A_19, %get3A_20] : memref<2x1000x128xf32, #tpu.memory_space<vmem>>, vector<1x1000x128xf32>
    %get3A_22 = vector.shape_cast %get3A_21 : vector<1x1000x128xf32> to vector<1000x128xf32>
    %add3A_23 = arith.addf %get3A_17, %get3A_22 : vector<1000x128xf32>
    %get3A_24 = arith.constant 0 : index
    %get3A_25 = arith.constant 0 : index
    %get3A_26 = arith.constant 0 : index
    %get3A_27 = vector.load %arg5[%get3A_24, %get3A_25, %get3A_26] : memref<2x1000x128xf32, #tpu.memory_space<vmem>>, vector<1x1000x128xf32>
    %get3A_28 = vector.shape_cast %get3A_27 : vector<1x1000x128xf32> to vector<1000x128xf32>
    %get3A_29 = arith.constant 1 : index
    %get3A_30 = arith.constant 0 : index
    %get3A_31 = arith.constant 0 : index
    %get3A_32 = vector.load %arg5[%get3A_29, %get3A_30, %get3A_31] : memref<2x1000x128xf32, #tpu.memory_space<vmem>>, vector<1x1000x128xf32>
    %get3A_33 = vector.shape_cast %get3A_32 : vector<1x1000x128xf32> to vector<1000x128xf32>
    %add3A_34 = arith.addf %get3A_28, %get3A_33 : vector<1000x128xf32>
    %concatenate3A = tpu.concatenate %add3A_23, %add3A_34 in 1 : vector<1000x128xf32>, vector<1000x128xf32> -> vector<1000x256xf32>
    %mul3A = vector.broadcast %div3A_12 : vector<1000x1xf32> to vector<1000x256xf32>
    %mul3A_35 = arith.mulf %concatenate3A, %mul3A : vector<1000x256xf32>
    %get3A_36 = arith.constant 0 : index
    %get3A_37 = arith.constant 0 : index
    %get3A_38 = vector.load %arg2[%get3A_36, %get3A_37] : memref<1000x128xf32, #tpu.memory_space<vmem>>, vector<1000x128xf32>
    %get3A_39 = arith.constant 0 : index
    %get3A_40 = arith.constant 0 : index
    %get3A_41 = vector.load %arg3[%get3A_39, %get3A_40] : memref<1000x128xf32, #tpu.memory_space<vmem>>, vector<1000x128xf32>
    %concatenate3A_42 = tpu.concatenate %get3A_38, %get3A_41 in 1 : vector<1000x128xf32>, vector<1000x128xf32> -> vector<1000x256xf32>
    %get3A_43 = arith.constant 0 : index
    %get3A_44 = arith.constant 0 : index
    %get3A_45 = vector.load %arg7[%get3A_43, %get3A_44] : memref<256x256xf32, #tpu.memory_space<vmem>>, vector<256x256xf32>
    %dot_general3A = arith.constant dense<0.000000e+00> : vector<1000x256xf32>
    %dot_general3A_46 = tpu.matmul %mul3A_35, %get3A_45, %dot_general3A {dimension_numbers = #tpu.dot_dimension_numbers<[1], [0], [0], [1], [0, 0, 1, 1], [], []>, precision = #tpu.contract_precision<fp32>, transpose_lhs_hint = false} : vector<1000x256xf32>, vector<256x256xf32>, vector<1000x256xf32> -> vector<1000x256xf32>
    %get3A_47 = arith.constant 0 : index
    %get3A_48 = arith.constant 0 : index
    %get3A_49 = vector.load %arg8[%get3A_47, %get3A_48] : memref<1x256xf32, #tpu.memory_space<vmem>>, vector<1x256xf32>
    %add3A_50 = vector.broadcast %get3A_49 : vector<1x256xf32> to vector<1000x256xf32>
    %add3A_51 = arith.addf %dot_general3A_46, %add3A_50 : vector<1000x256xf32>
    %get3A_52 = arith.constant 0 : index
    %get3A_53 = arith.constant 0 : index
    %get3A_54 = vector.load %arg9[%get3A_52, %get3A_53] : memref<256x256xf32, #tpu.memory_space<vmem>>, vector<256x256xf32>
    %dot_general3A_55 = arith.constant dense<0.000000e+00> : vector<1000x256xf32>
    %dot_general3A_56 = tpu.matmul %concatenate3A_42, %get3A_54, %dot_general3A_55 {dimension_numbers = #tpu.dot_dimension_numbers<[1], [0], [0], [1], [0, 0, 1, 1], [], []>, precision = #tpu.contract_precision<fp32>, transpose_lhs_hint = false} : vector<1000x256xf32>, vector<256x256xf32>, vector<1000x256xf32> -> vector<1000x256xf32>
    %add3A_57 = arith.addf %add3A_51, %dot_general3A_56 : vector<1000x256xf32>
    %logistic3A = arith.negf %add3A_57 : vector<1000x256xf32>
    %logistic3A_58 = math.exp %logistic3A : vector<1000x256xf32>
    %logistic3A_59 = arith.constant 1.000000e+00 : f32
    %logistic3A_60 = vector.broadcast %logistic3A_59 : f32 to vector<1000x256xf32>
    %logistic3A_61 = arith.addf %logistic3A_60, %logistic3A_58 : vector<1000x256xf32>
    %logistic3A_62 = arith.divf %logistic3A_60, %logistic3A_61 : vector<1000x256xf32>
    %mul3A_63 = arith.mulf %add3A_57, %logistic3A_62 : vector<1000x256xf32>
    %get3A_64 = arith.constant 0 : index
    %get3A_65 = arith.constant 0 : index
    %get3A_66 = vector.load %arg1[%get3A_64, %get3A_65] : memref<1000x256xf32, #tpu.memory_space<vmem>>, vector<1000x256xf32>
    %add3A_67 = arith.addf %mul3A_63, %get3A_66 : vector<1000x256xf32>
    %mul3A_68 = arith.mulf %add3A_67, %add3A_67 : vector<1000x256xf32>
    %reduce_sum3A = arith.constant dense<0.000000e+00> : vector<1000xf32>
    %reduce_sum3A_69 = vector.multi_reduction <add>, %mul3A_68, %reduce_sum3A [1] : vector<1000x256xf32> to vector<1000xf32>
    %broadcast_in_dim3A = vector.shape_cast %reduce_sum3A_69 : vector<1000xf32> to vector<1000x1xf32>
    %sqrt3A = math.sqrt %broadcast_in_dim3A : vector<1000x1xf32>
    %max3A_70 = arith.constant 9.99999996E-13 : f32
    %max3A_71 = vector.broadcast %max3A_70 : f32 to vector<1000x1xf32>
    %max3A_72 = arith.maximumf %sqrt3A, %max3A_71 : vector<1000x1xf32>
    %div3A_73 = vector.broadcast %max3A_72 : vector<1000x1xf32> to vector<1000x256xf32>
    %div3A_74 = arith.divf %add3A_67, %div3A_73 : vector<1000x256xf32>
    %get3A_75 = arith.constant 0 : index
    %get3A_76 = arith.constant 0 : index
    %get3A_77 = vector.load %arg10[%get3A_75, %get3A_76] : memref<256x256xf32, #tpu.memory_space<vmem>>, vector<256x256xf32>
    %dot_general3A_78 = arith.constant dense<0.000000e+00> : vector<1000x256xf32>
    %dot_general3A_79 = tpu.matmul %div3A_74, %get3A_77, %dot_general3A_78 {dimension_numbers = #tpu.dot_dimension_numbers<[1], [0], [0], [1], [0, 0, 1, 1], [], []>, precision = #tpu.contract_precision<fp32>, transpose_lhs_hint = false} : vector<1000x256xf32>, vector<256x256xf32>, vector<1000x256xf32> -> vector<1000x256xf32>
    %get3A_80 = arith.constant 0 : index
    %get3A_81 = arith.constant 0 : index
    %get3A_82 = vector.load %arg11[%get3A_80, %get3A_81] : memref<1x256xf32, #tpu.memory_space<vmem>>, vector<1x256xf32>
    %add3A_83 = vector.broadcast %get3A_82 : vector<1x256xf32> to vector<1000x256xf32>
    %add3A_84 = arith.addf %dot_general3A_79, %add3A_83 : vector<1000x256xf32>
    %logistic3A_85 = arith.negf %add3A_84 : vector<1000x256xf32>
    %logistic3A_86 = math.exp %logistic3A_85 : vector<1000x256xf32>
    %logistic3A_87 = arith.constant 1.000000e+00 : f32
    %logistic3A_88 = vector.broadcast %logistic3A_87 : f32 to vector<1000x256xf32>
    %logistic3A_89 = arith.addf %logistic3A_88, %logistic3A_86 : vector<1000x256xf32>
    %logistic3A_90 = arith.divf %logistic3A_88, %logistic3A_89 : vector<1000x256xf32>
    %mul3A_91 = arith.mulf %add3A_84, %logistic3A_90 : vector<1000x256xf32>
    %add3A_92 = arith.addf %mul3A_91, %add3A_67 : vector<1000x256xf32>
    %mul3A_93 = arith.mulf %add3A_92, %add3A_92 : vector<1000x256xf32>
    %reduce_sum3A_94 = arith.constant dense<0.000000e+00> : vector<1000xf32>
    %reduce_sum3A_95 = vector.multi_reduction <add>, %mul3A_93, %reduce_sum3A_94 [1] : vector<1000x256xf32> to vector<1000xf32>
    %broadcast_in_dim3A_96 = vector.shape_cast %reduce_sum3A_95 : vector<1000xf32> to vector<1000x1xf32>
    %sqrt3A_97 = math.sqrt %broadcast_in_dim3A_96 : vector<1000x1xf32>
    %max3A_98 = arith.constant 9.99999996E-13 : f32
    %max3A_99 = vector.broadcast %max3A_98 : f32 to vector<1000x1xf32>
    %max3A_100 = arith.maximumf %sqrt3A_97, %max3A_99 : vector<1000x1xf32>
    %div3A_101 = vector.broadcast %max3A_100 : vector<1000x1xf32> to vector<1000x256xf32>
    %div3A_102 = arith.divf %add3A_92, %div3A_101 : vector<1000x256xf32>
    %swap3A = arith.constant 0 : index
    %swap3A_103 = arith.constant 0 : index
    %swap3A_104 = vector.load %arg12[%swap3A, %swap3A_103] : memref<1000x256xf32, #tpu.memory_space<vmem>>, vector<1000x256xf32>
    tpu.vector_store %arg12[%swap3A, %swap3A_103], %div3A_102 {strides = array<i32>} : memref<1000x256xf32, #tpu.memory_space<vmem>>, vector<1000x256xf32>,
    return
  }
  func.func @transform_0(%arg0: i32) -> (i32, i32) {
    %c0_i32 = arith.constant 0 : i32
    %c0_i32_0 = arith.constant 0 : i32
    return %arg0, %c0_i32 : i32, i32
  }
  func.func @transform_1(%arg0: i32) -> (i32, i32) {
    %c0_i32 = arith.constant 0 : i32
    %c0_i32_0 = arith.constant 0 : i32
    return %arg0, %c0_i32 : i32, i32
  }
  func.func @transform_2(%arg0: i32) -> (i32, i32) {
    %c0_i32 = arith.constant 0 : i32
    %c0_i32_0 = arith.constant 0 : i32
    return %arg0, %c0_i32 : i32, i32
  }
  func.func @transform_3(%arg0: i32) -> (i32, i32, i32) {
    %c0_i32 = arith.constant 0 : i32
    %c0_i32_0 = arith.constant 0 : i32
    %c0_i32_1 = arith.constant 0 : i32
    return %c0_i32, %arg0, %c0_i32_0 : i32, i32, i32
  }
  func.func @transform_4(%arg0: i32) -> (i32, i32, i32) {
    %c0_i32 = arith.constant 0 : i32
    %c0_i32_0 = arith.constant 0 : i32
    %c0_i32_1 = arith.constant 0 : i32
    return %c0_i32, %arg0, %c0_i32_0 : i32, i32, i32
  }
  func.func @transform_5(%arg0: i32) -> (i32, i32, i32) {
    %c0_i32 = arith.constant 0 : i32
    %c0_i32_0 = arith.constant 0 : i32
    %c0_i32_1 = arith.constant 0 : i32
    return %c0_i32, %arg0, %c0_i32_0 : i32, i32, i32
  }
  func.func @transform_6(%arg0: i32) -> (i32, i32) {
    %c0_i32 = arith.constant 0 : i32
    %c0_i32_0 = arith.constant 0 : i32
    %c0_i32_1 = arith.constant 0 : i32
    return %c0_i32, %c0_i32_0 : i32, i32
  }
  func.func @transform_7(%arg0: i32) -> (i32, i32) {
    %c0_i32 = arith.constant 0 : i32
    %c0_i32_0 = arith.constant 0 : i32
    %c0_i32_1 = arith.constant 0 : i32
    return %c0_i32, %c0_i32_0 : i32, i32
  }
  func.func @transform_8(%arg0: i32) -> (i32, i32) {
    %c0_i32 = arith.constant 0 : i32
    %c0_i32_0 = arith.constant 0 : i32
    %c0_i32_1 = arith.constant 0 : i32
    return %c0_i32, %c0_i32_0 : i32, i32
  }
  func.func @transform_9(%arg0: i32) -> (i32, i32) {
    %c0_i32 = arith.constant 0 : i32
    %c0_i32_0 = arith.constant 0 : i32
    %c0_i32_1 = arith.constant 0 : i32
    return %c0_i32, %c0_i32_0 : i32, i32
  }
  func.func @transform_10(%arg0: i32) -> (i32, i32) {
    %c0_i32 = arith.constant 0 : i32
    %c0_i32_0 = arith.constant 0 : i32
    %c0_i32_1 = arith.constant 0 : i32
    return %c0_i32, %c0_i32_0 : i32, i32
  }
  func.func @transform_11(%arg0: i32) -> (i32, i32) {
    %c0_i32 = arith.constant 0 : i32
    %c0_i32_0 = arith.constant 0 : i32
    return %arg0, %c0_i32 : i32, i32
  }
}

</mosaic_0001>

<sc_bundles>
// kernel: kernel.11.cloned.1.call-start
scs
__scs_entry_jumppad:
0x0: {  	(pc) =	sbr.rel $0x88, $3  }
0x1: {  	(tag) =	ssettag $0x0;
	lr =	simm.s32 $0x1  }
0x2: {  	[smem:$0x3F97] =	sst lr;
	_ =	strace $0xD0000000  }
0x3: {  	_ = 	snop  }
0x4: {  	_ = 	snop  }
0x5: {  	_ = 	snop  }
0x6: {  	_ = 	snop  }
0x7: {  	_ = 	snop  }
__scs_overlays_trampoline_lowered:
0x8: {  	[smem:$0x3FA6] =	sst s0  }
0x9: {  	[smem:$0x3FA7] =	sst s1  }
0xa: {  	[smem:$0x3FA8] =	sst s2  }
0xb: {  	[smem:$0x3FA9] =	sst s3  }
0xc: {  	[smem:$0x3FAA] =	sst s4  }
0xd: {  	[smem:$0x3FAB] =	sst s5  }
0xe: {  	[smem:$0x3FAC] =	sst s6  }
0xf: {  	[smem:$0x3FAD] =	sst s7  }
0x10: {  	[smem:$0x3FAE] =	sst s8  }
0x11: {  	[smem:$0x3FAF] =	sst s9;
	s0 =	simm.s32 @!p0 $0x0  }
0x12: {  	s1 =	sld [smem:$0x3F95];
	s0 =	simm.s32 @p0 $0x1  }
0x13: {  	[smem:$0x3FB0] =	sst s0;
	s0 =	simm.s32 @!p1 $0x0  }
0x14: {  	s2 =	sld [smem:$0x3F94];
	s0 =	simm.s32 @p1 $0x1  }
0x15: {  	[smem:$0x3FB1] =	sst s0;
	s0 =	simm.s32 @!p2 $0x0  }
0x16: {  	s3 =	sld [smem:$0x3FDB];
	s0 =	simm.s32 @p2 $0x1  }
0x17: {  	s4 =	simm.s32 $0x1BF5;
	[smem:$0x3FB3] =	sst s0  }
0x18: {  	s0 =	sld [smem:$0x3F96];
	_ =	swait.ge [sflag:s4], $0x0  }
0x19: {  	s7 =	sld [smem:$0x3F97]  }
0x1a: {  	s8 =	sadd.s32 $0xFFFFE003, lr  }
0x1b: {  	s9 =	sadd.s32 $0xFFFFFEF7, lr;
	s5 =	simm.s32 $0xFFFFFFFF;
	p2 =	slt.u32 s8, $0xFFFFF086  }
0x1c: {  	p1 =	slt.u32 s9, $0xF7A;
	s5 =	simm.s32 @!p2 $0x0  }
0x1d: {  	s5 =	simm.s32 @p1 $0x1;
	p0 =	seq.s32 s7, s2  }
0x1e: {  	s7 =	smul.u32 @!p0 $0xF7A, s2;
	p2 =	seq.s32 @!p0 s5, $0x0  }
0x1f: {  	s9 =	smul.u32 $0xF7A, s1;
	s8 =	simm.s32 @!p0 $0x1BF5;
	p2 =	por !p2, p0  }
0x20: {  	[sflag:s8] =	ssyncset.s32 @!p0 $0xFFFFF086;
	s6 =	sadd.s32 @!p0 s3, s7;
	s7 =	simm.s32 @!p0 $0x108  }
0x21: {  	s3 =	sadd.s32 s3, s9;
	s6 =	sadd.s32 @!p0 $0x88, s6;
	s7 =	simm.s32 @p2 $0x1082  }
0x22: {  	[simem:s7], [sflag:s8] =	dma.local @!p0 [hbm:s6], $0xF7A  }
0x23: {  	s9 =	sor.u32 $0xD0000000, s2;
	s6 =	simm.s32 $0x108;
	_ =	swait.ge @!p0 [sflag:s8], $0x0  }
0x24: {  	s3 =	sadd.s32 $0x88, s3;
	s6 =	simm.s32 @!p1 $0x1082;
	[sflag:s4] =	ssyncset.s32 $0xFFFFF086  }
0x25: {  	[simem:s6], [sflag:s4] =	dma.local [hbm:s3], $0xF7A  }
0x26: {  	[smem:$0x3F97] =	sst s1;
	(tag) =	ssettag s2;
	_ =	strace s9  }
0x27: {  	s1 =	sld [smem:$0x3FA7]  }
0x28: {  	s2 =	sld [smem:$0x3FA8]  }
0x29: {  	s4 =	sld [smem:$0x3FAA]  }
0x2a: {  	p0 =	seq.s32 s5, $0x0;
	s5 =	sld [smem:$0x3FAB]  }
0x2b: {  	s6 =	sld [smem:$0x3FAC]  }
0x2c: {  	s7 =	sld [smem:$0x3FAD]  }
0x2d: {  	s3 =	simm.s32 $0x108;
	s8 =	sld [smem:$0x3FAE]  }
0x2e: {  	s3 =	simm.s32 @!p0 $0x1082;
	s9 =	sld [smem:$0x3FAF]  }
0x2f: {  	lr =	sadd.s32 s0, s3;
	s0 =	sld [smem:$0x3FA6]  }
0x30: {  	s3 =	sld [smem:$0x3FA9]  }
0x31: {  	[smem:$0x3FB2] =	sst s10  }
0x32: {  	s10 =	sld [smem:$0x3FB0];
	_ =	sdelay $0x3  }
0x33: {  	p0 =	seq.s32 s10, $0x1;
	s10 =	sld [smem:$0x3FB2];
	_ =	sdelay $0x3  }
0x34: {  	[smem:$0x3FB2] =	sst s10  }
0x35: {  	s10 =	sld [smem:$0x3FB1];
	_ =	sdelay $0x3  }
0x36: {  	p1 =	seq.s32 s10, $0x1;
	s10 =	sld [smem:$0x3FB2];
	_ =	sdelay $0x3  }
0x37: {  	[smem:$0x3FB2] =	sst s10  }
0x38: {  	s10 =	sld [smem:$0x3FB3]  }
0x39: {  	_ = 	snop;
	(pc) =	sbr.ind lr, $3  }
0x3a: {  	_ = 	snop  }
0x3b: {  	_ = 	snop  }
0x3c: {  	p2 =	seq.s32 s10, $0x1;
	s10 =	sld [smem:$0x3FB2]  }
0x3d: {  	_ =	shalt  }
0x3e: {  	_ =	shalt  }
0x3f: {  	_ =	shalt  }
0x40: {  	_ =	shalt  }
0x41: {  	_ =	shalt  }
0x42: {  	_ =	shalt  }
0x43: {  	_ =	shalt  }
0x44: {  	_ =	shalt  }
0x45: {  	_ =	shalt  }
0x46: {  	_ =	shalt  }
0x47: {  	_ =	shalt  }
0x48: {  	_ =	shalt  }
0x49: {  	_ =	shalt  }
0x4a: {  	_ =	shalt  }
0x4b: {  	_ =	shalt  }
0x4c: {  	_ =	shalt  }
0x4d: {  	_ =	shalt  }
0x4e: {  	_ =	shalt  }
0x4f: {  	_ =	shalt  }
0x50: {  	_ =	shalt  }
0x51: {  	_ =	shalt  }
0x52: {  	_ =	shalt  }
0x53: {  	_ =	shalt  }
0x54: {  	_ =	shalt  }
0x55: {  	_ =	shalt  }
0x56: {  	_ =	shalt  }
0x57: {  	_ =	shalt  }
0x58: {  	_ =	shalt  }
0x59: {  	_ =	shalt  }
0x5a: {  	_ =	shalt  }
0x5b: {  	_ =	shalt  }
0x5c: {  	_ =	shalt  }
0x5d: {  	_ =	shalt  }
0x5e: {  	_ =	shalt  }
0x5f: {  	_ =	shalt  }
0x60: {  	_ =	shalt  }
0x61: {  	_ =	shalt  }
0x62: {  	_ =	shalt  }
0x63: {  	_ =	shalt  }
0x64: {  	_ =	shalt  }
0x65: {  	_ =	shalt  }
0x66: {  	_ =	shalt  }
0x67: {  	_ =	shalt  }
0x68: {  	_ =	shalt  }
0x69: {  	_ =	shalt  }
0x6a: {  	_ =	shalt  }
0x6b: {  	_ =	shalt  }
0x6c: {  	_ =	shalt  }
0x6d: {  	_ =	shalt  }
0x6e: {  	_ =	shalt  }
0x6f: {  	_ =	shalt  }
0x70: {  	_ =	shalt  }
0x71: {  	_ =	shalt  }
0x72: {  	_ =	shalt  }
0x73: {  	_ =	shalt  }
0x74: {  	_ =	shalt  }
0x75: {  	_ =	shalt  }
0x76: {  	_ =	shalt  }
0x77: {  	_ =	shalt  }
0x78: {  	_ =	shalt  }
0x79: {  	_ =	shalt  }
0x7a: {  	_ =	shalt  }
0x7b: {  	_ =	shalt  }
0x7c: {  	_ =	shalt  }
0x7d: {  	_ =	shalt  }
0x7e: {  	_ =	shalt  }
0x7f: {  	_ =	shalt  }
0x80: {  	_ =	shalt  }
0x81: {  	_ =	shalt  }
0x82: {  	_ =	shalt  }
0x83: {  	_ =	shalt  }
0x84: {  	_ =	shalt  }
0x85: {  	_ =	shalt  }
0x86: {  	_ =	shalt  }
0x87: {  	_ =	shalt  }
.Lfunc_end0:
.L_simem_size_0:
called_computation.1_lowered:
.L_overlay_start_0:
0x88: {  	s2 =	sld [smem:$0x3FD9]  }
0x89: {  	s3 =	sld [smem:$0x3FFE];
	_ =	sdelay $0x1  }
0x8a: {  	s1 =	srdreg.scid  }
0x8b: {  	s0 =	sand.u32 $0x1, s1  }
0x8c: {  	s17 =	sshll.u32 s0, $0xA;
	s2 =	sadd.s32 s3, s2  }
0x8d: {  	s2 =	sadd.s32 s2, s17  }
0x8e: {  	[smem:$0x3FBE] =	sst s2  }
0x8f: {  	_ = 	snop  }
0x90: {  	s18 =	sld [smem:$0x3FD0];
	(tm) =	ssettm $0x1  }
0x91: {  	s19 =	sld [smem:$0x3FFB];
	_ =	sdelay $0x3  }
0x92: {  	_ =	strace s19  }
0x93: {  	s2 =	sld [smem:$0x3FFC];
	_ =	sdelay $0x3  }
0x94: {  	_ =	strace s2  }
0x95: {  	s2 =	sld [smem:$0x3FFD];
	_ =	sdelay $0x3  }
0x96: {  	_ =	strace s2  }
0x97: {  	_ =	strace $0x8FFFFFFF  }
0x98: {  	s20 =	sld [smem:$0x3FDB];
	_ =	sdelay $0x1  }
0x99: {  	s4 =	simm.s32 $_scs_section_size  }
0x9a: {  	s5 =	simm.s32 $_size__tile_overlayer_lowered;
	s6 =	simm.s32 $_tile_overlayer_lowered  }
0x9b: {  	s7 =	simm.s32 $0x1BFF;
	s21 =	sshll.u32 s6, $0x1;
	s4 =	sadd.s32 s4, s20  }
0x9c: {  	s22 =	simm.s32 $0x0;
	s5 =	sshll.u32 s5, $0x1;
	s6 =	sadd.s32 s21, s4  }
0x9d: {  	[timem:s22], [sflag:s7] =	dma.local [hbm:s6], s5  }
0x9e: {  	_ =	swait.ge [sflag:s7], s5  }
0x9f: {  	s5 =	ssub.s32 $0x0, s5;
	[sflag:s7] =	ssyncset.done $0x0  }
0xa0: {  	[sflag:s7] =	ssyncadd.s32 s5;
	_ =	sdelay $0x1  }
0xa1: {  	s23 =	simm.s32 $0x1B8B  }
0xa2: {  	_ =	swait.ge [sflag:s23], $0x1  }
0xa3: {  	[sflag:s23] =	ssyncset.done $0x0  }
0xa4: {  	[sflag:s23] =	ssyncadd.s32 $0xFFFFFFFF  }
0xa5: {  	s5 =	sld [smem:$0x0]  }
0xa6: {  	s6 =	sand.u32 $0xFFFFFFFE, s1  }
0xa7: {  	p0 =	sne.s32 s1, s6  }
0xa8: {  	s6 =	sshll.u32 @p0 s6, $0xE  }
0xa9: {  	s6 =	sadd.s32 @p0 $0x11B8D, s6;
	s7 =	sshll.u32 @p0 s5, $0x11  }
0xaa: {  	s6 =	sor.u32 @p0 s7, s6  }
0xab: {  	[sflag:s6] =	ssyncadd.remote.s32 @p0 $0x1;
	_ =	sdelay $0x1  }
0xac: {  	s6 =	simm.s32 @p0 $0x1B8D  }
0xad: {  	_ =	swait.eq @p0 [sflag:s6], $0x1  }
0xae: {  	[sflag:s6] =	ssyncadd.s32 @p0 $0xFFFFFFFF  }
0xaf: {  	s7 =	sshll.u32 @!p0 s1, $0xE  }
0xb0: {  	s7 =	sor.u32 @!p0 $0x4000, s7;
	s6 =	simm.s32 @!p0 $0x1B8D  }
0xb1: {  	s5 =	sshll.u32 @!p0 s5, $0x11;
	s7 =	sadd.s32 @!p0 $0x11B8D, s7;
	_ =	swait.eq @!p0 [sflag:s6], $0x1  }
0xb2: {  	s5 =	sor.u32 @!p0 s5, s7;
	[sflag:s6] =	ssyncadd.s32 @!p0 $0xFFFFFFFF  }
0xb3: {  	s25 =	simm.s32 $0x1B8E;
	s24 =	sld [smem:$0x3FFE];
	[sflag:s5] =	ssyncadd.remote.s32 @!p0 $0x1  }
0xb4: {  	s26 =	simm.s32 $execute0_lowered;
	[smem:$0x3FD2] =	sst s25  }
0xb5: {  	s6 =	sshll.u32 s26, $0x1;
	_ =	strace $0x80000049;
	[dreg:$0x1] =	wrdreg $0xFFFFFFFF  }
0xb6: {  	s28 =	simm.s32 $_size_execute0_lowered;
	s4 =	sadd.s32 s4, s6;
	[dreg:$0x0] =	wrdreg $0x0  }
0xb7: {  	s6 =	sshll.u32 s28, $0x1;
	[dreg:$0x2] =	wrdreg s4  }
0xb8: {  	[dreg:$0x3] =	wrdreg s6  }
0xb9: {  	[dreg:$0x4] =	wrdreg $0xC0  }
0xba: {  	_ =	task [dreg:s22], $0x5FFFF  }
0xbb: {  	[dreg:$0x1] =	wrdreg $0xFFFFFFFF  }
0xbc: {  	[dreg:$0x0] =	wrdreg $0x60  }
0xbd: {  	[dreg:$0x2] =	wrdreg s18  }
0xbe: {  	[dreg:$0x3] =	wrdreg s24  }
0xbf: {  	[dreg:$0x4] =	wrdreg $0xA8800  }
0xc0: {  	[dreg:$0x5] =	wrdreg $0xA  }
0xc1: {  	_ =	task.clear_ibuf [dreg:s22], $0x6FFFF;
	_ =	strace $0x90000049  }
0xc2: {  	s29 =	simm.s32 $0xA;
	_ =	strace $0x8000004B  }
0xc3: {  	_ =	swait.ge [sflag:s29], $0x1  }
0xc4: {  	[sflag:s29] =	ssyncadd.s32 $0xFFFFFFFF  }
0xc5: {  	_ =	strace $0x9000004B  }
0xc6: {  	_ =	sfence  }
0xc7: {  	s30 =	sld [smem:$0x0];
	_ =	sdelay $0x2  }
0xc8: {  	s31 =	sshll.u32 s1, $0xD;
	s1 =	sshrl.u32 s1, $0x2  }
0xc9: {  	s4 =	sand.u32 $0x4000, s31;
	s1 =	sadd.s32 s1, s30  }
0xca: {  	s0 =	sor.u32 s4, s0;
	s1 =	sshll.u32 s1, $0x11  }
0xcb: {  	s0 =	sor.u32 s1, s0  }
0xcc: {  	s0 =	sadd.s32 $0x8F2B, s0  }
0xcd: {  	[sflag:s0] =	ssyncadd.remote.s32 $0x1  }
0xce: {  	_ =	sfence.sel $0xFFFF  }
0xcf: {  	[dreg:$0x0] =	wrdreg $0xFFFFFFFF;
	(pc) =	sbr.abs _section_cstart, $3  }
0xd0: {  	[dreg:$0x1] =	wrdreg $0xFFFFFFFF  }
0xd1: {  	_ =	task.clear_ibuf [dreg:s22], $0x2FFFF;
	_ =	strace $0x9FFFFFFF  }
0xd2: {  	(tm) =	ssettm $0x7FFFFFFF  }
0xd3: {  	_ =	shalt  }
tec
execute0_lowered:
.L_overlay_start_1:
0x0: {  	(tag) =	ssettag $0x1  }
0x1: {  	s1 =	rddreg [dreg:$0x0]  }
0x2: {  	s2 =	srdreg.scid;
	s7 =	rddreg [dreg:$0x1]  }
0x3: {  	s0 =	stileid.u32;
	s3 =	rddreg [dreg:$0x2]  }
0x4: {  	s4 =	simm.s32 $0x0;
	s16 =	simm.s32 $0x40;
	s17 =	simm.s32 $0x2880  }
0x5: {  	s18 =	simm.s32 $0x4880;
	s19 =	simm.s32 $0x80;
	s20 =	simm.s32 $0x6880  }
0x6: {  	s21 =	simm.s32 $0xC0;
	s22 =	simm.s32 $0x8880;
	s23 =	simm.s32 $0x1  }
0x7: {  	s28 =	simm.s32 $0x4;
	s29 =	simm.s32 $0x0;
	s6 =	sand.u32 $0x1, s2  }
0x8: {  	s24 =	sshll.u32 s0, $0x1;
	s9 =	smul.u32 $0x13C00, s0;
	[smem:$0x7FF] =	sst s4  }
0x9: {  	s5 =	sadd.s32 $0x86000, s7;
	s25 =	smul.u32 $0x4F000, s0;
	s14 =	sshll.u32 s0, $0x6  }
0xa: {  	s2 =	sor.u32 s6, s24;
	s10 =	smul.u32 $0x13C000, s6;
	_ =	strace $0x8000004A  }
0xb: {  	s6 =	ssub.s32 $0x2, s6;
	s14 =	sor.u32 $0x1C05, s14;
	s24 =	simm.s32 $0x2800  }
0xc: {  	s8 =	smul.u32 $0x1400, s2;
	s11 =	sshrl.u32 s9, $0x3;
	s26 =	sshrl.u32 s6, $0x1  }
0xd: {  	s31 =	sshrl.u32 s25, $0x2;
	s25 =	simm.s32 $0x2;
	s9 =	sadd.s32 s9, s10  }
0xe: {  	s11 =	sadd.s32 s11, s7;
	s13 =	ssub.s32 s6, s26;
	s15 =	sadd.s32 s31, s3  }
.Ltmp0:
0xf: {  	s26 =	simm.s32 $0x3;
	s8 =	sshrl.u32 s8, $0x3;
	(pc) =	sbr.rel .LBB2_1-.Ltmp0, $4  }
0x10: {  	s9 =	sshrl.u32 s9, $0x3;
	s15 =	sshrl.u32 s15, $0x3;
	s8 =	sadd.s32 s8, s7  }
0x11: {  	s12 =	sadd.s32 s9, s7;
	s30 =	sadd.s32 $0x5000, s8;
	s7 =	sadd.s32 $0xA000, s8  }
0x12: {  	s8 =	sadd.s32 $0xF800, s11;
	s9 =	sadd.s32 $0xAD800, s12;
	s10 =	sadd.s32 $0xFC800, s12  }
0x13: {  	s11 =	smax.u32 s13, $0x1;
	s12 =	simm.s32 $0x5;
	[dreg:$0x4] =	wrdreg s30  }
.LBB2_7:
0x14: {  	s29 =	sadd.s32 $0x1, s29  }
0x15: {  	p0 =	sne.s32 s29, s11  }
.Ltmp1:
0x16: {  	[bflag:$0x0] =	sbarrier.arrive $0xFFFF;
	(pc) =	sbr.rel @!p0 .LBB2_8-.Ltmp1, $4  }
0x17: {  	[hbm:s10], [sflag:s14] =	dma.local [spmem:s15], $0x2780  }
0x18: {  	_ =	swait.ge [sflag:s12], $0x2780  }
0x19: {  	[sflag:s12] =	ssyncset.done $0x0  }
0x1a: {  	[sflag:s12] =	ssyncadd.s32 $0xFFFFD880  }
.LBB2_1:
0x1b: {  	s0 =	rddreg [dreg:$0x4]  }
0x1c: {  	[tilespmem:s4], [sflag:$0x5] =	stream.linear.gather [hbm4b:s0+s4], $0x1400, $0x38;
	[tilespmem:$0x1E480] =	vst v63  }
0x1d: {  	_ =	swait.ge [sflag:s12], $0x1400  }
0x1e: {  	[sflag:s12] =	ssyncset.done $0x0  }
0x1f: {  	s31 =	simm.s32 $0x1400;
	[sflag:s12] =	ssyncadd.s32 $0xFFFFEC00  }
0x20: {  	[tilespmem:s31], [sflag:$0x5] =	stream.linear.gather [hbm4b:s7+s4], $0x1400, $0x38;
	[tilespmem:$0x1E480] =	vst v63  }
0x21: {  	_ =	swait.ge [sflag:s12], $0x1400  }
0x22: {  	[sflag:s12] =	ssyncset.done $0x0  }
0x23: {  	[sflag:s12] =	ssyncadd.s32 $0xFFFFEC00  }
0x24: {  	[spmem:s15], [sflag:s14] =	dma.local [hbm:s8], $0x2780  }
0x25: {  	_ =	swait.ge [sflag:s12], $0x2780  }
0x26: {  	[sflag:s12] =	ssyncset.done $0x0  }
0x27: {  	[sflag:s12] =	ssyncadd.s32 $0xFFFFD880  }
0x28: {  	[bflag:$0x0] =	sbarrier.arrive $0xFFFF  }
0x29: {  	[tilespmem:s17], [sflag:$0x1] =	stream.indirect.gather [hbm4b:s1+s16], $0x80, s4, s16, $0xb8;
	[tilespmem:$0x1E480] =	vst v63  }
0x2a: {  	_ = 	snop  }
0x2b: {  	[tilespmem:s18], [sflag:$0x2] =	stream.indirect.gather [hbm4b:s1+s16], $0x80, s16, s16, $0xb8;
	[tilespmem:$0x1E480] =	vst v63  }
0x2c: {  	_ = 	snop  }
0x2d: {  	[tilespmem:s20], [sflag:$0x3] =	stream.indirect.gather [hbm4b:s1+s16], $0x80, s19, s16, $0xb8;
	[tilespmem:$0x1E480] =	vst v63  }
0x2e: {  	s30 =	simm.s32 $0x0  }
0x2f: {  	[tilespmem:s22], [sflag:$0x4] =	stream.indirect.gather [hbm4b:s1+s16], $0x80, s21, s16, $0xb8;
	[tilespmem:$0x1E480] =	vst v63  }
.LBB2_2:
0x30: {  	_ =	swait.ge [sflag:s23], $0x2000  }
0x31: {  	[sflag:s23] =	ssyncset.done $0x0  }
0x32: {  	s31 =	sshra.s32 s30, $0x2;
	[sflag:s23] =	ssyncadd.s32 $0xFFFFE000  }
0x33: {  	v0 =	vld [tilespmem:s31+$0x1400];
	_ =	sdelay $0x4  }
0x34: {  	[tilespmem:$0x2800] =	vst v0  }
0x35: {  	v0 =	vld [tilespmem:s31+$0x1410];
	_ =	sdelay $0x4  }
0x36: {  	[tilespmem:$0x2810] =	vst v0  }
0x37: {  	v0 =	vld [tilespmem:s31+$0x1420];
	_ =	sdelay $0x4  }
0x38: {  	[tilespmem:$0x2820] =	vst v0  }
0x39: {  	v0 =	vld [tilespmem:s31+$0x1430];
	_ =	sdelay $0x4  }
0x3a: {  	[tilespmem:$0x2830] =	vst v0  }
0x3b: {  	[spmem:s3] =	stream.indirect.scatter.add.f32 [tilespmem:s17], [sflag:$0x5], $0x80, s24, s16, $0xb8;
	[tilespmem:$0x1E480] =	vst v63  }
0x3c: {  	p0 =	seq.s32 s30, $0x4C00;
	_ =	swait.ge [sflag:s12], $0x2000  }
0x3d: {  	s2 =	sshra.s32 @!p0 s30, $0x2;
	s13 =	simm.s32 @!p0 $0x40;
	[sflag:s12] =	ssyncset.done $0x0  }
0x3e: {  	s6 =	simm.s32 @!p0 $0x2880;
	s0 =	sadd.s32 @!p0 $0x100, s2;
	[sflag:s12] =	ssyncadd.s32 $0xFFFFE000  }
0x3f: {  	[tilespmem:s6], [sflag:$0x1] =	stream.indirect.gather @!p0 [hbm4b:s1+s13], $0x80, s0, s13, $0xb8;
	[tilespmem:$0x1E480] =	vst v63  }
0x40: {  	_ =	swait.ge [sflag:s25], $0x2000  }
0x41: {  	[sflag:s25] =	ssyncset.done $0x0  }
0x42: {  	[sflag:s25] =	ssyncadd.s32 $0xFFFFE000  }
0x43: {  	v61 =	vld [tilespmem:s31+$0x1440];
	_ =	sdelay $0x4  }
0x44: {  	[tilespmem:$0x2800] =	vst v61  }
0x45: {  	v0 =	vld [tilespmem:s31+$0x1450];
	_ =	sdelay $0x4  }
0x46: {  	[tilespmem:$0x2810] =	vst v0  }
0x47: {  	v0 =	vld [tilespmem:s31+$0x1460];
	_ =	sdelay $0x4  }
0x48: {  	[tilespmem:$0x2820] =	vst v0  }
0x49: {  	v0 =	vld [tilespmem:s31+$0x1470];
	_ =	sdelay $0x4  }
0x4a: {  	[tilespmem:$0x2830] =	vst v0  }
0x4b: {  	[spmem:s3] =	stream.indirect.scatter.add.f32 [tilespmem:s18], [sflag:$0x5], $0x80, s24, s16, $0xb8;
	[tilespmem:$0x1E480] =	vst v63  }
0x4c: {  	_ =	swait.ge [sflag:s12], $0x2000  }
0x4d: {  	[sflag:s12] =	ssyncset.done $0x0  }
0x4e: {  	s0 =	sadd.s32 @!p0 $0x140, s2;
	s6 =	simm.s32 @!p0 $0x4880;
	[sflag:s12] =	ssyncadd.s32 $0xFFFFE000  }
0x4f: {  	[tilespmem:s6], [sflag:$0x2] =	stream.indirect.gather @!p0 [hbm4b:s1+s13], $0x80, s0, s13, $0xb8;
	[tilespmem:$0x1E480] =	vst v63  }
0x50: {  	_ =	swait.ge [sflag:s26], $0x2000  }
0x51: {  	[sflag:s26] =	ssyncset.done $0x0  }
0x52: {  	[sflag:s26] =	ssyncadd.s32 $0xFFFFE000  }
0x53: {  	v62 =	vld [tilespmem:s31+$0x1480];
	_ =	sdelay $0x4  }
0x54: {  	[tilespmem:$0x2800] =	vst v62  }
0x55: {  	v0 =	vld [tilespmem:s31+$0x1490];
	_ =	sdelay $0x4  }
0x56: {  	[tilespmem:$0x2810] =	vst v0  }
0x57: {  	v0 =	vld [tilespmem:s31+$0x14A0];
	_ =	sdelay $0x4  }
0x58: {  	[tilespmem:$0x2820] =	vst v0  }
0x59: {  	v0 =	vld [tilespmem:s31+$0x14B0];
	_ =	sdelay $0x4  }
0x5a: {  	[tilespmem:$0x2830] =	vst v0  }
0x5b: {  	[spmem:s3] =	stream.indirect.scatter.add.f32 [tilespmem:s20], [sflag:$0x5], $0x80, s24, s16, $0xb8;
	[tilespmem:$0x1E480] =	vst v63  }
0x5c: {  	_ =	swait.ge [sflag:s12], $0x2000  }
0x5d: {  	[sflag:s12] =	ssyncset.done $0x0  }
0x5e: {  	s0 =	sadd.s32 @!p0 $0x180, s2;
	s2 =	simm.s32 @!p0 $0x6880;
	[sflag:s12] =	ssyncadd.s32 $0xFFFFE000  }
0x5f: {  	[tilespmem:s2], [sflag:$0x3] =	stream.indirect.gather @!p0 [hbm4b:s1+s13], $0x80, s0, s13, $0xb8;
	[tilespmem:$0x1E480] =	vst v63  }
0x60: {  	_ =	swait.ge [sflag:s28], $0x2000  }
0x61: {  	[sflag:s28] =	ssyncset.done $0x0  }
0x62: {  	[sflag:s28] =	ssyncadd.s32 $0xFFFFE000  }
0x63: {  	v63 =	vld [tilespmem:s31+$0x14C0];
	_ =	sdelay $0x4  }
0x64: {  	[tilespmem:$0x2800] =	vst v63  }
0x65: {  	v0 =	vld [tilespmem:s31+$0x14D0];
	_ =	sdelay $0x4  }
0x66: {  	[tilespmem:$0x2810] =	vst v0  }
0x67: {  	v0 =	vld [tilespmem:s31+$0x14E0];
	_ =	sdelay $0x4  }
0x68: {  	[tilespmem:$0x2820] =	vst v0  }
0x69: {  	v0 =	vld [tilespmem:s31+$0x14F0];
	_ =	sdelay $0x4  }
.Ltmp2:
0x6a: {  	[tilespmem:$0x2830] =	vst v0;
	(pc) =	sbr.rel @p0 .LBB2_4-.Ltmp2, $4  }
0x6b: {  	[spmem:s3] =	stream.indirect.scatter.add.f32 [tilespmem:s22], [sflag:$0x5], $0x80, s24, s16, $0xb8;
	[tilespmem:$0x1E480] =	vst v63  }
0x6c: {  	_ =	swait.ge [sflag:s12], $0x2000  }
0x6d: {  	[sflag:s12] =	ssyncset.done $0x0  }
0x6e: {  	[sflag:s12] =	ssyncadd.s32 $0xFFFFE000  }
.Ltmp3:
0x6f: {  	(pc) =	sbr.rel .LBB2_2-.Ltmp3, $3  }
0x70: {  	_ =	sdelay $0x1  }
0x71: {  	s0 =	sadd.s32 $0x1C0, s31;
	s30 =	sadd.s32 $0x400, s30  }
0x72: {  	[tilespmem:s22], [sflag:$0x4] =	stream.indirect.gather [hbm4b:s1+s16], $0x80, s0, s16, $0xb8;
	[tilespmem:$0x1E480] =	vst v63  }
.LBB2_4:
0x73: {  	[bflag:$0x0] =	sbarrier.arrive $0xFFFF  }
0x74: {  	[hbm:s9], [sflag:s14] =	dma.local [spmem:s15], $0x2780  }
0x75: {  	_ =	swait.ge [sflag:s12], $0x2780  }
0x76: {  	[sflag:s12] =	ssyncset.done $0x0  }
0x77: {  	[sflag:s12] =	ssyncadd.s32 $0xFFFFD880  }
0x78: {  	[spmem:s15], [sflag:s14] =	dma.local [hbm:s8], $0x2780  }
0x79: {  	_ =	swait.ge [sflag:s12], $0x2780  }
0x7a: {  	[sflag:s12] =	ssyncset.done $0x0  }
0x7b: {  	[sflag:s12] =	ssyncadd.s32 $0xFFFFD880  }
0x7c: {  	s30 =	simm.s32 $0x0;
	[bflag:$0x0] =	sbarrier.arrive $0xFFFF  }
0x7d: {  	[tilespmem:s17], [sflag:$0x1] =	stream.indirect.gather [hbm4b:s5+s16], $0x80, s30, s16, $0xb8;
	[tilespmem:$0x1E480] =	vst v63  }
0x7e: {  	_ = 	snop  }
0x7f: {  	[tilespmem:s18], [sflag:$0x2] =	stream.indirect.gather [hbm4b:s5+s16], $0x80, s16, s16, $0xb8;
	[tilespmem:$0x1E480] =	vst v63  }
0x80: {  	_ = 	snop  }
0x81: {  	[tilespmem:s20], [sflag:$0x3] =	stream.indirect.gather [hbm4b:s5+s16], $0x80, s19, s16, $0xb8;
	[tilespmem:$0x1E480] =	vst v63  }
0x82: {  	_ = 	snop  }
0x83: {  	[tilespmem:s22], [sflag:$0x4] =	stream.indirect.gather [hbm4b:s5+s16], $0x80, s21, s16, $0xb8;
	[tilespmem:$0x1E480] =	vst v63  }
.LBB2_5:
0x84: {  	_ =	swait.ge [sflag:s23], $0x2000  }
0x85: {  	[sflag:s23] =	ssyncset.done $0x0  }
0x86: {  	s31 =	sshra.s32 s30, $0x2;
	[sflag:s23] =	ssyncadd.s32 $0xFFFFE000  }
0x87: {  	v0 =	vld [tilespmem:s31+$0x1400];
	_ =	sdelay $0x4  }
0x88: {  	[tilespmem:$0x2800] =	vst v0  }
0x89: {  	v0 =	vld [tilespmem:s31+$0x1410];
	_ =	sdelay $0x4  }
0x8a: {  	[tilespmem:$0x2810] =	vst v0  }
0x8b: {  	v0 =	vld [tilespmem:s31+$0x1420];
	_ =	sdelay $0x4  }
0x8c: {  	[tilespmem:$0x2820] =	vst v0  }
0x8d: {  	v0 =	vld [tilespmem:s31+$0x1430];
	_ =	sdelay $0x4  }
0x8e: {  	[tilespmem:$0x2830] =	vst v0  }
0x8f: {  	[spmem:s3] =	stream.indirect.scatter.add.f32 [tilespmem:s17], [sflag:$0x5], $0x80, s24, s16, $0xb8;
	[tilespmem:$0x1E480] =	vst v63  }
0x90: {  	p0 =	seq.s32 s30, $0x4C00;
	_ =	swait.ge [sflag:s12], $0x2000  }
0x91: {  	s0 =	sshra.s32 @!p0 s30, $0x2;
	s6 =	simm.s32 @!p0 $0x40;
	[sflag:s12] =	ssyncset.done $0x0  }
0x92: {  	s13 =	simm.s32 @!p0 $0x2880;
	s2 =	sadd.s32 @!p0 $0x100, s0;
	[sflag:s12] =	ssyncadd.s32 $0xFFFFE000  }
0x93: {  	[tilespmem:s13], [sflag:$0x1] =	stream.indirect.gather @!p0 [hbm4b:s5+s6], $0x80, s2, s6, $0xb8;
	[tilespmem:$0x1E480] =	vst v63  }
0x94: {  	_ =	swait.ge [sflag:s25], $0x2000  }
0x95: {  	[sflag:s25] =	ssyncset.done $0x0  }
0x96: {  	[sflag:s25] =	ssyncadd.s32 $0xFFFFE000  }
0x97: {  	v61 =	vld [tilespmem:s31+$0x1440];
	_ =	sdelay $0x4  }
0x98: {  	[tilespmem:$0x2800] =	vst v61  }
0x99: {  	v0 =	vld [tilespmem:s31+$0x1450];
	_ =	sdelay $0x4  }
0x9a: {  	[tilespmem:$0x2810] =	vst v0  }
0x9b: {  	v0 =	vld [tilespmem:s31+$0x1460];
	_ =	sdelay $0x4  }
0x9c: {  	[tilespmem:$0x2820] =	vst v0  }
0x9d: {  	v0 =	vld [tilespmem:s31+$0x1470];
	_ =	sdelay $0x4  }
0x9e: {  	[tilespmem:$0x2830] =	vst v0  }
0x9f: {  	[spmem:s3] =	stream.indirect.scatter.add.f32 [tilespmem:s18], [sflag:$0x5], $0x80, s24, s16, $0xb8;
	[tilespmem:$0x1E480] =	vst v63  }
0xa0: {  	_ =	swait.ge [sflag:s12], $0x2000  }
0xa1: {  	[sflag:s12] =	ssyncset.done $0x0  }
0xa2: {  	s2 =	sadd.s32 @!p0 $0x140, s0;
	s13 =	simm.s32 @!p0 $0x4880;
	[sflag:s12] =	ssyncadd.s32 $0xFFFFE000  }
0xa3: {  	[tilespmem:s13], [sflag:$0x2] =	stream.indirect.gather @!p0 [hbm4b:s5+s6], $0x80, s2, s6, $0xb8;
	[tilespmem:$0x1E480] =	vst v63  }
0xa4: {  	_ =	swait.ge [sflag:s26], $0x2000  }
0xa5: {  	[sflag:s26] =	ssyncset.done $0x0  }
0xa6: {  	[sflag:s26] =	ssyncadd.s32 $0xFFFFE000  }
0xa7: {  	v62 =	vld [tilespmem:s31+$0x1480];
	_ =	sdelay $0x4  }
0xa8: {  	[tilespmem:$0x2800] =	vst v62  }
0xa9: {  	v0 =	vld [tilespmem:s31+$0x1490];
	_ =	sdelay $0x4  }
0xaa: {  	[tilespmem:$0x2810] =	vst v0  }
0xab: {  	v0 =	vld [tilespmem:s31+$0x14A0];
	_ =	sdelay $0x4  }
0xac: {  	[tilespmem:$0x2820] =	vst v0  }
0xad: {  	v0 =	vld [tilespmem:s31+$0x14B0];
	_ =	sdelay $0x4  }
0xae: {  	[tilespmem:$0x2830] =	vst v0  }
0xaf: {  	[spmem:s3] =	stream.indirect.scatter.add.f32 [tilespmem:s20], [sflag:$0x5], $0x80, s24, s16, $0xb8;
	[tilespmem:$0x1E480] =	vst v63  }
0xb0: {  	_ =	swait.ge [sflag:s12], $0x2000  }
0xb1: {  	[sflag:s12] =	ssyncset.done $0x0  }
0xb2: {  	s0 =	sadd.s32 @!p0 $0x180, s0;
	s2 =	simm.s32 @!p0 $0x6880;
	[sflag:s12] =	ssyncadd.s32 $0xFFFFE000  }
0xb3: {  	[tilespmem:s2], [sflag:$0x3] =	stream.indirect.gather @!p0 [hbm4b:s5+s6], $0x80, s0, s6, $0xb8;
	[tilespmem:$0x1E480] =	vst v63  }
0xb4: {  	_ =	swait.ge [sflag:s28], $0x2000  }
0xb5: {  	[sflag:s28] =	ssyncset.done $0x0  }
0xb6: {  	[sflag:s28] =	ssyncadd.s32 $0xFFFFE000  }
0xb7: {  	v63 =	vld [tilespmem:s31+$0x14C0];
	_ =	sdelay $0x4  }
0xb8: {  	[tilespmem:$0x2800] =	vst v63  }
0xb9: {  	v0 =	vld [tilespmem:s31+$0x14D0];
	_ =	sdelay $0x4  }
0xba: {  	[tilespmem:$0x2810] =	vst v0  }
0xbb: {  	v0 =	vld [tilespmem:s31+$0x14E0];
	_ =	sdelay $0x4  }
0xbc: {  	[tilespmem:$0x2820] =	vst v0  }
0xbd: {  	v0 =	vld [tilespmem:s31+$0x14F0];
	_ =	sdelay $0x4  }
.Ltmp4:
0xbe: {  	[tilespmem:$0x2830] =	vst v0;
	(pc) =	sbr.rel @p0 .LBB2_7-.Ltmp4, $4  }
0xbf: {  	[spmem:s3] =	stream.indirect.scatter.add.f32 [tilespmem:s22], [sflag:$0x5], $0x80, s24, s16, $0xb8;
	[tilespmem:$0x1E480] =	vst v63  }
0xc0: {  	_ =	swait.ge [sflag:s12], $0x2000  }
0xc1: {  	[sflag:s12] =	ssyncset.done $0x0  }
0xc2: {  	[sflag:s12] =	ssyncadd.s32 $0xFFFFE000  }
.Ltmp5:
0xc3: {  	(pc) =	sbr.rel .LBB2_5-.Ltmp5, $3  }
0xc4: {  	_ =	sdelay $0x1  }
0xc5: {  	s0 =	sadd.s32 $0x1C0, s31;
	s30 =	sadd.s32 $0x400, s30  }
0xc6: {  	[tilespmem:s22], [sflag:$0x4] =	stream.indirect.gather [hbm4b:s5+s16], $0x80, s0, s16, $0xb8;
	[tilespmem:$0x1E480] =	vst v63  }
.LBB2_8:
0xc7: {  	_ =	sfence.sel $0x180000  }
0xc8: {  	[bflag:$0x0] =	sbarrier.arrive $0xFFFF  }
0xc9: {  	_ =	strace $0x9000004A  }
0xca: {  	s0 =	stileid.u32;
	[bflag:$0x2] =	sbarrier.arrive $0xFFFF  }
0xcb: {  	p0 =	sne.s32 s0, $0x0;
	s0 =	rddreg [dreg:$0x3]  }
0xcc: {  	s0 =	sadd.s32 @!p0 $0x100000, s0  }
0xcd: {  	[sflag:s0] =	ssyncadd.tile.s32 @!p0 $0x1;
	_ =	shalt  }
.Lfunc_end2:
_tile_overlayer_lowered:
.L_overlay_start_2:
0xce: {  	(tag) =	ssettag $0x2  }
0xcf: {  	s0 =	rddreg [dreg:$0x0];
	s2 =	stileid.u32  }
0xd0: {  	s1 =	rddreg [dreg:$0x1];
	p0 =	sne.s32 s2, $0x0  }
0xd1: {  	s3 =	rddreg [dreg:$0x2];
	[bflag:$0x3] =	sbarrier.arrive $0xFFFF;
	s2 =	simm.s32 @!p0 $0x1C05  }
0xd2: {  	[timem:s3], [sflag:s2] =	dma.local @!p0 [hbm:s0], s1  }
0xd3: {  	s0 =	simm.s32 @!p0 $0x5  }
0xd4: {  	_ =	swait.ge @!p0 [sflag:s0], s1  }
0xd5: {  	s1 =	ssub.s32 @!p0 $0x0, s1;
	[sflag:s0] =	ssyncset.done @!p0 $0x0  }
0xd6: {  	[sflag:s0] =	ssyncadd.s32 @!p0 s1  }
0xd7: {  	[bflag:$0x3] =	sbarrier.arrive $0xFFFF  }
0xd8: {  	_ =	shalt  }

// kernel: kernel.14.cloned.1.call-start
scs
__scs_entry_jumppad:
0x0: {  	(pc) =	sbr.rel $0x88, $3  }
0x1: {  	(tag) =	ssettag $0x0;
	lr =	simm.s32 $0x1  }
0x2: {  	[smem:$0x3F97] =	sst lr;
	_ =	strace $0xD0000000  }
0x3: {  	_ = 	snop  }
0x4: {  	_ = 	snop  }
0x5: {  	_ = 	snop  }
0x6: {  	_ = 	snop  }
0x7: {  	_ = 	snop  }
__scs_overlays_trampoline_lowered:
0x8: {  	[smem:$0x3FA6] =	sst s0  }
0x9: {  	[smem:$0x3FA7] =	sst s1  }
0xa: {  	[smem:$0x3FA8] =	sst s2  }
0xb: {  	[smem:$0x3FA9] =	sst s3  }
0xc: {  	[smem:$0x3FAA] =	sst s4  }
0xd: {  	[smem:$0x3FAB] =	sst s5  }
0xe: {  	[smem:$0x3FAC] =	sst s6  }
0xf: {  	[smem:$0x3FAD] =	sst s7  }
0x10: {  	[smem:$0x3FAE] =	sst s8  }
0x11: {  	[smem:$0x3FAF] =	sst s9;
	s0 =	simm.s32 @!p0 $0x0  }
0x12: {  	s1 =	sld [smem:$0x3F95];
	s0 =	simm.s32 @p0 $0x1  }
0x13: {  	[smem:$0x3FB0] =	sst s0;
	s0 =	simm.s32 @!p1 $0x0  }
0x14: {  	s2 =	sld [smem:$0x3F94];
	s0 =	simm.s32 @p1 $0x1  }
0x15: {  	[smem:$0x3FB1] =	sst s0;
	s0 =	simm.s32 @!p2 $0x0  }
0x16: {  	s3 =	sld [smem:$0x3FDB];
	s0 =	simm.s32 @p2 $0x1  }
0x17: {  	s4 =	simm.s32 $0x1BF5;
	[smem:$0x3FB3] =	sst s0  }
0x18: {  	s0 =	sld [smem:$0x3F96];
	_ =	swait.ge [sflag:s4], $0x0  }
0x19: {  	s7 =	sld [smem:$0x3F97]  }
0x1a: {  	s8 =	sadd.s32 $0xFFFFE003, lr  }
0x1b: {  	s9 =	sadd.s32 $0xFFFFFEF7, lr;
	s5 =	simm.s32 $0xFFFFFFFF;
	p2 =	slt.u32 s8, $0xFFFFF086  }
0x1c: {  	p1 =	slt.u32 s9, $0xF7A;
	s5 =	simm.s32 @!p2 $0x0  }
0x1d: {  	s5 =	simm.s32 @p1 $0x1;
	p0 =	seq.s32 s7, s2  }
0x1e: {  	s7 =	smul.u32 @!p0 $0xF7A, s2;
	p2 =	seq.s32 @!p0 s5, $0x0  }
0x1f: {  	s9 =	smul.u32 $0xF7A, s1;
	s8 =	simm.s32 @!p0 $0x1BF5;
	p2 =	por !p2, p0  }
0x20: {  	[sflag:s8] =	ssyncset.s32 @!p0 $0xFFFFF086;
	s6 =	sadd.s32 @!p0 s3, s7;
	s7 =	simm.s32 @!p0 $0x108  }
0x21: {  	s3 =	sadd.s32 s3, s9;
	s6 =	sadd.s32 @!p0 $0x88, s6;
	s7 =	simm.s32 @p2 $0x1082  }
0x22: {  	[simem:s7], [sflag:s8] =	dma.local @!p0 [hbm:s6], $0xF7A  }
0x23: {  	s9 =	sor.u32 $0xD0000000, s2;
	s6 =	simm.s32 $0x108;
	_ =	swait.ge @!p0 [sflag:s8], $0x0  }
0x24: {  	s3 =	sadd.s32 $0x88, s3;
	s6 =	simm.s32 @!p1 $0x1082;
	[sflag:s4] =	ssyncset.s32 $0xFFFFF086  }
0x25: {  	[simem:s6], [sflag:s4] =	dma.local [hbm:s3], $0xF7A  }
0x26: {  	[smem:$0x3F97] =	sst s1;
	(tag) =	ssettag s2;
	_ =	strace s9  }
0x27: {  	s1 =	sld [smem:$0x3FA7]  }
0x28: {  	s2 =	sld [smem:$0x3FA8]  }
0x29: {  	s4 =	sld [smem:$0x3FAA]  }
0x2a: {  	p0 =	seq.s32 s5, $0x0;
	s5 =	sld [smem:$0x3FAB]  }
0x2b: {  	s6 =	sld [smem:$0x3FAC]  }
0x2c: {  	s7 =	sld [smem:$0x3FAD]  }
0x2d: {  	s3 =	simm.s32 $0x108;
	s8 =	sld [smem:$0x3FAE]  }
0x2e: {  	s3 =	simm.s32 @!p0 $0x1082;
	s9 =	sld [smem:$0x3FAF]  }
0x2f: {  	lr =	sadd.s32 s0, s3;
	s0 =	sld [smem:$0x3FA6]  }
0x30: {  	s3 =	sld [smem:$0x3FA9]  }
0x31: {  	[smem:$0x3FB2] =	sst s10  }
0x32: {  	s10 =	sld [smem:$0x3FB0];
	_ =	sdelay $0x3  }
0x33: {  	p0 =	seq.s32 s10, $0x1;
	s10 =	sld [smem:$0x3FB2];
	_ =	sdelay $0x3  }
0x34: {  	[smem:$0x3FB2] =	sst s10  }
0x35: {  	s10 =	sld [smem:$0x3FB1];
	_ =	sdelay $0x3  }
0x36: {  	p1 =	seq.s32 s10, $0x1;
	s10 =	sld [smem:$0x3FB2];
	_ =	sdelay $0x3  }
0x37: {  	[smem:$0x3FB2] =	sst s10  }
0x38: {  	s10 =	sld [smem:$0x3FB3]  }
0x39: {  	_ = 	snop;
	(pc) =	sbr.ind lr, $3  }
0x3a: {  	_ = 	snop  }
0x3b: {  	_ = 	snop  }
0x3c: {  	p2 =	seq.s32 s10, $0x1;
	s10 =	sld [smem:$0x3FB2]  }
0x3d: {  	_ =	shalt  }
0x3e: {  	_ =	shalt  }
0x3f: {  	_ =	shalt  }
0x40: {  	_ =	shalt  }
0x41: {  	_ =	shalt  }
0x42: {  	_ =	shalt  }
0x43: {  	_ =	shalt  }
0x44: {  	_ =	shalt  }
0x45: {  	_ =	shalt  }
0x46: {  	_ =	shalt  }
0x47: {  	_ =	shalt  }
0x48: {  	_ =	shalt  }
0x49: {  	_ =	shalt  }
0x4a: {  	_ =	shalt  }
0x4b: {  	_ =	shalt  }
0x4c: {  	_ =	shalt  }
0x4d: {  	_ =	shalt  }
0x4e: {  	_ =	shalt  }
0x4f: {  	_ =	shalt  }
0x50: {  	_ =	shalt  }
0x51: {  	_ =	shalt  }
0x52: {  	_ =	shalt  }
0x53: {  	_ =	shalt  }
0x54: {  	_ =	shalt  }
0x55: {  	_ =	shalt  }
0x56: {  	_ =	shalt  }
0x57: {  	_ =	shalt  }
0x58: {  	_ =	shalt  }
0x59: {  	_ =	shalt  }
0x5a: {  	_ =	shalt  }
0x5b: {  	_ =	shalt  }
0x5c: {  	_ =	shalt  }
0x5d: {  	_ =	shalt  }
0x5e: {  	_ =	shalt  }
0x5f: {  	_ =	shalt  }
0x60: {  	_ =	shalt  }
0x61: {  	_ =	shalt  }
0x62: {  	_ =	shalt  }
0x63: {  	_ =	shalt  }
0x64: {  	_ =	shalt  }
0x65: {  	_ =	shalt  }
0x66: {  	_ =	shalt  }
0x67: {  	_ =	shalt  }
0x68: {  	_ =	shalt  }
0x69: {  	_ =	shalt  }
0x6a: {  	_ =	shalt  }
0x6b: {  	_ =	shalt  }
0x6c: {  	_ =	shalt  }
0x6d: {  	_ =	shalt  }
0x6e: {  	_ =	shalt  }
0x6f: {  	_ =	shalt  }
0x70: {  	_ =	shalt  }
0x71: {  	_ =	shalt  }
0x72: {  	_ =	shalt  }
0x73: {  	_ =	shalt  }
0x74: {  	_ =	shalt  }
0x75: {  	_ =	shalt  }
0x76: {  	_ =	shalt  }
0x77: {  	_ =	shalt  }
0x78: {  	_ =	shalt  }
0x79: {  	_ =	shalt  }
0x7a: {  	_ =	shalt  }
0x7b: {  	_ =	shalt  }
0x7c: {  	_ =	shalt  }
0x7d: {  	_ =	shalt  }
0x7e: {  	_ =	shalt  }
0x7f: {  	_ =	shalt  }
0x80: {  	_ =	shalt  }
0x81: {  	_ =	shalt  }
0x82: {  	_ =	shalt  }
0x83: {  	_ =	shalt  }
0x84: {  	_ =	shalt  }
0x85: {  	_ =	shalt  }
0x86: {  	_ =	shalt  }
0x87: {  	_ =	shalt  }
.Lfunc_end0:
.L_simem_size_0:
called_computation.2_lowered:
.L_overlay_start_0:
0x88: {  	s2 =	sld [smem:$0x3FD9]  }
0x89: {  	s3 =	sld [smem:$0x3FFE];
	_ =	sdelay $0x1  }
0x8a: {  	s1 =	srdreg.scid  }
0x8b: {  	s0 =	sand.u32 $0x1, s1  }
0x8c: {  	s16 =	sshll.u32 s0, $0xA;
	s2 =	sadd.s32 s3, s2  }
0x8d: {  	s2 =	sadd.s32 s2, s16  }
0x8e: {  	[smem:$0x3FBE] =	sst s2  }
0x8f: {  	_ = 	snop  }
0x90: {  	(tm) =	ssettm $0x1  }
0x91: {  	s17 =	sld [smem:$0x3FFB];
	_ =	sdelay $0x3  }
0x92: {  	_ =	strace s17  }
0x93: {  	s2 =	sld [smem:$0x3FFC];
	_ =	sdelay $0x3  }
0x94: {  	_ =	strace s2  }
0x95: {  	s2 =	sld [smem:$0x3FFD];
	_ =	sdelay $0x3  }
0x96: {  	_ =	strace s2  }
0x97: {  	_ =	strace $0x8FFFFFFF  }
0x98: {  	s18 =	sld [smem:$0x3FDB];
	_ =	sdelay $0x1  }
0x99: {  	s19 =	simm.s32 $_scs_section_size  }
0x9a: {  	s4 =	simm.s32 $_size__tile_overlayer_lowered;
	s5 =	simm.s32 $_tile_overlayer_lowered  }
0x9b: {  	s22 =	simm.s32 $0x1BFF;
	s21 =	sshll.u32 s5, $0x1;
	s2 =	sadd.s32 s19, s18  }
0x9c: {  	s6 =	simm.s32 $0x0;
	s20 =	sshll.u32 s4, $0x1;
	s4 =	sadd.s32 s21, s2  }
0x9d: {  	[timem:s6], [sflag:s22] =	dma.local [hbm:s4], s20  }
0x9e: {  	_ =	swait.ge [sflag:s22], s20  }
0x9f: {  	s3 =	ssub.s32 $0x0, s20;
	[sflag:s22] =	ssyncset.done $0x0  }
0xa0: {  	[sflag:s22] =	ssyncadd.s32 s3;
	_ =	sdelay $0x1  }
0xa1: {  	s23 =	simm.s32 $0x1B8B  }
0xa2: {  	_ =	swait.ge [sflag:s23], $0x1  }
0xa3: {  	[sflag:s23] =	ssyncset.done $0x0  }
0xa4: {  	s25 =	simm.s32 $0x1B8E;
	s24 =	sld [smem:$0x3FFE];
	[sflag:s23] =	ssyncadd.s32 $0xFFFFFFFF  }
0xa5: {  	s26 =	simm.s32 $execute0_lowered;
	[smem:$0x3FD2] =	sst s25  }
0xa6: {  	s4 =	sshll.u32 s26, $0x1;
	_ =	strace $0x8000004C;
	[dreg:$0x1] =	wrdreg $0xFFFFFFFF  }
0xa7: {  	s28 =	simm.s32 $_size_execute0_lowered;
	s2 =	sadd.s32 s2, s4;
	[dreg:$0x0] =	wrdreg $0x0  }
0xa8: {  	s4 =	sshll.u32 s28, $0x1;
	[dreg:$0x2] =	wrdreg s2  }
0xa9: {  	[dreg:$0x3] =	wrdreg s4  }
0xaa: {  	[dreg:$0x4] =	wrdreg $0xC0  }
0xab: {  	_ =	task [dreg:s6], $0x5FFFF  }
0xac: {  	[dreg:$0x1] =	wrdreg $0xFFFFFFFF  }
0xad: {  	[dreg:$0x0] =	wrdreg $0x60  }
0xae: {  	[dreg:$0x2] =	wrdreg s24  }
0xaf: {  	[dreg:$0x3] =	wrdreg $0xA8800  }
0xb0: {  	[dreg:$0x4] =	wrdreg $0x9  }
0xb1: {  	_ =	task.clear_ibuf [dreg:s6], $0x5FFFF;
	_ =	strace $0x9000004C  }
0xb2: {  	s29 =	simm.s32 $0x9;
	_ =	strace $0x8000004E  }
0xb3: {  	_ =	swait.ge [sflag:s29], $0x1  }
0xb4: {  	[sflag:s29] =	ssyncadd.s32 $0xFFFFFFFF  }
0xb5: {  	_ =	strace $0x9000004E  }
0xb6: {  	_ =	sfence  }
0xb7: {  	s30 =	sld [smem:$0x0];
	_ =	sdelay $0x2  }
0xb8: {  	s31 =	sshll.u32 s1, $0xD;
	s1 =	sshrl.u32 s1, $0x2  }
0xb9: {  	s3 =	sand.u32 $0x4000, s31;
	s1 =	sadd.s32 s1, s30  }
0xba: {  	s0 =	sor.u32 s3, s0;
	s1 =	sshll.u32 s1, $0x11  }
0xbb: {  	s0 =	sor.u32 s1, s0  }
0xbc: {  	s0 =	sadd.s32 $0x8F2B, s0  }
0xbd: {  	[sflag:s0] =	ssyncadd.remote.s32 $0x1  }
0xbe: {  	_ =	sfence.sel $0xFFFF  }
0xbf: {  	[dreg:$0x0] =	wrdreg $0xFFFFFFFF;
	(pc) =	sbr.abs _section_cstart, $3  }
0xc0: {  	[dreg:$0x1] =	wrdreg $0xFFFFFFFF  }
0xc1: {  	_ =	task.clear_ibuf [dreg:s6], $0x2FFFF;
	_ =	strace $0x9FFFFFFF  }
0xc2: {  	(tm) =	ssettm $0x7FFFFFFF  }
0xc3: {  	_ =	shalt  }
tec
execute0_lowered:
.L_overlay_start_1:
0x0: {  	(tag) =	ssettag $0x1  }
0x1: {  	s1 =	srdreg.scid;
	s6 =	rddreg [dreg:$0x0]  }
0x2: {  	s0 =	stileid.u32;
	s2 =	rddreg [dreg:$0x1];
	s3 =	simm.s32 $0x0  }
0x3: {  	s16 =	simm.s32 $0x40;
	s17 =	simm.s32 $0x2880;
	s18 =	simm.s32 $0x4880  }
0x4: {  	s19 =	simm.s32 $0x80;
	s20 =	simm.s32 $0x6880;
	s21 =	simm.s32 $0xC0  }
0x5: {  	s22 =	simm.s32 $0x8880;
	s23 =	simm.s32 $0x1;
	s28 =	simm.s32 $0x4  }
0x6: {  	s29 =	simm.s32 $0x0;
	s7 =	sand.u32 $0x1, s1;
	s24 =	sshll.u32 s0, $0x1  }
0x7: {  	[smem:$0x7FF] =	sst s3;
	s9 =	smul.u32 $0x13C00, s0;
	s5 =	sadd.s32 $0xAD800, s6  }
0x8: {  	s25 =	smul.u32 $0x4F000, s0;
	s14 =	sshll.u32 s0, $0x6;
	s4 =	sor.u32 s7, s24  }
0x9: {  	_ =	strace $0x8000004D;
	s10 =	smul.u32 $0x13C000, s7;
	s7 =	ssub.s32 $0x2, s7  }
0xa: {  	s14 =	sor.u32 $0x1C05, s14;
	s24 =	simm.s32 $0x2800;
	s8 =	smul.u32 $0x1400, s4  }
0xb: {  	s4 =	sadd.s32 $0x86000, s6;
	s11 =	sshrl.u32 s9, $0x3;
	s26 =	sshrl.u32 s7, $0x1  }
0xc: {  	s31 =	sshrl.u32 s25, $0x2;
	s25 =	simm.s32 $0x2;
	s9 =	sadd.s32 s9, s10  }
0xd: {  	s11 =	sadd.s32 s11, s6;
	s13 =	ssub.s32 s7, s26;
	s15 =	sadd.s32 s31, s2  }
.Ltmp0:
0xe: {  	s26 =	simm.s32 $0x3;
	s8 =	sshrl.u32 s8, $0x3;
	(pc) =	sbr.rel .LBB2_1-.Ltmp0, $4  }
0xf: {  	s9 =	sshrl.u32 s9, $0x3;
	s15 =	sshrl.u32 s15, $0x3;
	s8 =	sadd.s32 s8, s6  }
0x10: {  	s12 =	sadd.s32 s9, s6;
	s30 =	sadd.s32 $0x5000, s8;
	s7 =	sadd.s32 $0xA000, s8  }
0x11: {  	s8 =	sadd.s32 $0xF800, s11;
	s9 =	sadd.s32 $0xD5000, s12;
	s10 =	sadd.s32 $0x124000, s12  }
0x12: {  	s11 =	smax.u32 s13, $0x1;
	s12 =	simm.s32 $0x5;
	[dreg:$0x3] =	wrdreg s30  }
.LBB2_7:
0x13: {  	s29 =	sadd.s32 $0x1, s29  }
0x14: {  	p0 =	sne.s32 s29, s11  }
.Ltmp1:
0x15: {  	[bflag:$0x0] =	sbarrier.arrive $0xFFFF;
	(pc) =	sbr.rel @!p0 .LBB2_8-.Ltmp1, $4  }
0x16: {  	[hbm:s10], [sflag:s14] =	dma.local [spmem:s15], $0x2780  }
0x17: {  	_ =	swait.ge [sflag:s12], $0x2780  }
0x18: {  	[sflag:s12] =	ssyncset.done $0x0  }
0x19: {  	[sflag:s12] =	ssyncadd.s32 $0xFFFFD880  }
.LBB2_1:
0x1a: {  	s0 =	rddreg [dreg:$0x3]  }
0x1b: {  	[tilespmem:s3], [sflag:$0x5] =	stream.linear.gather [hbm4b:s0+s3], $0x1400, $0x38;
	[tilespmem:$0x1E480] =	vst v63  }
0x1c: {  	_ =	swait.ge [sflag:s12], $0x1400  }
0x1d: {  	[sflag:s12] =	ssyncset.done $0x0  }
0x1e: {  	s31 =	simm.s32 $0x1400;
	[sflag:s12] =	ssyncadd.s32 $0xFFFFEC00  }
0x1f: {  	[tilespmem:s31], [sflag:$0x5] =	stream.linear.gather [hbm4b:s7+s3], $0x1400, $0x38;
	[tilespmem:$0x1E480] =	vst v63  }
0x20: {  	_ =	swait.ge [sflag:s12], $0x1400  }
0x21: {  	[sflag:s12] =	ssyncset.done $0x0  }
0x22: {  	[sflag:s12] =	ssyncadd.s32 $0xFFFFEC00  }
0x23: {  	[spmem:s15], [sflag:s14] =	dma.local [hbm:s8], $0x2780  }
0x24: {  	_ =	swait.ge [sflag:s12], $0x2780  }
0x25: {  	[sflag:s12] =	ssyncset.done $0x0  }
0x26: {  	[sflag:s12] =	ssyncadd.s32 $0xFFFFD880  }
0x27: {  	[bflag:$0x0] =	sbarrier.arrive $0xFFFF  }
0x28: {  	[tilespmem:s17], [sflag:$0x1] =	stream.indirect.gather [hbm4b:s4+s16], $0x80, s3, s16, $0xb8;
	[tilespmem:$0x1E480] =	vst v63  }
0x29: {  	_ = 	snop  }
0x2a: {  	[tilespmem:s18], [sflag:$0x2] =	stream.indirect.gather [hbm4b:s4+s16], $0x80, s16, s16, $0xb8;
	[tilespmem:$0x1E480] =	vst v63  }
0x2b: {  	_ = 	snop  }
0x2c: {  	[tilespmem:s20], [sflag:$0x3] =	stream.indirect.gather [hbm4b:s4+s16], $0x80, s19, s16, $0xb8;
	[tilespmem:$0x1E480] =	vst v63  }
0x2d: {  	s30 =	simm.s32 $0x0  }
0x2e: {  	[tilespmem:s22], [sflag:$0x4] =	stream.indirect.gather [hbm4b:s4+s16], $0x80, s21, s16, $0xb8;
	[tilespmem:$0x1E480] =	vst v63  }
.LBB2_2:
0x2f: {  	_ =	swait.ge [sflag:s23], $0x2000  }
0x30: {  	[sflag:s23] =	ssyncset.done $0x0  }
0x31: {  	s31 =	sshra.s32 s30, $0x2;
	[sflag:s23] =	ssyncadd.s32 $0xFFFFE000  }
0x32: {  	v0 =	vld [tilespmem:s31+$0x1400];
	_ =	sdelay $0x4  }
0x33: {  	[tilespmem:$0x2800] =	vst v0  }
0x34: {  	v0 =	vld [tilespmem:s31+$0x1410];
	_ =	sdelay $0x4  }
0x35: {  	[tilespmem:$0x2810] =	vst v0  }
0x36: {  	v0 =	vld [tilespmem:s31+$0x1420];
	_ =	sdelay $0x4  }
0x37: {  	[tilespmem:$0x2820] =	vst v0  }
0x38: {  	v0 =	vld [tilespmem:s31+$0x1430];
	_ =	sdelay $0x4  }
0x39: {  	[tilespmem:$0x2830] =	vst v0  }
0x3a: {  	[spmem:s2] =	stream.indirect.scatter.add.f32 [tilespmem:s17], [sflag:$0x5], $0x80, s24, s16, $0xb8;
	[tilespmem:$0x1E480] =	vst v63  }
0x3b: {  	p0 =	seq.s32 s30, $0x4C00;
	_ =	swait.ge [sflag:s12], $0x2000  }
0x3c: {  	s1 =	sshra.s32 @!p0 s30, $0x2;
	s13 =	simm.s32 @!p0 $0x40;
	[sflag:s12] =	ssyncset.done $0x0  }
0x3d: {  	s6 =	simm.s32 @!p0 $0x2880;
	s0 =	sadd.s32 @!p0 $0x100, s1;
	[sflag:s12] =	ssyncadd.s32 $0xFFFFE000  }
0x3e: {  	[tilespmem:s6], [sflag:$0x1] =	stream.indirect.gather @!p0 [hbm4b:s4+s13], $0x80, s0, s13, $0xb8;
	[tilespmem:$0x1E480] =	vst v63  }
0x3f: {  	_ =	swait.ge [sflag:s25], $0x2000  }
0x40: {  	[sflag:s25] =	ssyncset.done $0x0  }
0x41: {  	[sflag:s25] =	ssyncadd.s32 $0xFFFFE000  }
0x42: {  	v61 =	vld [tilespmem:s31+$0x1440];
	_ =	sdelay $0x4  }
0x43: {  	[tilespmem:$0x2800] =	vst v61  }
0x44: {  	v0 =	vld [tilespmem:s31+$0x1450];
	_ =	sdelay $0x4  }
0x45: {  	[tilespmem:$0x2810] =	vst v0  }
0x46: {  	v0 =	vld [tilespmem:s31+$0x1460];
	_ =	sdelay $0x4  }
0x47: {  	[tilespmem:$0x2820] =	vst v0  }
0x48: {  	v0 =	vld [tilespmem:s31+$0x1470];
	_ =	sdelay $0x4  }
0x49: {  	[tilespmem:$0x2830] =	vst v0  }
0x4a: {  	[spmem:s2] =	stream.indirect.scatter.add.f32 [tilespmem:s18], [sflag:$0x5], $0x80, s24, s16, $0xb8;
	[tilespmem:$0x1E480] =	vst v63  }
0x4b: {  	_ =	swait.ge [sflag:s12], $0x2000  }
0x4c: {  	[sflag:s12] =	ssyncset.done $0x0  }
0x4d: {  	s0 =	sadd.s32 @!p0 $0x140, s1;
	s6 =	simm.s32 @!p0 $0x4880;
	[sflag:s12] =	ssyncadd.s32 $0xFFFFE000  }
0x4e: {  	[tilespmem:s6], [sflag:$0x2] =	stream.indirect.gather @!p0 [hbm4b:s4+s13], $0x80, s0, s13, $0xb8;
	[tilespmem:$0x1E480] =	vst v63  }
0x4f: {  	_ =	swait.ge [sflag:s26], $0x2000  }
0x50: {  	[sflag:s26] =	ssyncset.done $0x0  }
0x51: {  	[sflag:s26] =	ssyncadd.s32 $0xFFFFE000  }
0x52: {  	v62 =	vld [tilespmem:s31+$0x1480];
	_ =	sdelay $0x4  }
0x53: {  	[tilespmem:$0x2800] =	vst v62  }
0x54: {  	v0 =	vld [tilespmem:s31+$0x1490];
	_ =	sdelay $0x4  }
0x55: {  	[tilespmem:$0x2810] =	vst v0  }
0x56: {  	v0 =	vld [tilespmem:s31+$0x14A0];
	_ =	sdelay $0x4  }
0x57: {  	[tilespmem:$0x2820] =	vst v0  }
0x58: {  	v0 =	vld [tilespmem:s31+$0x14B0];
	_ =	sdelay $0x4  }
0x59: {  	[tilespmem:$0x2830] =	vst v0  }
0x5a: {  	[spmem:s2] =	stream.indirect.scatter.add.f32 [tilespmem:s20], [sflag:$0x5], $0x80, s24, s16, $0xb8;
	[tilespmem:$0x1E480] =	vst v63  }
0x5b: {  	_ =	swait.ge [sflag:s12], $0x2000  }
0x5c: {  	[sflag:s12] =	ssyncset.done $0x0  }
0x5d: {  	s0 =	sadd.s32 @!p0 $0x180, s1;
	s1 =	simm.s32 @!p0 $0x6880;
	[sflag:s12] =	ssyncadd.s32 $0xFFFFE000  }
0x5e: {  	[tilespmem:s1], [sflag:$0x3] =	stream.indirect.gather @!p0 [hbm4b:s4+s13], $0x80, s0, s13, $0xb8;
	[tilespmem:$0x1E480] =	vst v63  }
0x5f: {  	_ =	swait.ge [sflag:s28], $0x2000  }
0x60: {  	[sflag:s28] =	ssyncset.done $0x0  }
0x61: {  	[sflag:s28] =	ssyncadd.s32 $0xFFFFE000  }
0x62: {  	v63 =	vld [tilespmem:s31+$0x14C0];
	_ =	sdelay $0x4  }
0x63: {  	[tilespmem:$0x2800] =	vst v63  }
0x64: {  	v0 =	vld [tilespmem:s31+$0x14D0];
	_ =	sdelay $0x4  }
0x65: {  	[tilespmem:$0x2810] =	vst v0  }
0x66: {  	v0 =	vld [tilespmem:s31+$0x14E0];
	_ =	sdelay $0x4  }
0x67: {  	[tilespmem:$0x2820] =	vst v0  }
0x68: {  	v0 =	vld [tilespmem:s31+$0x14F0];
	_ =	sdelay $0x4  }
.Ltmp2:
0x69: {  	[tilespmem:$0x2830] =	vst v0;
	(pc) =	sbr.rel @p0 .LBB2_4-.Ltmp2, $4  }
0x6a: {  	[spmem:s2] =	stream.indirect.scatter.add.f32 [tilespmem:s22], [sflag:$0x5], $0x80, s24, s16, $0xb8;
	[tilespmem:$0x1E480] =	vst v63  }
0x6b: {  	_ =	swait.ge [sflag:s12], $0x2000  }
0x6c: {  	[sflag:s12] =	ssyncset.done $0x0  }
0x6d: {  	[sflag:s12] =	ssyncadd.s32 $0xFFFFE000  }
.Ltmp3:
0x6e: {  	(pc) =	sbr.rel .LBB2_2-.Ltmp3, $3  }
0x6f: {  	_ =	sdelay $0x1  }
0x70: {  	s0 =	sadd.s32 $0x1C0, s31;
	s30 =	sadd.s32 $0x400, s30  }
0x71: {  	[tilespmem:s22], [sflag:$0x4] =	stream.indirect.gather [hbm4b:s4+s16], $0x80, s0, s16, $0xb8;
	[tilespmem:$0x1E480] =	vst v63  }
.LBB2_4:
0x72: {  	[bflag:$0x0] =	sbarrier.arrive $0xFFFF  }
0x73: {  	[hbm:s9], [sflag:s14] =	dma.local [spmem:s15], $0x2780  }
0x74: {  	_ =	swait.ge [sflag:s12], $0x2780  }
0x75: {  	[sflag:s12] =	ssyncset.done $0x0  }
0x76: {  	[sflag:s12] =	ssyncadd.s32 $0xFFFFD880  }
0x77: {  	[spmem:s15], [sflag:s14] =	dma.local [hbm:s8], $0x2780  }
0x78: {  	_ =	swait.ge [sflag:s12], $0x2780  }
0x79: {  	[sflag:s12] =	ssyncset.done $0x0  }
0x7a: {  	[sflag:s12] =	ssyncadd.s32 $0xFFFFD880  }
0x7b: {  	s30 =	simm.s32 $0x0;
	[bflag:$0x0] =	sbarrier.arrive $0xFFFF  }
0x7c: {  	[tilespmem:s17], [sflag:$0x1] =	stream.indirect.gather [hbm4b:s5+s16], $0x80, s30, s16, $0xb8;
	[tilespmem:$0x1E480] =	vst v63  }
0x7d: {  	_ = 	snop  }
0x7e: {  	[tilespmem:s18], [sflag:$0x2] =	stream.indirect.gather [hbm4b:s5+s16], $0x80, s16, s16, $0xb8;
	[tilespmem:$0x1E480] =	vst v63  }
0x7f: {  	_ = 	snop  }
0x80: {  	[tilespmem:s20], [sflag:$0x3] =	stream.indirect.gather [hbm4b:s5+s16], $0x80, s19, s16, $0xb8;
	[tilespmem:$0x1E480] =	vst v63  }
0x81: {  	_ = 	snop  }
0x82: {  	[tilespmem:s22], [sflag:$0x4] =	stream.indirect.gather [hbm4b:s5+s16], $0x80, s21, s16, $0xb8;
	[tilespmem:$0x1E480] =	vst v63  }
.LBB2_5:
0x83: {  	_ =	swait.ge [sflag:s23], $0x2000  }
0x84: {  	[sflag:s23] =	ssyncset.done $0x0  }
0x85: {  	s31 =	sshra.s32 s30, $0x2;
	[sflag:s23] =	ssyncadd.s32 $0xFFFFE000  }
0x86: {  	v0 =	vld [tilespmem:s31+$0x1400];
	_ =	sdelay $0x4  }
0x87: {  	[tilespmem:$0x2800] =	vst v0  }
0x88: {  	v0 =	vld [tilespmem:s31+$0x1410];
	_ =	sdelay $0x4  }
0x89: {  	[tilespmem:$0x2810] =	vst v0  }
0x8a: {  	v0 =	vld [tilespmem:s31+$0x1420];
	_ =	sdelay $0x4  }
0x8b: {  	[tilespmem:$0x2820] =	vst v0  }
0x8c: {  	v0 =	vld [tilespmem:s31+$0x1430];
	_ =	sdelay $0x4  }
0x8d: {  	[tilespmem:$0x2830] =	vst v0  }
0x8e: {  	[spmem:s2] =	stream.indirect.scatter.add.f32 [tilespmem:s17], [sflag:$0x5], $0x80, s24, s16, $0xb8;
	[tilespmem:$0x1E480] =	vst v63  }
0x8f: {  	p0 =	seq.s32 s30, $0x4C00;
	_ =	swait.ge [sflag:s12], $0x2000  }
0x90: {  	s0 =	sshra.s32 @!p0 s30, $0x2;
	s6 =	simm.s32 @!p0 $0x40;
	[sflag:s12] =	ssyncset.done $0x0  }
0x91: {  	s13 =	simm.s32 @!p0 $0x2880;
	s1 =	sadd.s32 @!p0 $0x100, s0;
	[sflag:s12] =	ssyncadd.s32 $0xFFFFE000  }
0x92: {  	[tilespmem:s13], [sflag:$0x1] =	stream.indirect.gather @!p0 [hbm4b:s5+s6], $0x80, s1, s6, $0xb8;
	[tilespmem:$0x1E480] =	vst v63  }
0x93: {  	_ =	swait.ge [sflag:s25], $0x2000  }
0x94: {  	[sflag:s25] =	ssyncset.done $0x0  }
0x95: {  	[sflag:s25] =	ssyncadd.s32 $0xFFFFE000  }
0x96: {  	v61 =	vld [tilespmem:s31+$0x1440];
	_ =	sdelay $0x4  }
0x97: {  	[tilespmem:$0x2800] =	vst v61  }
0x98: {  	v0 =	vld [tilespmem:s31+$0x1450];
	_ =	sdelay $0x4  }
0x99: {  	[tilespmem:$0x2810] =	vst v0  }
0x9a: {  	v0 =	vld [tilespmem:s31+$0x1460];
	_ =	sdelay $0x4  }
0x9b: {  	[tilespmem:$0x2820] =	vst v0  }
0x9c: {  	v0 =	vld [tilespmem:s31+$0x1470];
	_ =	sdelay $0x4  }
0x9d: {  	[tilespmem:$0x2830] =	vst v0  }
0x9e: {  	[spmem:s2] =	stream.indirect.scatter.add.f32 [tilespmem:s18], [sflag:$0x5], $0x80, s24, s16, $0xb8;
	[tilespmem:$0x1E480] =	vst v63  }
0x9f: {  	_ =	swait.ge [sflag:s12], $0x2000  }
0xa0: {  	[sflag:s12] =	ssyncset.done $0x0  }
0xa1: {  	s1 =	sadd.s32 @!p0 $0x140, s0;
	s13 =	simm.s32 @!p0 $0x4880;
	[sflag:s12] =	ssyncadd.s32 $0xFFFFE000  }
0xa2: {  	[tilespmem:s13], [sflag:$0x2] =	stream.indirect.gather @!p0 [hbm4b:s5+s6], $0x80, s1, s6, $0xb8;
	[tilespmem:$0x1E480] =	vst v63  }
0xa3: {  	_ =	swait.ge [sflag:s26], $0x2000  }
0xa4: {  	[sflag:s26] =	ssyncset.done $0x0  }
0xa5: {  	[sflag:s26] =	ssyncadd.s32 $0xFFFFE000  }
0xa6: {  	v62 =	vld [tilespmem:s31+$0x1480];
	_ =	sdelay $0x4  }
0xa7: {  	[tilespmem:$0x2800] =	vst v62  }
0xa8: {  	v0 =	vld [tilespmem:s31+$0x1490];
	_ =	sdelay $0x4  }
0xa9: {  	[tilespmem:$0x2810] =	vst v0  }
0xaa: {  	v0 =	vld [tilespmem:s31+$0x14A0];
	_ =	sdelay $0x4  }
0xab: {  	[tilespmem:$0x2820] =	vst v0  }
0xac: {  	v0 =	vld [tilespmem:s31+$0x14B0];
	_ =	sdelay $0x4  }
0xad: {  	[tilespmem:$0x2830] =	vst v0  }
0xae: {  	[spmem:s2] =	stream.indirect.scatter.add.f32 [tilespmem:s20], [sflag:$0x5], $0x80, s24, s16, $0xb8;
	[tilespmem:$0x1E480] =	vst v63  }
0xaf: {  	_ =	swait.ge [sflag:s12], $0x2000  }
0xb0: {  	[sflag:s12] =	ssyncset.done $0x0  }
0xb1: {  	s0 =	sadd.s32 @!p0 $0x180, s0;
	s1 =	simm.s32 @!p0 $0x6880;
	[sflag:s12] =	ssyncadd.s32 $0xFFFFE000  }
0xb2: {  	[tilespmem:s1], [sflag:$0x3] =	stream.indirect.gather @!p0 [hbm4b:s5+s6], $0x80, s0, s6, $0xb8;
	[tilespmem:$0x1E480] =	vst v63  }
0xb3: {  	_ =	swait.ge [sflag:s28], $0x2000  }
0xb4: {  	[sflag:s28] =	ssyncset.done $0x0  }
0xb5: {  	[sflag:s28] =	ssyncadd.s32 $0xFFFFE000  }
0xb6: {  	v63 =	vld [tilespmem:s31+$0x14C0];
	_ =	sdelay $0x4  }
0xb7: {  	[tilespmem:$0x2800] =	vst v63  }
0xb8: {  	v0 =	vld [tilespmem:s31+$0x14D0];
	_ =	sdelay $0x4  }
0xb9: {  	[tilespmem:$0x2810] =	vst v0  }
0xba: {  	v0 =	vld [tilespmem:s31+$0x14E0];
	_ =	sdelay $0x4  }
0xbb: {  	[tilespmem:$0x2820] =	vst v0  }
0xbc: {  	v0 =	vld [tilespmem:s31+$0x14F0];
	_ =	sdelay $0x4  }
.Ltmp4:
0xbd: {  	[tilespmem:$0x2830] =	vst v0;
	(pc) =	sbr.rel @p0 .LBB2_7-.Ltmp4, $4  }
0xbe: {  	[spmem:s2] =	stream.indirect.scatter.add.f32 [tilespmem:s22], [sflag:$0x5], $0x80, s24, s16, $0xb8;
	[tilespmem:$0x1E480] =	vst v63  }
0xbf: {  	_ =	swait.ge [sflag:s12], $0x2000  }
0xc0: {  	[sflag:s12] =	ssyncset.done $0x0  }
0xc1: {  	[sflag:s12] =	ssyncadd.s32 $0xFFFFE000  }
.Ltmp5:
0xc2: {  	(pc) =	sbr.rel .LBB2_5-.Ltmp5, $3  }
0xc3: {  	_ =	sdelay $0x1  }
0xc4: {  	s0 =	sadd.s32 $0x1C0, s31;
	s30 =	sadd.s32 $0x400, s30  }
0xc5: {  	[tilespmem:s22], [sflag:$0x4] =	stream.indirect.gather [hbm4b:s5+s16], $0x80, s0, s16, $0xb8;
	[tilespmem:$0x1E480] =	vst v63  }
.LBB2_8:
0xc6: {  	_ =	sfence.sel $0x180000  }
0xc7: {  	[bflag:$0x0] =	sbarrier.arrive $0xFFFF  }
0xc8: {  	_ =	strace $0x9000004D  }
0xc9: {  	s0 =	stileid.u32;
	[bflag:$0x2] =	sbarrier.arrive $0xFFFF  }
0xca: {  	p0 =	sne.s32 s0, $0x0;
	s0 =	rddreg [dreg:$0x2]  }
0xcb: {  	s0 =	sadd.s32 @!p0 $0x100000, s0  }
0xcc: {  	[sflag:s0] =	ssyncadd.tile.s32 @!p0 $0x1;
	_ =	shalt  }
.Lfunc_end2:
_tile_overlayer_lowered:
.L_overlay_start_2:
0xcd: {  	(tag) =	ssettag $0x2  }
0xce: {  	s0 =	rddreg [dreg:$0x0];
	s2 =	stileid.u32  }
0xcf: {  	s1 =	rddreg [dreg:$0x1];
	p0 =	sne.s32 s2, $0x0  }
0xd0: {  	s3 =	rddreg [dreg:$0x2];
	[bflag:$0x3] =	sbarrier.arrive $0xFFFF;
	s2 =	simm.s32 @!p0 $0x1C05  }
0xd1: {  	[timem:s3], [sflag:s2] =	dma.local @!p0 [hbm:s0], s1  }
0xd2: {  	s0 =	simm.s32 @!p0 $0x5  }
0xd3: {  	_ =	swait.ge @!p0 [sflag:s0], s1  }
0xd4: {  	s1 =	ssub.s32 @!p0 $0x0, s1;
	[sflag:s0] =	ssyncset.done @!p0 $0x0  }
0xd5: {  	[sflag:s0] =	ssyncadd.s32 @!p0 s1  }
0xd6: {  	[bflag:$0x3] =	sbarrier.arrive $0xFFFF  }
0xd7: {  	_ =	shalt  }

// kernel: kernel.8.cloned.1.call-start
scs
__scs_entry_jumppad:
0x0: {  	(pc) =	sbr.rel $0x88, $3  }
0x1: {  	(tag) =	ssettag $0x0;
	lr =	simm.s32 $0x1  }
0x2: {  	[smem:$0x3F97] =	sst lr;
	_ =	strace $0xD0000000  }
0x3: {  	_ = 	snop  }
0x4: {  	_ = 	snop  }
0x5: {  	_ = 	snop  }
0x6: {  	_ = 	snop  }
0x7: {  	_ = 	snop  }
__scs_overlays_trampoline_lowered:
0x8: {  	[smem:$0x3FA6] =	sst s0  }
0x9: {  	[smem:$0x3FA7] =	sst s1  }
0xa: {  	[smem:$0x3FA8] =	sst s2  }
0xb: {  	[smem:$0x3FA9] =	sst s3  }
0xc: {  	[smem:$0x3FAA] =	sst s4  }
0xd: {  	[smem:$0x3FAB] =	sst s5  }
0xe: {  	[smem:$0x3FAC] =	sst s6  }
0xf: {  	[smem:$0x3FAD] =	sst s7  }
0x10: {  	[smem:$0x3FAE] =	sst s8  }
0x11: {  	[smem:$0x3FAF] =	sst s9;
	s0 =	simm.s32 @!p0 $0x0  }
0x12: {  	s1 =	sld [smem:$0x3F95];
	s0 =	simm.s32 @p0 $0x1  }
0x13: {  	[smem:$0x3FB0] =	sst s0;
	s0 =	simm.s32 @!p1 $0x0  }
0x14: {  	s2 =	sld [smem:$0x3F94];
	s0 =	simm.s32 @p1 $0x1  }
0x15: {  	[smem:$0x3FB1] =	sst s0;
	s0 =	simm.s32 @!p2 $0x0  }
0x16: {  	s3 =	sld [smem:$0x3FDB];
	s0 =	simm.s32 @p2 $0x1  }
0x17: {  	s4 =	simm.s32 $0x1BF5;
	[smem:$0x3FB3] =	sst s0  }
0x18: {  	s0 =	sld [smem:$0x3F96];
	_ =	swait.ge [sflag:s4], $0x0  }
0x19: {  	s7 =	sld [smem:$0x3F97]  }
0x1a: {  	s8 =	sadd.s32 $0xFFFFE003, lr  }
0x1b: {  	s9 =	sadd.s32 $0xFFFFFEF7, lr;
	s5 =	simm.s32 $0xFFFFFFFF;
	p2 =	slt.u32 s8, $0xFFFFF086  }
0x1c: {  	p1 =	slt.u32 s9, $0xF7A;
	s5 =	simm.s32 @!p2 $0x0  }
0x1d: {  	s5 =	simm.s32 @p1 $0x1;
	p0 =	seq.s32 s7, s2  }
0x1e: {  	s7 =	smul.u32 @!p0 $0xF7A, s2;
	p2 =	seq.s32 @!p0 s5, $0x0  }
0x1f: {  	s9 =	smul.u32 $0xF7A, s1;
	s8 =	simm.s32 @!p0 $0x1BF5;
	p2 =	por !p2, p0  }
0x20: {  	[sflag:s8] =	ssyncset.s32 @!p0 $0xFFFFF086;
	s6 =	sadd.s32 @!p0 s3, s7;
	s7 =	simm.s32 @!p0 $0x108  }
0x21: {  	s3 =	sadd.s32 s3, s9;
	s6 =	sadd.s32 @!p0 $0x88, s6;
	s7 =	simm.s32 @p2 $0x1082  }
0x22: {  	[simem:s7], [sflag:s8] =	dma.local @!p0 [hbm:s6], $0xF7A  }
0x23: {  	s9 =	sor.u32 $0xD0000000, s2;
	s6 =	simm.s32 $0x108;
	_ =	swait.ge @!p0 [sflag:s8], $0x0  }
0x24: {  	s3 =	sadd.s32 $0x88, s3;
	s6 =	simm.s32 @!p1 $0x1082;
	[sflag:s4] =	ssyncset.s32 $0xFFFFF086  }
0x25: {  	[simem:s6], [sflag:s4] =	dma.local [hbm:s3], $0xF7A  }
0x26: {  	[smem:$0x3F97] =	sst s1;
	(tag) =	ssettag s2;
	_ =	strace s9  }
0x27: {  	s1 =	sld [smem:$0x3FA7]  }
0x28: {  	s2 =	sld [smem:$0x3FA8]  }
0x29: {  	s4 =	sld [smem:$0x3FAA]  }
0x2a: {  	p0 =	seq.s32 s5, $0x0;
	s5 =	sld [smem:$0x3FAB]  }
0x2b: {  	s6 =	sld [smem:$0x3FAC]  }
0x2c: {  	s7 =	sld [smem:$0x3FAD]  }
0x2d: {  	s3 =	simm.s32 $0x108;
	s8 =	sld [smem:$0x3FAE]  }
0x2e: {  	s3 =	simm.s32 @!p0 $0x1082;
	s9 =	sld [smem:$0x3FAF]  }
0x2f: {  	lr =	sadd.s32 s0, s3;
	s0 =	sld [smem:$0x3FA6]  }
0x30: {  	s3 =	sld [smem:$0x3FA9]  }
0x31: {  	[smem:$0x3FB2] =	sst s10  }
0x32: {  	s10 =	sld [smem:$0x3FB0];
	_ =	sdelay $0x3  }
0x33: {  	p0 =	seq.s32 s10, $0x1;
	s10 =	sld [smem:$0x3FB2];
	_ =	sdelay $0x3  }
0x34: {  	[smem:$0x3FB2] =	sst s10  }
0x35: {  	s10 =	sld [smem:$0x3FB1];
	_ =	sdelay $0x3  }
0x36: {  	p1 =	seq.s32 s10, $0x1;
	s10 =	sld [smem:$0x3FB2];
	_ =	sdelay $0x3  }
0x37: {  	[smem:$0x3FB2] =	sst s10  }
0x38: {  	s10 =	sld [smem:$0x3FB3]  }
0x39: {  	_ = 	snop;
	(pc) =	sbr.ind lr, $3  }
0x3a: {  	_ = 	snop  }
0x3b: {  	_ = 	snop  }
0x3c: {  	p2 =	seq.s32 s10, $0x1;
	s10 =	sld [smem:$0x3FB2]  }
0x3d: {  	_ =	shalt  }
0x3e: {  	_ =	shalt  }
0x3f: {  	_ =	shalt  }
0x40: {  	_ =	shalt  }
0x41: {  	_ =	shalt  }
0x42: {  	_ =	shalt  }
0x43: {  	_ =	shalt  }
0x44: {  	_ =	shalt  }
0x45: {  	_ =	shalt  }
0x46: {  	_ =	shalt  }
0x47: {  	_ =	shalt  }
0x48: {  	_ =	shalt  }
0x49: {  	_ =	shalt  }
0x4a: {  	_ =	shalt  }
0x4b: {  	_ =	shalt  }
0x4c: {  	_ =	shalt  }
0x4d: {  	_ =	shalt  }
0x4e: {  	_ =	shalt  }
0x4f: {  	_ =	shalt  }
0x50: {  	_ =	shalt  }
0x51: {  	_ =	shalt  }
0x52: {  	_ =	shalt  }
0x53: {  	_ =	shalt  }
0x54: {  	_ =	shalt  }
0x55: {  	_ =	shalt  }
0x56: {  	_ =	shalt  }
0x57: {  	_ =	shalt  }
0x58: {  	_ =	shalt  }
0x59: {  	_ =	shalt  }
0x5a: {  	_ =	shalt  }
0x5b: {  	_ =	shalt  }
0x5c: {  	_ =	shalt  }
0x5d: {  	_ =	shalt  }
0x5e: {  	_ =	shalt  }
0x5f: {  	_ =	shalt  }
0x60: {  	_ =	shalt  }
0x61: {  	_ =	shalt  }
0x62: {  	_ =	shalt  }
0x63: {  	_ =	shalt  }
0x64: {  	_ =	shalt  }
0x65: {  	_ =	shalt  }
0x66: {  	_ =	shalt  }
0x67: {  	_ =	shalt  }
0x68: {  	_ =	shalt  }
0x69: {  	_ =	shalt  }
0x6a: {  	_ =	shalt  }
0x6b: {  	_ =	shalt  }
0x6c: {  	_ =	shalt  }
0x6d: {  	_ =	shalt  }
0x6e: {  	_ =	shalt  }
0x6f: {  	_ =	shalt  }
0x70: {  	_ =	shalt  }
0x71: {  	_ =	shalt  }
0x72: {  	_ =	shalt  }
0x73: {  	_ =	shalt  }
0x74: {  	_ =	shalt  }
0x75: {  	_ =	shalt  }
0x76: {  	_ =	shalt  }
0x77: {  	_ =	shalt  }
0x78: {  	_ =	shalt  }
0x79: {  	_ =	shalt  }
0x7a: {  	_ =	shalt  }
0x7b: {  	_ =	shalt  }
0x7c: {  	_ =	shalt  }
0x7d: {  	_ =	shalt  }
0x7e: {  	_ =	shalt  }
0x7f: {  	_ =	shalt  }
0x80: {  	_ =	shalt  }
0x81: {  	_ =	shalt  }
0x82: {  	_ =	shalt  }
0x83: {  	_ =	shalt  }
0x84: {  	_ =	shalt  }
0x85: {  	_ =	shalt  }
0x86: {  	_ =	shalt  }
0x87: {  	_ =	shalt  }
.Lfunc_end0:
.L_simem_size_0:
called_computation_lowered:
.L_overlay_start_0:
0x88: {  	s2 =	sld [smem:$0x3FD9]  }
0x89: {  	s3 =	sld [smem:$0x3FFE];
	_ =	sdelay $0x1  }
0x8a: {  	s1 =	srdreg.scid  }
0x8b: {  	s0 =	sand.u32 $0x1, s1  }
0x8c: {  	s16 =	sshll.u32 s0, $0xA;
	s2 =	sadd.s32 s3, s2  }
0x8d: {  	s2 =	sadd.s32 s2, s16  }
0x8e: {  	[smem:$0x3FBE] =	sst s2  }
0x8f: {  	_ = 	snop  }
0x90: {  	(tm) =	ssettm $0x1  }
0x91: {  	s17 =	sld [smem:$0x3FFB];
	_ =	sdelay $0x3  }
0x92: {  	_ =	strace s17  }
0x93: {  	s2 =	sld [smem:$0x3FFC];
	_ =	sdelay $0x3  }
0x94: {  	_ =	strace s2  }
0x95: {  	s2 =	sld [smem:$0x3FFD];
	_ =	sdelay $0x3  }
0x96: {  	_ =	strace s2  }
0x97: {  	_ =	strace $0x8FFFFFFF  }
0x98: {  	s18 =	sld [smem:$0x3FDB];
	_ =	sdelay $0x1  }
0x99: {  	s19 =	simm.s32 $_scs_section_size  }
0x9a: {  	s4 =	simm.s32 $_size__tile_overlayer_lowered;
	s5 =	simm.s32 $_tile_overlayer_lowered  }
0x9b: {  	s22 =	simm.s32 $0x1BFF;
	s21 =	sshll.u32 s5, $0x1;
	s2 =	sadd.s32 s19, s18  }
0x9c: {  	s6 =	simm.s32 $0x0;
	s20 =	sshll.u32 s4, $0x1;
	s4 =	sadd.s32 s21, s2  }
0x9d: {  	[timem:s6], [sflag:s22] =	dma.local [hbm:s4], s20  }
0x9e: {  	_ =	swait.ge [sflag:s22], s20  }
0x9f: {  	s3 =	ssub.s32 $0x0, s20;
	[sflag:s22] =	ssyncset.done $0x0  }
0xa0: {  	[sflag:s22] =	ssyncadd.s32 s3;
	_ =	sdelay $0x1  }
0xa1: {  	s23 =	simm.s32 $0x1B8B  }
0xa2: {  	_ =	swait.ge [sflag:s23], $0x1  }
0xa3: {  	[sflag:s23] =	ssyncset.done $0x0  }
0xa4: {  	s25 =	simm.s32 $0x1B8E;
	s24 =	sld [smem:$0x3FFE];
	[sflag:s23] =	ssyncadd.s32 $0xFFFFFFFF  }
0xa5: {  	s26 =	simm.s32 $execute0_lowered;
	[smem:$0x3FD2] =	sst s25  }
0xa6: {  	s4 =	sshll.u32 s26, $0x1;
	_ =	strace $0x80000046;
	[dreg:$0x1] =	wrdreg $0xFFFFFFFF  }
0xa7: {  	s28 =	simm.s32 $_size_execute0_lowered;
	s2 =	sadd.s32 s2, s4;
	[dreg:$0x0] =	wrdreg $0x0  }
0xa8: {  	s4 =	sshll.u32 s28, $0x1;
	[dreg:$0x2] =	wrdreg s2  }
0xa9: {  	[dreg:$0x3] =	wrdreg s4  }
0xaa: {  	[dreg:$0x4] =	wrdreg $0xC0  }
0xab: {  	_ =	task [dreg:s6], $0x5FFFF  }
0xac: {  	[dreg:$0x1] =	wrdreg $0xFFFFFFFF  }
0xad: {  	[dreg:$0x0] =	wrdreg $0x60  }
0xae: {  	[dreg:$0x2] =	wrdreg s24  }
0xaf: {  	[dreg:$0x3] =	wrdreg $0x54800  }
0xb0: {  	[dreg:$0x4] =	wrdreg $0x9  }
0xb1: {  	_ =	task.clear_ibuf [dreg:s6], $0x5FFFF;
	_ =	strace $0x90000046  }
0xb2: {  	s29 =	simm.s32 $0x9;
	_ =	strace $0x80000048  }
0xb3: {  	_ =	swait.ge [sflag:s29], $0x1  }
0xb4: {  	[sflag:s29] =	ssyncadd.s32 $0xFFFFFFFF  }
0xb5: {  	_ =	strace $0x90000048  }
0xb6: {  	_ =	sfence  }
0xb7: {  	s30 =	sld [smem:$0x0];
	_ =	sdelay $0x2  }
0xb8: {  	s31 =	sshll.u32 s1, $0xD;
	s1 =	sshrl.u32 s1, $0x2  }
0xb9: {  	s3 =	sand.u32 $0x4000, s31;
	s1 =	sadd.s32 s1, s30  }
0xba: {  	s0 =	sor.u32 s3, s0;
	s1 =	sshll.u32 s1, $0x11  }
0xbb: {  	s0 =	sor.u32 s1, s0  }
0xbc: {  	s0 =	sadd.s32 $0x8F2B, s0  }
0xbd: {  	[sflag:s0] =	ssyncadd.remote.s32 $0x1  }
0xbe: {  	_ =	sfence.sel $0xFFFF  }
0xbf: {  	[dreg:$0x0] =	wrdreg $0xFFFFFFFF;
	(pc) =	sbr.abs _section_cstart, $3  }
0xc0: {  	[dreg:$0x1] =	wrdreg $0xFFFFFFFF  }
0xc1: {  	_ =	task.clear_ibuf [dreg:s6], $0x2FFFF;
	_ =	strace $0x9FFFFFFF  }
0xc2: {  	(tm) =	ssettm $0x7FFFFFFF  }
0xc3: {  	_ =	shalt  }
tec
execute0_lowered:
.L_overlay_start_1:
0x0: {  	(tag) =	ssettag $0x1  }
0x1: {  	s5 =	rddreg [dreg:$0x0]  }
0x2: {  	s2 =	rddreg [dreg:$0x1]  }
0x3: {  	s0 =	rddreg [dreg:$0x2];
	s1 =	stileid.u32  }
0x4: {  	s4 =	srdreg.scid;
	s3 =	simm.s32 $0x0;
	s13 =	simm.s32 $0x80  }
0x5: {  	s14 =	simm.s32 $0x1400;
	s15 =	simm.s32 $0x0;
	s6 =	smul.u32 $0x13C00, s1  }
0x6: {  	s7 =	sand.u32 $0x1, s4;
	[smem:$0x7FF] =	sst s3;
	s10 =	smul.u32 $0x4F000, s1  }
0x7: {  	s8 =	sshll.u32 s1, $0x1;
	s31 =	sshll.u32 s1, $0x6;
	s4 =	smul.u32 $0x13C000, s7  }
0x8: {  	_ =	strace $0x80000047;
	s8 =	sor.u32 s7, s8;
	s7 =	ssub.s32 $0x2, s7  }
0x9: {  	s9 =	sshrl.u32 s6, $0x3;
	s8 =	smul.u32 $0x1400, s8;
	s28 =	sshrl.u32 s7, $0x1  }
0xa: {  	s30 =	sshrl.u32 s10, $0x2;
	s10 =	simm.s32 $0x1480;
	s6 =	sadd.s32 s6, s4  }
0xb: {  	s9 =	sadd.s32 s9, s5;
	s4 =	sadd.s32 $0xF000, s5;
	s29 =	ssub.s32 s7, s28  }
0xc: {  	s12 =	sadd.s32 s30, s2;
	s6 =	sshrl.u32 s6, $0x3;
	s8 =	sshrl.u32 s8, $0x3  }
0xd: {  	s12 =	sshrl.u32 s12, $0x3;
	s11 =	sadd.s32 s6, s5;
	s5 =	sadd.s32 s5, s8  }
0xe: {  	s6 =	sadd.s32 $0xF800, s9;
	s8 =	smax.u32 s29, $0x1;
	s9 =	simm.s32 $0x1  }
0xf: {  	s5 =	sadd.s32 $0xA000, s5;
	s7 =	sadd.s32 $0x37000, s11;
	s11 =	sor.u32 $0x1C01, s31  }
.LBB2_1:
0x10: {  	[tilespmem:s3], [sflag:$0x1] =	stream.linear.gather [hbm4b:s5+s3], $0x1400, $0x38;
	[tilespmem:$0x19080] =	vst v63  }
0x11: {  	_ =	swait.ge [sflag:s9], $0x1400  }
0x12: {  	[sflag:s9] =	ssyncset.done $0x0  }
0x13: {  	[sflag:s9] =	ssyncadd.s32 $0xFFFFEC00  }
0x14: {  	[tilespmem:s10], [sflag:$0x1] =	stream.linear.gather [hbm4b:s4+s3], $0x4000, $0x38;
	[tilespmem:$0x19080] =	vst v63  }
0x15: {  	_ =	swait.ge [sflag:s9], $0x4000  }
0x16: {  	[sflag:s9] =	ssyncset.done $0x0  }
0x17: {  	[sflag:s9] =	ssyncadd.s32 $0xFFFFC000  }
0x18: {  	[spmem:s12], [sflag:s11] =	dma.local [hbm:s6], $0x2780  }
0x19: {  	_ =	swait.ge [sflag:s9], $0x2780  }
0x1a: {  	[sflag:s9] =	ssyncset.done $0x0  }
0x1b: {  	[sflag:s9] =	ssyncadd.s32 $0xFFFFD880  }
0x1c: {  	s16 =	simm.s32 $0x0;
	[bflag:$0x0] =	sbarrier.arrive $0xFFFF  }
0x1d: {  	v0 =	vld [tilespmem:s16+$0x0];
	_ =	sdelay $0x4  }
0x1e: {  	[tilespmem:$0x1400] =	vst v0  }
0x1f: {  	v0 =	vld [tilespmem:s16+$0x10];
	_ =	sdelay $0x4  }
0x20: {  	[tilespmem:$0x1410] =	vst v0  }
0x21: {  	v0 =	vld [tilespmem:s16+$0x20];
	_ =	sdelay $0x4  }
0x22: {  	[tilespmem:$0x1420] =	vst v0  }
0x23: {  	v0 =	vld [tilespmem:s16+$0x30];
	_ =	sdelay $0x4  }
0x24: {  	[tilespmem:$0x1430] =	vst v0  }
0x25: {  	v0 =	vld [tilespmem:s16+$0x40];
	_ =	sdelay $0x4  }
0x26: {  	[tilespmem:$0x1440] =	vst v0  }
0x27: {  	v0 =	vld [tilespmem:s16+$0x50];
	_ =	sdelay $0x4  }
0x28: {  	[tilespmem:$0x1450] =	vst v0  }
0x29: {  	v0 =	vld [tilespmem:s16+$0x60];
	_ =	sdelay $0x4  }
0x2a: {  	[tilespmem:$0x1460] =	vst v0  }
0x2b: {  	v0 =	vld [tilespmem:s16+$0x70];
	_ =	sdelay $0x4  }
0x2c: {  	[tilespmem:$0x1470] =	vst v0  }
0x2d: {  	[spmem:s2] =	stream.indirect.scatter.add.f32 [tilespmem:s10], [sflag:$0x1], $0x80, s14, s13, $0xb8;
	[tilespmem:$0x19080] =	vst v63  }
0x2e: {  	_ =	swait.ge [sflag:s9], $0x4000  }
0x2f: {  	s18 =	simm.s32 $0x400;
	s16 =	simm.s32 $0x200;
	[sflag:s9] =	ssyncset.done $0x0  }
.LBB2_2:
0x30: {  	s19 =	sshra.s32 s16, $0x2  }
0x31: {  	[sflag:s9] =	ssyncadd.s32 $0xFFFFC000;
	s16 =	smov.u32 s18;
	s17 =	sadd.s32 $0x200, s18  }
0x32: {  	p0 =	sne.s32 s18, $0x4E00;
	v0 =	vld [tilespmem:s19+$0x0];
	_ =	sdelay $0x4  }
0x33: {  	[tilespmem:$0x1400] =	vst v0  }
0x34: {  	v0 =	vld [tilespmem:s19+$0x10];
	_ =	sdelay $0x4  }
0x35: {  	[tilespmem:$0x1410] =	vst v0  }
0x36: {  	v0 =	vld [tilespmem:s19+$0x20];
	_ =	sdelay $0x4  }
0x37: {  	[tilespmem:$0x1420] =	vst v0  }
0x38: {  	v0 =	vld [tilespmem:s19+$0x30];
	_ =	sdelay $0x4  }
0x39: {  	[tilespmem:$0x1430] =	vst v0  }
0x3a: {  	v0 =	vld [tilespmem:s19+$0x40];
	_ =	sdelay $0x4  }
0x3b: {  	[tilespmem:$0x1440] =	vst v0  }
0x3c: {  	v0 =	vld [tilespmem:s19+$0x50];
	_ =	sdelay $0x4  }
0x3d: {  	[tilespmem:$0x1450] =	vst v0  }
0x3e: {  	v0 =	vld [tilespmem:s19+$0x60];
	_ =	sdelay $0x4  }
0x3f: {  	[tilespmem:$0x1460] =	vst v0  }
0x40: {  	v0 =	vld [tilespmem:s19+$0x70];
	_ =	sdelay $0x3  }
.Ltmp0:
0x41: {  	(pc) =	sbr.rel @p0 .LBB2_2-.Ltmp0, $4  }
0x42: {  	[tilespmem:$0x1470] =	vst v0  }
0x43: {  	[spmem:s2] =	stream.indirect.scatter.add.f32 [tilespmem:s10], [sflag:$0x1], $0x80, s14, s13, $0xb8;
	[tilespmem:$0x19080] =	vst v63  }
0x44: {  	_ =	swait.ge [sflag:s9], $0x4000  }
0x45: {  	s18 =	smov.u32 s17;
	[sflag:s9] =	ssyncset.done $0x0  }
0x46: {  	s16 =	sshra.s32 s16, $0x2;
	[sflag:s9] =	ssyncadd.s32 $0xFFFFC000  }
0x47: {  	v0 =	vld [tilespmem:s16+$0x0];
	_ =	sdelay $0x4  }
0x48: {  	[tilespmem:$0x1400] =	vst v0  }
0x49: {  	v0 =	vld [tilespmem:s16+$0x10];
	_ =	sdelay $0x4  }
0x4a: {  	[tilespmem:$0x1410] =	vst v0  }
0x4b: {  	v0 =	vld [tilespmem:s16+$0x20];
	_ =	sdelay $0x4  }
0x4c: {  	[tilespmem:$0x1420] =	vst v0  }
0x4d: {  	v0 =	vld [tilespmem:s16+$0x30];
	_ =	sdelay $0x4  }
0x4e: {  	[tilespmem:$0x1430] =	vst v0  }
0x4f: {  	v0 =	vld [tilespmem:s16+$0x40];
	_ =	sdelay $0x4  }
0x50: {  	[tilespmem:$0x1440] =	vst v0  }
0x51: {  	v0 =	vld [tilespmem:s16+$0x50];
	_ =	sdelay $0x4  }
0x52: {  	[tilespmem:$0x1450] =	vst v0  }
0x53: {  	v0 =	vld [tilespmem:s16+$0x60];
	_ =	sdelay $0x4  }
0x54: {  	[tilespmem:$0x1460] =	vst v0  }
0x55: {  	v0 =	vld [tilespmem:s16+$0x70];
	_ =	sdelay $0x4  }
0x56: {  	[tilespmem:$0x1470] =	vst v0  }
0x57: {  	[spmem:s2] =	stream.indirect.scatter.add.f32 [tilespmem:s10], [sflag:$0x1], $0x80, s14, s13, $0xb8;
	[tilespmem:$0x19080] =	vst v63  }
0x58: {  	_ =	swait.ge [sflag:s9], $0x4000  }
0x59: {  	s15 =	sadd.s32 $0x1, s15;
	[sflag:s9] =	ssyncset.done $0x0  }
0x5a: {  	p0 =	sne.s32 s15, s8;
	[sflag:s9] =	ssyncadd.s32 $0xFFFFC000  }
.Ltmp1:
0x5b: {  	[bflag:$0x0] =	sbarrier.arrive $0xFFFF;
	(pc) =	sbr.rel @p0 .LBB2_1-.Ltmp1, $4  }
0x5c: {  	[hbm:s7], [sflag:s11] =	dma.local [spmem:s12], $0x2780  }
0x5d: {  	_ =	swait.ge [sflag:s9], $0x2780  }
0x5e: {  	[sflag:s9] =	ssyncset.done $0x0  }
0x5f: {  	[sflag:s9] =	ssyncadd.s32 $0xFFFFD880  }
0x60: {  	_ =	sfence.sel $0x180000  }
0x61: {  	[bflag:$0x0] =	sbarrier.arrive $0xFFFF  }
0x62: {  	p0 =	sne.s32 s1, $0x0;
	_ =	strace $0x90000047  }
0x63: {  	s0 =	sadd.s32 @!p0 $0x100000, s0;
	[bflag:$0x2] =	sbarrier.arrive $0xFFFF  }
0x64: {  	[sflag:s0] =	ssyncadd.tile.s32 @!p0 $0x1;
	_ =	shalt  }
.Lfunc_end2:
_tile_overlayer_lowered:
.L_overlay_start_2:
0x65: {  	(tag) =	ssettag $0x2  }
0x66: {  	s0 =	rddreg [dreg:$0x0];
	s2 =	stileid.u32  }
0x67: {  	s1 =	rddreg [dreg:$0x1];
	p0 =	sne.s32 s2, $0x0  }
0x68: {  	s3 =	rddreg [dreg:$0x2];
	[bflag:$0x3] =	sbarrier.arrive $0xFFFF;
	s2 =	simm.s32 @!p0 $0x1C01  }
0x69: {  	[timem:s3], [sflag:s2] =	dma.local @!p0 [hbm:s0], s1  }
0x6a: {  	s0 =	simm.s32 @!p0 $0x1  }
0x6b: {  	_ =	swait.ge @!p0 [sflag:s0], s1  }
0x6c: {  	s1 =	ssub.s32 @!p0 $0x0, s1;
	[sflag:s0] =	ssyncset.done @!p0 $0x0  }
0x6d: {  	[sflag:s0] =	ssyncadd.s32 @!p0 s1  }
0x6e: {  	[bflag:$0x3] =	sbarrier.arrive $0xFFFF  }
0x6f: {  	_ =	shalt  }

</sc_bundles>
